<compile_context>
chip_gen: v7x
topology: tpu7x:2x2x1
jax: 0.10.2.dev20260603
libtpu: 0.0.44.dev20260713+nightly
codegen_flags: <defaults>
</compile_context>

<pallas_src>
import functools

import jax
import jax.numpy as jnp
from jax import lax
from jax.experimental import pallas as pl
from jax.experimental.pallas import tpu as pltpu
from jax.experimental.pallas import tpu_sc as plsc

EPS = 1e-07
INF = 100000.0
CTK = 10
N = 20000
NP = 20480
G = 64
C = 80
BN = 2048
BNR = BN // 128
PAD_COST = 1e9
NEG_BIG = -1e30
POS_BIG = 1e30
HI = jax.lax.Precision.HIGHEST


def _geom(pr_ref, db_ref, gt_ref):
    x = pr_ref[0:1, :]
    y = pr_ref[1:2, :]
    sx = pr_ref[2:3, :]
    sy = pr_ref[3:4, :]
    gx1 = gt_ref[:, 0:1]
    gy1 = gt_ref[:, 1:2]
    gx2 = gt_ref[:, 2:3]
    gy2 = gt_ref[:, 3:4]
    in_gts = (((x - gx1) > 0) & ((y - gy1) > 0)
              & ((gx2 - x) > 0) & ((gy2 - y) > 0))
    gcx = (gx1 + gx2) * 0.5
    gcy = (gy1 + gy2) * 0.5
    r = 2.5
    in_cts = (((x - (gcx - r * sx)) > 0) & ((y - (gcy - r * sy)) > 0)
              & (((gcx + r * sx) - x) > 0) & (((gcy + r * sy) - y) > 0))
    valid = (jnp.any(in_gts, axis=0, keepdims=True)
             | jnp.any(in_cts, axis=0, keepdims=True))
    dx1 = db_ref[0:1, :]
    dy1 = db_ref[1:2, :]
    dx2 = db_ref[2:3, :]
    dy2 = db_ref[3:4, :]
    w = jnp.clip(jnp.minimum(dx2, gx2) - jnp.maximum(dx1, gx1), 0.0, None)
    h = jnp.clip(jnp.minimum(dy2, gy2) - jnp.maximum(dy1, gy1), 0.0, None)
    overlap = w * h
    area_a = (dx2 - dx1) * (dy2 - dy1)
    area_b = (gx2 - gx1) * (gy2 - gy1)
    union = area_a + area_b - overlap
    iou = overlap / jnp.maximum(union, EPS)
    iou = jnp.where(valid, iou, 0.0)
    return iou, in_gts & in_cts, valid


def _iou_kernel(pr_ref, db_ref, gt_ref, iou_ref):
    iou, _, _ = _geom(pr_ref, db_ref, gt_ref)
    iou_ref[...] = iou.reshape(G, BNR, 128)


def _cost_kernel(p_ref, pr_ref, db_ref, gt_ref, lb_ref, cost_ref):
    p = p_ref[...]
    log1m = jnp.log1p(-p)
    ones = jnp.ones((1, C), jnp.float32)
    smlT = lax.dot_general(ones, log1m, (((1,), (1,)), ((), ())),
                           precision=HI)
    oh = (jax.lax.broadcasted_iota(jnp.int32, (G, C), 1)
          == lb_ref[...]).astype(jnp.float32)
    pgT = lax.dot_general(oh, p, (((1,), (1,)), ((), ())),
                          precision=HI)
    logitT = jnp.log(pgT) - jnp.log1p(-pgT)
    clsT = -(logitT + smlT)
    iou, in_bc, valid = _geom(pr_ref, db_ref, gt_ref)
    cost = (clsT + 3.0 * (-jnp.log(iou + EPS))
            + jnp.where(in_bc, 0.0, INF)
            + jnp.where(valid, 0.0, 10.0 * INF))
    lane = (jax.lax.broadcasted_iota(jnp.int32, (1, BN), 1)
            + pl.program_id(0) * BN)
    cost = jnp.where(lane >= N, PAD_COST, cost)
    cost_ref[...] = cost.reshape(G, BNR, 128)


def _prep(pred_scores, priors, decoded_bboxes):
    return (jnp.pad(pred_scores, ((0, NP - N), (0, 0)), constant_values=0.5),
            jnp.pad(priors, ((0, NP - N), (0, 0))).T,
            jnp.pad(decoded_bboxes, ((0, NP - N), (0, 0))).T)


def _pass_a1(pr_t, db_t, gt_bboxes):
    return pl.pallas_call(
        _iou_kernel,
        grid=(NP // BN,),
        in_specs=[
            pl.BlockSpec((4, BN), lambda i: (0, i)),
            pl.BlockSpec((4, BN), lambda i: (0, i)),
            pl.BlockSpec((G, 4), lambda i: (0, 0)),
        ],
        out_specs=pl.BlockSpec((G, BNR, 128), lambda i: (0, i, 0)),
        out_shape=jax.ShapeDtypeStruct((G, NP // 128, 128), jnp.float32),
    )(pr_t, db_t, gt_bboxes)


def _pass_a2(p_pad, pr_t, db_t, gt_bboxes, gt_labels):
    return pl.pallas_call(
        _cost_kernel,
        grid=(NP // BN,),
        in_specs=[
            pl.BlockSpec((BN, C), lambda i: (i, 0)),
            pl.BlockSpec((4, BN), lambda i: (0, i)),
            pl.BlockSpec((4, BN), lambda i: (0, i)),
            pl.BlockSpec((G, 4), lambda i: (0, 0)),
            pl.BlockSpec((G, 1), lambda i: (0, 0)),
        ],
        out_specs=pl.BlockSpec((G, BNR, 128), lambda i: (0, i, 0)),
        out_shape=jax.ShapeDtypeStruct((G, NP // 128, 128), jnp.float32),
    )(p_pad, pr_t, db_t, gt_bboxes, gt_labels.reshape(G, 1))



_NROW = NP // 128


def _lane(vec, i):
    io = jax.lax.iota(jnp.int32, 16)
    return jnp.max(jnp.where(io == i, vec, NEG_BIG))


def _vtree(vs, op):
    while len(vs) > 1:
        vs = [op(vs[2 * i], vs[2 * i + 1]) for i in range(len(vs) // 2)] \
             + vs[len(vs) // 2 * 2:]
    return vs[0]


def _merge_hi(best, vs):
    s = [lax.sort(v) for v in vs]
    while len(s) > 1:
        s = [lax.sort(jnp.maximum(s[2 * i], lax.rev(s[2 * i + 1], (0,))))
             for i in range(len(s) // 2)] + s[len(s) // 2 * 2:]
    return lax.sort(jnp.maximum(best, lax.rev(s[0], (0,))))


def _merge_lo(best, vs):
    s = [lax.sort(v) for v in vs]
    while len(s) > 1:
        s = [lax.sort(jnp.minimum(s[2 * i], lax.rev(s[2 * i + 1], (0,))))
             for i in range(len(s) // 2)] + s[len(s) // 2 * 2:]
    return lax.sort(jnp.minimum(best, lax.rev(s[0], (0,))))


def _dual_scan(bufa, bufb, keep, hi):
    if hi:
        init, red, cmp, merge = NEG_BIG, jnp.max, (lambda m, t: m > t), _merge_hi
        kl = 16 - keep
    else:
        init, red, cmp, merge = POS_BIG, jnp.min, (lambda m, t: m < t), _merge_lo
        kl = keep - 1
    opv = jnp.maximum if hi else jnp.minimum

    def step(r, carry):
        ba, ta, bb, tb = carry
        va = [bufa[r, pl.ds(16 * i, 16)] for i in range(8)]
        vb = [bufb[r, pl.ds(16 * i, 16)] for i in range(8)]
        ma = red(_vtree(list(va), opv))
        mb = red(_vtree(list(vb), opv))

        def doa(_):
            nb = merge(ba, va)
            return nb, _lane(nb, kl)

        def dob(_):
            nb = merge(bb, vb)
            return nb, _lane(nb, kl)

        ba, ta = lax.cond(cmp(ma, ta), doa, lambda _: (ba, ta), 0)
        bb, tb = lax.cond(cmp(mb, tb), dob, lambda _: (bb, tb), 0)
        return ba, ta, bb, tb

    b0 = jnp.full((16,), init, jnp.float32)
    ba, _, bb, _ = lax.fori_loop(0, _NROW, step, (b0, init, b0, init))
    return ba, bb


def _trunc_pos(x):
    xi = x.astype(jnp.int32)
    return xi - (xi.astype(jnp.float32) > x).astype(jnp.int32)


def _sc_dynk(iou_t):
    mesh = plsc.VectorSubcoreMesh(core_axis_name="c", subcore_axis_name="s")

    @functools.partial(
        pl.kernel,
        mesh=mesh,
        compiler_params=pltpu.CompilerParams(needs_layout_passes=False),
        out_type=jax.ShapeDtypeStruct((G, 16), jnp.float32),
        scratch_types=[
            pltpu.VMEM((_NROW, 128), jnp.float32),
            pltpu.VMEM((_NROW, 128), jnp.float32),
            pltpu.VMEM((16,), jnp.float32),
            pltpu.SemaphoreType.DMA,
            pltpu.SemaphoreType.DMA,
        ],
    )
    def sck(iou_hbm, k_hbm, bi0, bi1, tbuf, s0, s1):
        wid = lax.axis_index("s") * 2 + lax.axis_index("c")
        g0 = wid
        g1 = wid + 32
        d0 = pltpu.async_copy(iou_hbm.at[g0], bi0, s0)
        d1 = pltpu.async_copy(iou_hbm.at[g1], bi1, s1)
        d0.wait()
        d1.wait()
        bia, bib = _dual_scan(bi0, bi1, CTK, True)
        io16 = jax.lax.iota(jnp.int32, 16)
        tk = io16 >= 16 - CTK
        k0 = jnp.maximum(_trunc_pos(jnp.sum(jnp.where(tk, bia, 0.0))), 1)
        k1 = jnp.maximum(_trunc_pos(jnp.sum(jnp.where(tk, bib, 0.0))), 1)
        tbuf[...] = jnp.full((16,), 1.0, jnp.float32) * k0.astype(jnp.float32)
        pltpu.sync_copy(tbuf, k_hbm.at[g0])
        tbuf[...] = jnp.full((16,), 1.0, jnp.float32) * k1.astype(jnp.float32)
        pltpu.sync_copy(tbuf, k_hbm.at[g1])

    return sck(iou_t)


def _sc_thresholds(cost_t, kk):
    mesh = plsc.VectorSubcoreMesh(core_axis_name="c", subcore_axis_name="s")

    @functools.partial(
        pl.kernel,
        mesh=mesh,
        compiler_params=pltpu.CompilerParams(needs_layout_passes=False),
        out_type=jax.ShapeDtypeStruct((G, 16), jnp.float32),
        scratch_types=[
            pltpu.VMEM((_NROW, 128), jnp.float32),
            pltpu.VMEM((_NROW, 128), jnp.float32),
            pltpu.VMEM((16,), jnp.float32),
            pltpu.VMEM((16,), jnp.float32),
            pltpu.VMEM((16,), jnp.float32),
            pltpu.SemaphoreType.DMA,
            pltpu.SemaphoreType.DMA,
        ],
    )
    def sck(cost_hbm, k_hbm, t_hbm, bc0, bc1, tbuf, kb0, kb1, s0, s1):
        wid = lax.axis_index("s") * 2 + lax.axis_index("c")
        g0 = wid
        g1 = wid + 32
        d0 = pltpu.async_copy(cost_hbm.at[g0], bc0, s0)
        d1 = pltpu.async_copy(cost_hbm.at[g1], bc1, s1)
        pltpu.sync_copy(k_hbm.at[g0], kb0)
        pltpu.sync_copy(k_hbm.at[g1], kb1)
        k0 = jnp.max(kb0[...]).astype(jnp.int32)
        k1 = jnp.max(kb1[...]).astype(jnp.int32)
        d0.wait()
        d1.wait()
        bca, bcb = _dual_scan(bc0, bc1, CTK, False)
        io16 = jax.lax.iota(jnp.int32, 16)
        t0 = jnp.max(jnp.where(io16 == k0 - 1, bca, NEG_BIG))
        t1 = jnp.max(jnp.where(io16 == k1 - 1, bcb, NEG_BIG))
        tbuf[...] = jnp.full((16,), 1.0, jnp.float32) * t0
        pltpu.sync_copy(tbuf, t_hbm.at[g0])
        tbuf[...] = jnp.full((16,), 1.0, jnp.float32) * t1
        pltpu.sync_copy(tbuf, t_hbm.at[g1])

    return sck(cost_t, kk)



def _assign_kernel(cost_ref, iou_ref, t_ref, gi_ref, lab_ref, giou_ref):
    x = cost_ref[...]
    io = iou_ref[...]
    t = t_ref[...].reshape(G, 1, 1)
    sel = x <= t
    nsel = jnp.sum(sel.astype(jnp.int32), axis=0, keepdims=True)
    gio = jax.lax.broadcasted_iota(jnp.int32, (G, BNR, 128), 0)
    colmin = jnp.min(x, axis=0, keepdims=True)
    amin = jnp.min(jnp.where(x == colmin, gio, 2 ** 30), axis=0,
                   keepdims=True)
    g1 = jnp.min(jnp.where(sel, gio, 2 ** 30), axis=0, keepdims=True)
    assigned = jnp.where(nsel >= 2, amin, g1)
    fg = nsel > 0
    iou_sel = jnp.sum(jnp.where(gio == assigned, io, 0.0), axis=0,
                      keepdims=True)
    gi_ref[...] = jnp.where(fg, assigned, 0)
    lab_ref[...] = jnp.where(fg, 1, -1)
    giou_ref[...] = jnp.where(fg, iou_sel, -INF)


def _pass_b(cost_t, iou_t, t_col):
    return pl.pallas_call(
        _assign_kernel,
        grid=(NP // BN,),
        in_specs=[
            pl.BlockSpec((G, BNR, 128), lambda i: (0, i, 0)),
            pl.BlockSpec((G, BNR, 128), lambda i: (0, i, 0)),
            pl.BlockSpec((G, 1), lambda i: (0, 0)),
        ],
        out_specs=[
            pl.BlockSpec((1, BNR, 128), lambda i: (0, i, 0)),
            pl.BlockSpec((1, BNR, 128), lambda i: (0, i, 0)),
            pl.BlockSpec((1, BNR, 128), lambda i: (0, i, 0)),
        ],
        out_shape=[
            jax.ShapeDtypeStruct((1, NP // 128, 128), jnp.int32),
            jax.ShapeDtypeStruct((1, NP // 128, 128), jnp.int32),
            jax.ShapeDtypeStruct((1, NP // 128, 128), jnp.float32),
        ],
    )(cost_t, iou_t, t_col)


@jax.jit
def kernel(pred_scores, priors, decoded_bboxes, gt_bboxes, gt_labels):
    p_pad, pr_t, db_t = _prep(pred_scores, priors, decoded_bboxes)
    iou_t = _pass_a1(pr_t, db_t, gt_bboxes)
    kk = _sc_dynk(iou_t)
    cost_t = _pass_a2(p_pad, pr_t, db_t, gt_bboxes, gt_labels)
    t16 = _sc_thresholds(cost_t, kk)
    gi, lab, giou = _pass_b(cost_t, iou_t, t16[:, 0:1])
    return (gi.reshape(NP)[:N], lab.reshape(NP)[:N], giou.reshape(NP)[:N])

# --- scband reference (transcript-rebuilt; emitter-appended) ---
"""Pipeline reference for scband-sim-otamatcher-49185965473924 (READ-ONLY COPY).

The authoritative reference and input builder live on the scoring server;
editing this copy changes nothing except your own understanding.
"""

import jax, jax.numpy as jnp
import numpy as np

EPS = 1e-07
INF = 100000.0
CENTER_RADIUS = 2.5
CANDIDATE_TOPK = 10
IOU_WEIGHT = 3.0
CLS_WEIGHT = 1.0


def bbox_iou(a, b):
    lt = jnp.maximum(a[:, None, :2], b[None, :, :2])
    rb = jnp.minimum(a[:, None, 2:], b[None, :, 2:])
    wh = jnp.clip(rb - lt, 0.0, None)
    overlap = wh[..., 0] * wh[..., 1]
    area_a = (a[:, 2] - a[:, 0]) * (a[:, 3] - a[:, 1])
    area_b = (b[:, 2] - b[:, 0]) * (b[:, 3] - b[:, 1])
    union = area_a[:, None] + area_b[None, :] - overlap
    return overlap / jnp.maximum(union, EPS)


def get_in_gt_and_in_center(priors, gt_bboxes):
    x = priors[:, 0][:, None]
    y = priors[:, 1][:, None]
    sx = priors[:, 2][:, None]
    sy = priors[:, 3][:, None]
    l_ = x - gt_bboxes[None, :, 0]
    t_ = y - gt_bboxes[None, :, 1]
    r_ = gt_bboxes[None, :, 2] - x
    b_ = gt_bboxes[None, :, 3] - y
    is_in_gts = jnp.stack([l_, t_, r_, b_], axis=1).min(axis=1) > 0
    is_in_gts_all = is_in_gts.sum(axis=1) > 0
    gt_cx = (gt_bboxes[:, 0] + gt_bboxes[:, 2]) / 2.0
    gt_cy = (gt_bboxes[:, 1] + gt_bboxes[:, 3]) / 2.0
    cl_ = x - (gt_cx[None, :] - CENTER_RADIUS * sx)
    ct_ = y - (gt_cy[None, :] - CENTER_RADIUS * sy)
    cr_ = (gt_cx[None, :] + CENTER_RADIUS * sx) - x
    cb_ = (gt_cy[None, :] + CENTER_RADIUS * sy) - y
    is_in_cts = jnp.stack([cl_, ct_, cr_, cb_], axis=1).min(axis=1) > 0
    is_in_cts_all = is_in_cts.sum(axis=1) > 0
    valid = is_in_gts_all | is_in_cts_all
    return valid, is_in_gts, is_in_cts


def setup_inputs(seed: int = 0) -> dict:
    key = jax.random.key(seed)
    k1, k2, k3, k4, k5, k6 = jax.random.split(key, 6)
    N, C, G = 20000, 80, 64
    img = 640.0
    pred_scores = jax.random.uniform(k1, (N, C), minval=1e-4, maxval=1.0 - 1e-4, dtype=jnp.float32)
    cxy = jax.random.uniform(k2, (N, 2), minval=0.0, maxval=img, dtype=jnp.float32)
    strides = jnp.full((N, 2), 8.0, dtype=jnp.float32)
    priors = jnp.concatenate([cxy, strides], axis=1)
    wh = jax.random.uniform(k3, (N, 2), minval=8.0, maxval=128.0, dtype=jnp.float32)
    decoded_bboxes = jnp.concatenate([cxy - wh / 2.0, cxy + wh / 2.0], axis=1)
    g_cxy = jax.random.uniform(k4, (G, 2), minval=64.0, maxval=img - 64.0, dtype=jnp.float32)
    g_wh = jax.random.uniform(k5, (G, 2), minval=16.0, maxval=128.0, dtype=jnp.float32)
    gt_bboxes = jnp.concatenate([g_cxy - g_wh / 2.0, g_cxy + g_wh / 2.0], axis=1)
    gt_labels = jax.random.randint(k6, (G,), 0, C).astype(jnp.int32)
    return {"pred_scores": pred_scores, "priors": priors, "decoded_bboxes": decoded_bboxes,
            "gt_bboxes": gt_bboxes, "gt_labels": gt_labels}


def reference(pred_scores, priors, decoded_bboxes, gt_bboxes, gt_labels):
    N = decoded_bboxes.shape[0]
    G = gt_bboxes.shape[0]
    valid_mask, is_in_gts, is_in_cts = get_in_gt_and_in_center(priors, gt_bboxes)
    in_bc = is_in_gts & is_in_cts
    pairwise_ious = bbox_iou(decoded_bboxes, gt_bboxes)
    pairwise_ious = jnp.where(valid_mask[:, None], pairwise_ious, 0.0)
    iou_cost = -jnp.log(pairwise_ious + EPS)
    # BCE(vs, one_hot(gt_labels)).sum(-1), computed without materializing [nv, G, C]
    logp = jnp.log(pred_scores)
    log1m = jnp.log1p(-pred_scores)
    sum_log1m = log1m.sum(-1)
    lg = gt_labels.astype(jnp.int32)
    cls_cost = -(logp[:, lg] - log1m[:, lg] + sum_log1m[:, None])
    cost = (cls_cost * CLS_WEIGHT + iou_cost * IOU_WEIGHT
            + (~in_bc).astype(jnp.float32) * INF
            + (~valid_mask)[:, None].astype(jnp.float32) * (10.0 * INF))
    # dynamic-k matching
    ctk = min(CANDIDATE_TOPK, N)
    topk_ious, _ = jax.lax.top_k(pairwise_ious.T, ctk)
    dynamic_ks = jnp.clip(topk_ious.sum(1).astype(jnp.int32), 1, None)
    _, pos = jax.lax.top_k(-cost.T, ctk)
    sel = (jnp.arange(ctk)[None, :] < dynamic_ks[:, None]).astype(jnp.int32)
    matching = jnp.zeros((N, G), dtype=jnp.int32).at[pos, jnp.arange(G)[:, None]].set(sel)
    multi = matching.sum(1) > 1
    cost_argmin = jnp.argmin(cost, axis=1)
    matching = jnp.where(multi[:, None], jax.nn.one_hot(cost_argmin, G, dtype=jnp.int32), matching)
    fg = matching.sum(1) > 0
    matched_gt_inds = jnp.argmax(matching, axis=1)
    matched_pred_ious = (matching.astype(jnp.float32) * pairwise_ious).sum(1)
    assigned_gt_inds = jnp.where(fg, matched_gt_inds.astype(jnp.int32), 0).astype(jnp.int32)
    assigned_labels = jnp.where(fg, 1, -1).astype(jnp.int32)
    assigned_gt_iou = jnp.where(fg, matched_pred_ious, -INF).astype(jnp.float32)
    return assigned_gt_inds, assigned_labels, assigned_gt_iou

if __name__ == "__main__":
    import jax
    _d = setup_inputs()
    print(jax.jit(kernel)(*tuple(_d.values())))

</pallas_src>

<mosaic_0001>
#map = affine_map<(d0, d1) -> (0, 0, 0)>
#map1 = affine_map<(d0, d1) -> (0, 0)>
module attributes {stable_mosaic.version = 14 : i64} {
  func.func @sck(%arg0: i32, %arg1: i32, %arg2: memref<64x160x128xf32, #tpu.memory_space<hbm>>, %arg3: memref<64x16xf32, #tpu.memory_space<hbm>>, %arg4: memref<160x128xf32, #tpu.memory_space<vmem>>, %arg5: memref<160x128xf32, #tpu.memory_space<vmem>>, %arg6: memref<16xf32, #tpu.memory_space<vmem>>, %arg7: memref<!tpu.dma_semaphore, #tpu.memory_space<semaphore_mem>>, %arg8: memref<!tpu.dma_semaphore, #tpu.memory_space<semaphore_mem>>) attributes {dimension_semantics = [#tpu.dimension_semantics<core_parallel>, #tpu.dimension_semantics<subcore_parallel>], iteration_bounds = array<i64: 2, 16>, scalar_prefetch = 0 : i64, scratch_operands = 5 : i64, tpu.core_type = #tpu.core_type<sc_vector_subcore>, window_params = [{transform_indices = #map}, {transform_indices = #map1}]} {
    %mul3A = arith.constant 2 : i32
    %mul3A_0 = arith.muli %arg1, %mul3A : i32
    %add3A = arith.addi %mul3A_0, %arg0 : i32
    %add3A_1 = arith.constant 32 : i32
    %add3A_2 = arith.addi %add3A, %add3A_1 : i32
    %dma_start3A = arith.constant 0 : i32
    %dma_start3A_3 = arith.constant 0 : i32
    %dma_start3A_4 = tpu.memref_slice %arg2[%add3A, %dma_start3A, %dma_start3A_3] : memref<64x160x128xf32, #tpu.memory_space<hbm>> -> memref<1x160x128xf32, #tpu.memory_space<hbm>>
    %dma_start3A_5 = tpu.memref_squeeze %dma_start3A_4 : memref<1x160x128xf32, #tpu.memory_space<hbm>> -> memref<160x128xf32, #tpu.memory_space<hbm>>
    %dma_start3A_6 = arith.constant 0 : i32
    %dma_start3A_7 = arith.constant 0 : i32
    %dma_start3A_8 = tpu.memref_slice %arg2[%add3A, %dma_start3A_6, %dma_start3A_7] : memref<64x160x128xf32, #tpu.memory_space<hbm>> -> memref<1x160x128xf32, #tpu.memory_space<hbm>>
    %dma_start3A_9 = tpu.memref_squeeze %dma_start3A_8 : memref<1x160x128xf32, #tpu.memory_space<hbm>> -> memref<160x128xf32, #tpu.memory_space<hbm>>
    tpu.enqueue_dma source(%dma_start3A_9 : memref<160x128xf32, #tpu.memory_space<hbm>>) target(%arg4 : memref<160x128xf32, #tpu.memory_space<vmem>>) target_semaphore(%arg7 : memref<!tpu.dma_semaphore, #tpu.memory_space<semaphore_mem>>)
    %dma_start3A_10 = arith.constant 0 : i32
    %dma_start3A_11 = arith.constant 0 : i32
    %dma_start3A_12 = tpu.memref_slice %arg2[%add3A_2, %dma_start3A_10, %dma_start3A_11] : memref<64x160x128xf32, #tpu.memory_space<hbm>> -> memref<1x160x128xf32, #tpu.memory_space<hbm>>
    %dma_start3A_13 = tpu.memref_squeeze %dma_start3A_12 : memref<1x160x128xf32, #tpu.memory_space<hbm>> -> memref<160x128xf32, #tpu.memory_space<hbm>>
    %dma_start3A_14 = arith.constant 0 : i32
    %dma_start3A_15 = arith.constant 0 : i32
    %dma_start3A_16 = tpu.memref_slice %arg2[%add3A_2, %dma_start3A_14, %dma_start3A_15] : memref<64x160x128xf32, #tpu.memory_space<hbm>> -> memref<1x160x128xf32, #tpu.memory_space<hbm>>
    %dma_start3A_17 = tpu.memref_squeeze %dma_start3A_16 : memref<1x160x128xf32, #tpu.memory_space<hbm>> -> memref<160x128xf32, #tpu.memory_space<hbm>>
    tpu.enqueue_dma source(%dma_start3A_17 : memref<160x128xf32, #tpu.memory_space<hbm>>) target(%arg5 : memref<160x128xf32, #tpu.memory_space<vmem>>) target_semaphore(%arg8 : memref<!tpu.dma_semaphore, #tpu.memory_space<semaphore_mem>>)
    %dma_wait3A = arith.constant 0 : i32
    %dma_wait3A_18 = arith.constant 0 : i32
    %dma_wait3A_19 = tpu.memref_slice %arg2[%add3A, %dma_wait3A, %dma_wait3A_18] : memref<64x160x128xf32, #tpu.memory_space<hbm>> -> memref<1x160x128xf32, #tpu.memory_space<hbm>>
    %dma_wait3A_20 = tpu.memref_squeeze %dma_wait3A_19 : memref<1x160x128xf32, #tpu.memory_space<hbm>> -> memref<160x128xf32, #tpu.memory_space<hbm>>
    %dma_wait3A_21 = arith.constant 0 : i32
    %dma_wait3A_22 = arith.constant 0 : i32
    %dma_wait3A_23 = tpu.memref_slice %arg2[%add3A, %dma_wait3A_21, %dma_wait3A_22] : memref<64x160x128xf32, #tpu.memory_space<hbm>> -> memref<1x160x128xf32, #tpu.memory_space<hbm>>
    %dma_wait3A_24 = tpu.memref_squeeze %dma_wait3A_23 : memref<1x160x128xf32, #tpu.memory_space<hbm>> -> memref<160x128xf32, #tpu.memory_space<hbm>>
    tpu.wait_dma2 semaphore(%arg7 : memref<!tpu.dma_semaphore, #tpu.memory_space<semaphore_mem>>) src(%dma_wait3A_24 : memref<160x128xf32, #tpu.memory_space<hbm>>) dst(%arg4 : memref<160x128xf32, #tpu.memory_space<vmem>>)
    %dma_wait3A_25 = arith.constant 0 : i32
    %dma_wait3A_26 = arith.constant 0 : i32
    %dma_wait3A_27 = tpu.memref_slice %arg2[%add3A_2, %dma_wait3A_25, %dma_wait3A_26] : memref<64x160x128xf32, #tpu.memory_space<hbm>> -> memref<1x160x128xf32, #tpu.memory_space<hbm>>
    %dma_wait3A_28 = tpu.memref_squeeze %dma_wait3A_27 : memref<1x160x128xf32, #tpu.memory_space<hbm>> -> memref<160x128xf32, #tpu.memory_space<hbm>>
    %dma_wait3A_29 = arith.constant 0 : i32
    %dma_wait3A_30 = arith.constant 0 : i32
    %dma_wait3A_31 = tpu.memref_slice %arg2[%add3A_2, %dma_wait3A_29, %dma_wait3A_30] : memref<64x160x128xf32, #tpu.memory_space<hbm>> -> memref<1x160x128xf32, #tpu.memory_space<hbm>>
    %dma_wait3A_32 = tpu.memref_squeeze %dma_wait3A_31 : memref<1x160x128xf32, #tpu.memory_space<hbm>> -> memref<160x128xf32, #tpu.memory_space<hbm>>
    tpu.wait_dma2 semaphore(%arg8 : memref<!tpu.dma_semaphore, #tpu.memory_space<semaphore_mem>>) src(%dma_wait3A_32 : memref<160x128xf32, #tpu.memory_space<hbm>>) dst(%arg5 : memref<160x128xf32, #tpu.memory_space<vmem>>)
    %broadcast_in_dim3A = arith.constant -1.000000e+30 : f32
    %broadcast_in_dim3A_33 = vector.broadcast %broadcast_in_dim3A : f32 to vector<16xf32>
    %scan3A = arith.constant -1.000000e+30 : f32
    %scan3A_34 = arith.constant -1.000000e+30 : f32
    %scan3A_35 = arith.constant 0 : i32
    %scan3A_36 = arith.constant 160 : i32
    %scan3A_37 = arith.addi %scan3A_35, %scan3A_36 : i32
    %scan3A_38 = arith.constant 1 : i32
    %scan3A_39:4 = scf.for %scan3A_77 = %scan3A_35 to %scan3A_37 step %scan3A_38 iter_args(%scan3A_78 = %broadcast_in_dim3A_33, %scan3A_79 = %scan3A, %scan3A_80 = %broadcast_in_dim3A_33, %scan3A_81 = %scan3A_34) -> (vector<16xf32>, f32, vector<16xf32>, f32)  : i32 {
      %get3A = arith.index_cast %scan3A_77 : i32 to index
      %get3A_82 = arith.constant 0 : index
      %get3A_83 = tpu.vector_load %arg4[%get3A, %get3A_82] {strides = array<i32>} : memref<160x128xf32, #tpu.memory_space<vmem>>, vector<16xf32>,
      %get3A_84 = arith.index_cast %scan3A_77 : i32 to index
      %get3A_85 = arith.constant 16 : index
      %get3A_86 = tpu.vector_load %arg4[%get3A_84, %get3A_85] {strides = array<i32>} : memref<160x128xf32, #tpu.memory_space<vmem>>, vector<16xf32>,
      %get3A_87 = arith.index_cast %scan3A_77 : i32 to index
      %get3A_88 = arith.constant 32 : index
      %get3A_89 = tpu.vector_load %arg4[%get3A_87, %get3A_88] {strides = array<i32>} : memref<160x128xf32, #tpu.memory_space<vmem>>, vector<16xf32>,
      %get3A_90 = arith.index_cast %scan3A_77 : i32 to index
      %get3A_91 = arith.constant 48 : index
      %get3A_92 = tpu.vector_load %arg4[%get3A_90, %get3A_91] {strides = array<i32>} : memref<160x128xf32, #tpu.memory_space<vmem>>, vector<16xf32>,
      %get3A_93 = arith.index_cast %scan3A_77 : i32 to index
      %get3A_94 = arith.constant 64 : index
      %get3A_95 = tpu.vector_load %arg4[%get3A_93, %get3A_94] {strides = array<i32>} : memref<160x128xf32, #tpu.memory_space<vmem>>, vector<16xf32>,
      %get3A_96 = arith.index_cast %scan3A_77 : i32 to index
      %get3A_97 = arith.constant 80 : index
      %get3A_98 = tpu.vector_load %arg4[%get3A_96, %get3A_97] {strides = array<i32>} : memref<160x128xf32, #tpu.memory_space<vmem>>, vector<16xf32>,
      %get3A_99 = arith.index_cast %scan3A_77 : i32 to index
      %get3A_100 = arith.constant 96 : index
      %get3A_101 = tpu.vector_load %arg4[%get3A_99, %get3A_100] {strides = array<i32>} : memref<160x128xf32, #tpu.memory_space<vmem>>, vector<16xf32>,
      %get3A_102 = arith.index_cast %scan3A_77 : i32 to index
      %get3A_103 = arith.constant 112 : index
      %get3A_104 = tpu.vector_load %arg4[%get3A_102, %get3A_103] {strides = array<i32>} : memref<160x128xf32, #tpu.memory_space<vmem>>, vector<16xf32>,
      %get3A_105 = arith.index_cast %scan3A_77 : i32 to index
      %get3A_106 = arith.constant 0 : index
      %get3A_107 = tpu.vector_load %arg5[%get3A_105, %get3A_106] {strides = array<i32>} : memref<160x128xf32, #tpu.memory_space<vmem>>, vector<16xf32>,
      %get3A_108 = arith.index_cast %scan3A_77 : i32 to index
      %get3A_109 = arith.constant 16 : index
      %get3A_110 = tpu.vector_load %arg5[%get3A_108, %get3A_109] {strides = array<i32>} : memref<160x128xf32, #tpu.memory_space<vmem>>, vector<16xf32>,
      %get3A_111 = arith.index_cast %scan3A_77 : i32 to index
      %get3A_112 = arith.constant 32 : index
      %get3A_113 = tpu.vector_load %arg5[%get3A_111, %get3A_112] {strides = array<i32>} : memref<160x128xf32, #tpu.memory_space<vmem>>, vector<16xf32>,
      %get3A_114 = arith.index_cast %scan3A_77 : i32 to index
      %get3A_115 = arith.constant 48 : index
      %get3A_116 = tpu.vector_load %arg5[%get3A_114, %get3A_115] {strides = array<i32>} : memref<160x128xf32, #tpu.memory_space<vmem>>, vector<16xf32>,
      %get3A_117 = arith.index_cast %scan3A_77 : i32 to index
      %get3A_118 = arith.constant 64 : index
      %get3A_119 = tpu.vector_load %arg5[%get3A_117, %get3A_118] {strides = array<i32>} : memref<160x128xf32, #tpu.memory_space<vmem>>, vector<16xf32>,
      %get3A_120 = arith.index_cast %scan3A_77 : i32 to index
      %get3A_121 = arith.constant 80 : index
      %get3A_122 = tpu.vector_load %arg5[%get3A_120, %get3A_121] {strides = array<i32>} : memref<160x128xf32, #tpu.memory_space<vmem>>, vector<16xf32>,
      %get3A_123 = arith.index_cast %scan3A_77 : i32 to index
      %get3A_124 = arith.constant 96 : index
      %get3A_125 = tpu.vector_load %arg5[%get3A_123, %get3A_124] {strides = array<i32>} : memref<160x128xf32, #tpu.memory_space<vmem>>, vector<16xf32>,
      %get3A_126 = arith.index_cast %scan3A_77 : i32 to index
      %get3A_127 = arith.constant 112 : index
      %get3A_128 = tpu.vector_load %arg5[%get3A_126, %get3A_127] {strides = array<i32>} : memref<160x128xf32, #tpu.memory_space<vmem>>, vector<16xf32>,
      %max3A_129 = arith.maximumf %get3A_83, %get3A_86 : vector<16xf32>
      %max3A_130 = arith.maximumf %get3A_89, %get3A_92 : vector<16xf32>
      %max3A_131 = arith.maximumf %get3A_95, %get3A_98 : vector<16xf32>
      %max3A_132 = arith.maximumf %get3A_101, %get3A_104 : vector<16xf32>
      %max3A_133 = arith.maximumf %max3A_129, %max3A_130 : vector<16xf32>
      %max3A_134 = arith.maximumf %max3A_131, %max3A_132 : vector<16xf32>
      %max3A_135 = arith.maximumf %max3A_133, %max3A_134 : vector<16xf32>
      %reduce_max3A = arith.constant true
      %reduce_max3A_136 = vector.broadcast %reduce_max3A : i1 to vector<16xi1>
      %reduce_max3A_137 = tpu.scan <max>, %max3A_135 masked %reduce_max3A_136 : vector<16xf32>, vector<16xi1> -> vector<16xf32>
      %reduce_max3A_138 = vector.extract %reduce_max3A_137[15] : f32 from vector<16xf32>
      %max3A_139 = arith.maximumf %get3A_107, %get3A_110 : vector<16xf32>
      %max3A_140 = arith.maximumf %get3A_113, %get3A_116 : vector<16xf32>
      %max3A_141 = arith.maximumf %get3A_119, %get3A_122 : vector<16xf32>
      %max3A_142 = arith.maximumf %get3A_125, %get3A_128 : vector<16xf32>
      %max3A_143 = arith.maximumf %max3A_139, %max3A_140 : vector<16xf32>
      %max3A_144 = arith.maximumf %max3A_141, %max3A_142 : vector<16xf32>
      %max3A_145 = arith.maximumf %max3A_143, %max3A_144 : vector<16xf32>
      %reduce_max3A_146 = arith.constant true
      %reduce_max3A_147 = vector.broadcast %reduce_max3A_146 : i1 to vector<16xi1>
      %reduce_max3A_148 = tpu.scan <max>, %max3A_145 masked %reduce_max3A_147 : vector<16xf32>, vector<16xi1> -> vector<16xf32>
      %reduce_max3A_149 = vector.extract %reduce_max3A_148[15] : f32 from vector<16xf32>
      %gt3A_150 = arith.cmpf ogt, %reduce_max3A_138, %scan3A_79 : f32
      %convert_element_type3A_151 = arith.extui %gt3A_150 : i1 to i32
      %cond3A = arith.constant 0 : i32
      %cond3A_152 = arith.constant 0 : i32
      %cond3A_153 = arith.cmpi ne, %convert_element_type3A_151, %cond3A_152 : i32
      %cond3A_154:2 = scf.if %cond3A_153 -> (vector<16xf32>, f32) {
        %sort3A = arith.constant dense<true> : vector<16xi1>
        %sort3A_161, %sort3A_162, %sort3A_163 = tpu.sort %get3A_83, %get3A_83 masked %sort3A : (vector<16xf32>, vector<16xf32>, vector<16xi1>) -> (vector<16xi1>, vector<16xf32>, vector<16xf32>)
        %sort3A_164 = arith.constant dense<true> : vector<16xi1>
        %sort3A_165, %sort3A_166, %sort3A_167 = tpu.sort %get3A_86, %get3A_86 masked %sort3A_164 : (vector<16xf32>, vector<16xf32>, vector<16xi1>) -> (vector<16xi1>, vector<16xf32>, vector<16xf32>)
        %sort3A_168 = arith.constant dense<true> : vector<16xi1>
        %sort3A_169, %sort3A_170, %sort3A_171 = tpu.sort %get3A_89, %get3A_89 masked %sort3A_168 : (vector<16xf32>, vector<16xf32>, vector<16xi1>) -> (vector<16xi1>, vector<16xf32>, vector<16xf32>)
        %sort3A_172 = arith.constant dense<true> : vector<16xi1>
        %sort3A_173, %sort3A_174, %sort3A_175 = tpu.sort %get3A_92, %get3A_92 masked %sort3A_172 : (vector<16xf32>, vector<16xf32>, vector<16xi1>) -> (vector<16xi1>, vector<16xf32>, vector<16xf32>)
        %sort3A_176 = arith.constant dense<true> : vector<16xi1>
        %sort3A_177, %sort3A_178, %sort3A_179 = tpu.sort %get3A_95, %get3A_95 masked %sort3A_176 : (vector<16xf32>, vector<16xf32>, vector<16xi1>) -> (vector<16xi1>, vector<16xf32>, vector<16xf32>)
        %sort3A_180 = arith.constant dense<true> : vector<16xi1>
        %sort3A_181, %sort3A_182, %sort3A_183 = tpu.sort %get3A_98, %get3A_98 masked %sort3A_180 : (vector<16xf32>, vector<16xf32>, vector<16xi1>) -> (vector<16xi1>, vector<16xf32>, vector<16xf32>)
        %sort3A_184 = arith.constant dense<true> : vector<16xi1>
        %sort3A_185, %sort3A_186, %sort3A_187 = tpu.sort %get3A_101, %get3A_101 masked %sort3A_184 : (vector<16xf32>, vector<16xf32>, vector<16xi1>) -> (vector<16xi1>, vector<16xf32>, vector<16xf32>)
        %sort3A_188 = arith.constant dense<true> : vector<16xi1>
        %sort3A_189, %sort3A_190, %sort3A_191 = tpu.sort %get3A_104, %get3A_104 masked %sort3A_188 : (vector<16xf32>, vector<16xf32>, vector<16xi1>) -> (vector<16xi1>, vector<16xf32>, vector<16xf32>)
        %rev3A = arith.constant 15 : i32
        %rev3A_192 = vector.broadcast %rev3A : i32 to vector<16xi32>
        %rev3A_193 = tpu.iota {dimensions = array<i32: 0>} : vector<16xi32>
        %rev3A_194 = arith.subi %rev3A_192, %rev3A_193 : vector<16xi32>
        %rev3A_195 = tpu.dynamic_gather %sort3A_166[%rev3A_194] in [0] : vector<16xf32>, vector<16xi32> -> vector<16xf32>
        %max3A_196 = arith.maximumf %sort3A_162, %rev3A_195 : vector<16xf32>
        %sort3A_197 = arith.constant dense<true> : vector<16xi1>
        %sort3A_198, %sort3A_199, %sort3A_200 = tpu.sort %max3A_196, %max3A_196 masked %sort3A_197 : (vector<16xf32>, vector<16xf32>, vector<16xi1>) -> (vector<16xi1>, vector<16xf32>, vector<16xf32>)
        %rev3A_201 = arith.constant 15 : i32
        %rev3A_202 = vector.broadcast %rev3A_201 : i32 to vector<16xi32>
        %rev3A_203 = tpu.iota {dimensions = array<i32: 0>} : vector<16xi32>
        %rev3A_204 = arith.subi %rev3A_202, %rev3A_203 : vector<16xi32>
        %rev3A_205 = tpu.dynamic_gather %sort3A_174[%rev3A_204] in [0] : vector<16xf32>, vector<16xi32> -> vector<16xf32>
        %max3A_206 = arith.maximumf %sort3A_170, %rev3A_205 : vector<16xf32>
        %sort3A_207 = arith.constant dense<true> : vector<16xi1>
        %sort3A_208, %sort3A_209, %sort3A_210 = tpu.sort %max3A_206, %max3A_206 masked %sort3A_207 : (vector<16xf32>, vector<16xf32>, vector<16xi1>) -> (vector<16xi1>, vector<16xf32>, vector<16xf32>)
        %rev3A_211 = arith.constant 15 : i32
        %rev3A_212 = vector.broadcast %rev3A_211 : i32 to vector<16xi32>
        %rev3A_213 = tpu.iota {dimensions = array<i32: 0>} : vector<16xi32>
        %rev3A_214 = arith.subi %rev3A_212, %rev3A_213 : vector<16xi32>
        %rev3A_215 = tpu.dynamic_gather %sort3A_182[%rev3A_214] in [0] : vector<16xf32>, vector<16xi32> -> vector<16xf32>
        %max3A_216 = arith.maximumf %sort3A_178, %rev3A_215 : vector<16xf32>
        %sort3A_217 = arith.constant dense<true> : vector<16xi1>
        %sort3A_218, %sort3A_219, %sort3A_220 = tpu.sort %max3A_216, %max3A_216 masked %sort3A_217 : (vector<16xf32>, vector<16xf32>, vector<16xi1>) -> (vector<16xi1>, vector<16xf32>, vector<16xf32>)
        %rev3A_221 = arith.constant 15 : i32
        %rev3A_222 = vector.broadcast %rev3A_221 : i32 to vector<16xi32>
        %rev3A_223 = tpu.iota {dimensions = array<i32: 0>} : vector<16xi32>
        %rev3A_224 = arith.subi %rev3A_222, %rev3A_223 : vector<16xi32>
        %rev3A_225 = tpu.dynamic_gather %sort3A_190[%rev3A_224] in [0] : vector<16xf32>, vector<16xi32> -> vector<16xf32>
        %max3A_226 = arith.maximumf %sort3A_186, %rev3A_225 : vector<16xf32>
        %sort3A_227 = arith.constant dense<true> : vector<16xi1>
        %sort3A_228, %sort3A_229, %sort3A_230 = tpu.sort %max3A_226, %max3A_226 masked %sort3A_227 : (vector<16xf32>, vector<16xf32>, vector<16xi1>) -> (vector<16xi1>, vector<16xf32>, vector<16xf32>)
        %rev3A_231 = arith.constant 15 : i32
        %rev3A_232 = vector.broadcast %rev3A_231 : i32 to vector<16xi32>
        %rev3A_233 = tpu.iota {dimensions = array<i32: 0>} : vector<16xi32>
        %rev3A_234 = arith.subi %rev3A_232, %rev3A_233 : vector<16xi32>
        %rev3A_235 = tpu.dynamic_gather %sort3A_209[%rev3A_234] in [0] : vector<16xf32>, vector<16xi32> -> vector<16xf32>
        %max3A_236 = arith.maximumf %sort3A_199, %rev3A_235 : vector<16xf32>
        %sort3A_237 = arith.constant dense<true> : vector<16xi1>
        %sort3A_238, %sort3A_239, %sort3A_240 = tpu.sort %max3A_236, %max3A_236 masked %sort3A_237 : (vector<16xf32>, vector<16xf32>, vector<16xi1>) -> (vector<16xi1>, vector<16xf32>, vector<16xf32>)
        %rev3A_241 = arith.constant 15 : i32
        %rev3A_242 = vector.broadcast %rev3A_241 : i32 to vector<16xi32>
        %rev3A_243 = tpu.iota {dimensions = array<i32: 0>} : vector<16xi32>
        %rev3A_244 = arith.subi %rev3A_242, %rev3A_243 : vector<16xi32>
        %rev3A_245 = tpu.dynamic_gather %sort3A_229[%rev3A_244] in [0] : vector<16xf32>, vector<16xi32> -> vector<16xf32>
        %max3A_246 = arith.maximumf %sort3A_219, %rev3A_245 : vector<16xf32>
        %sort3A_247 = arith.constant dense<true> : vector<16xi1>
        %sort3A_248, %sort3A_249, %sort3A_250 = tpu.sort %max3A_246, %max3A_246 masked %sort3A_247 : (vector<16xf32>, vector<16xf32>, vector<16xi1>) -> (vector<16xi1>, vector<16xf32>, vector<16xf32>)
        %rev3A_251 = arith.constant 15 : i32
        %rev3A_252 = vector.broadcast %rev3A_251 : i32 to vector<16xi32>
        %rev3A_253 = tpu.iota {dimensions = array<i32: 0>} : vector<16xi32>
        %rev3A_254 = arith.subi %rev3A_252, %rev3A_253 : vector<16xi32>
        %rev3A_255 = tpu.dynamic_gather %sort3A_249[%rev3A_254] in [0] : vector<16xf32>, vector<16xi32> -> vector<16xf32>
        %max3A_256 = arith.maximumf %sort3A_239, %rev3A_255 : vector<16xf32>
        %sort3A_257 = arith.constant dense<true> : vector<16xi1>
        %sort3A_258, %sort3A_259, %sort3A_260 = tpu.sort %max3A_256, %max3A_256 masked %sort3A_257 : (vector<16xf32>, vector<16xf32>, vector<16xi1>) -> (vector<16xi1>, vector<16xf32>, vector<16xf32>)
        %rev3A_261 = arith.constant 15 : i32
        %rev3A_262 = vector.broadcast %rev3A_261 : i32 to vector<16xi32>
        %rev3A_263 = tpu.iota {dimensions = array<i32: 0>} : vector<16xi32>
        %rev3A_264 = arith.subi %rev3A_262, %rev3A_263 : vector<16xi32>
        %rev3A_265 = tpu.dynamic_gather %sort3A_259[%rev3A_264] in [0] : vector<16xf32>, vector<16xi32> -> vector<16xf32>
        %max3A_266 = arith.maximumf %scan3A_78, %rev3A_265 : vector<16xf32>
        %sort3A_267 = arith.constant dense<true> : vector<16xi1>
        %sort3A_268, %sort3A_269, %sort3A_270 = tpu.sort %max3A_266, %max3A_266 masked %sort3A_267 : (vector<16xf32>, vector<16xf32>, vector<16xi1>) -> (vector<16xi1>, vector<16xf32>, vector<16xf32>)
        %iota3A_271 = tpu.iota {dimensions = array<i32: 0>} : vector<16xi32>
        %eq3A = arith.constant 6 : i32
        %eq3A_272 = vector.broadcast %eq3A : i32 to vector<16xi32>
        %eq3A_273 = arith.cmpi eq, %iota3A_271, %eq3A_272 : vector<16xi32>
        %jit3A_274 = arith.constant -1.000000e+30 : f32
        %broadcast_in_dim3A_275 = vector.broadcast %jit3A_274 : f32 to vector<16xf32>
        %select_n3A_276 = arith.select %eq3A_273, %sort3A_269, %broadcast_in_dim3A_275 : vector<16xi1>, vector<16xf32>
        %reduce_max3A_277 = arith.constant true
        %reduce_max3A_278 = vector.broadcast %reduce_max3A_277 : i1 to vector<16xi1>
        %reduce_max3A_279 = tpu.scan <max>, %select_n3A_276 masked %reduce_max3A_278 : vector<16xf32>, vector<16xi1> -> vector<16xf32>
        %reduce_max3A_280 = vector.extract %reduce_max3A_279[15] : f32 from vector<16xf32>
        scf.yield %sort3A_269, %reduce_max3A_280 : vector<16xf32>, f32
      } else {
        scf.yield %scan3A_78, %scan3A_79 : vector<16xf32>, f32
      }
      %gt3A_155 = arith.cmpf ogt, %reduce_max3A_149, %scan3A_81 : f32
      %convert_element_type3A_156 = arith.extui %gt3A_155 : i1 to i32
      %cond3A_157 = arith.constant 0 : i32
      %cond3A_158 = arith.constant 0 : i32
      %cond3A_159 = arith.cmpi ne, %convert_element_type3A_156, %cond3A_158 : i32
      %cond3A_160:2 = scf.if %cond3A_159 -> (vector<16xf32>, f32) {
        %sort3A = arith.constant dense<true> : vector<16xi1>
        %sort3A_161, %sort3A_162, %sort3A_163 = tpu.sort %get3A_107, %get3A_107 masked %sort3A : (vector<16xf32>, vector<16xf32>, vector<16xi1>) -> (vector<16xi1>, vector<16xf32>, vector<16xf32>)
        %sort3A_164 = arith.constant dense<true> : vector<16xi1>
        %sort3A_165, %sort3A_166, %sort3A_167 = tpu.sort %get3A_110, %get3A_110 masked %sort3A_164 : (vector<16xf32>, vector<16xf32>, vector<16xi1>) -> (vector<16xi1>, vector<16xf32>, vector<16xf32>)
        %sort3A_168 = arith.constant dense<true> : vector<16xi1>
        %sort3A_169, %sort3A_170, %sort3A_171 = tpu.sort %get3A_113, %get3A_113 masked %sort3A_168 : (vector<16xf32>, vector<16xf32>, vector<16xi1>) -> (vector<16xi1>, vector<16xf32>, vector<16xf32>)
        %sort3A_172 = arith.constant dense<true> : vector<16xi1>
        %sort3A_173, %sort3A_174, %sort3A_175 = tpu.sort %get3A_116, %get3A_116 masked %sort3A_172 : (vector<16xf32>, vector<16xf32>, vector<16xi1>) -> (vector<16xi1>, vector<16xf32>, vector<16xf32>)
        %sort3A_176 = arith.constant dense<true> : vector<16xi1>
        %sort3A_177, %sort3A_178, %sort3A_179 = tpu.sort %get3A_119, %get3A_119 masked %sort3A_176 : (vector<16xf32>, vector<16xf32>, vector<16xi1>) -> (vector<16xi1>, vector<16xf32>, vector<16xf32>)
        %sort3A_180 = arith.constant dense<true> : vector<16xi1>
        %sort3A_181, %sort3A_182, %sort3A_183 = tpu.sort %get3A_122, %get3A_122 masked %sort3A_180 : (vector<16xf32>, vector<16xf32>, vector<16xi1>) -> (vector<16xi1>, vector<16xf32>, vector<16xf32>)
        %sort3A_184 = arith.constant dense<true> : vector<16xi1>
        %sort3A_185, %sort3A_186, %sort3A_187 = tpu.sort %get3A_125, %get3A_125 masked %sort3A_184 : (vector<16xf32>, vector<16xf32>, vector<16xi1>) -> (vector<16xi1>, vector<16xf32>, vector<16xf32>)
        %sort3A_188 = arith.constant dense<true> : vector<16xi1>
        %sort3A_189, %sort3A_190, %sort3A_191 = tpu.sort %get3A_128, %get3A_128 masked %sort3A_188 : (vector<16xf32>, vector<16xf32>, vector<16xi1>) -> (vector<16xi1>, vector<16xf32>, vector<16xf32>)
        %rev3A = arith.constant 15 : i32
        %rev3A_192 = vector.broadcast %rev3A : i32 to vector<16xi32>
        %rev3A_193 = tpu.iota {dimensions = array<i32: 0>} : vector<16xi32>
        %rev3A_194 = arith.subi %rev3A_192, %rev3A_193 : vector<16xi32>
        %rev3A_195 = tpu.dynamic_gather %sort3A_166[%rev3A_194] in [0] : vector<16xf32>, vector<16xi32> -> vector<16xf32>
        %max3A_196 = arith.maximumf %sort3A_162, %rev3A_195 : vector<16xf32>
        %sort3A_197 = arith.constant dense<true> : vector<16xi1>
        %sort3A_198, %sort3A_199, %sort3A_200 = tpu.sort %max3A_196, %max3A_196 masked %sort3A_197 : (vector<16xf32>, vector<16xf32>, vector<16xi1>) -> (vector<16xi1>, vector<16xf32>, vector<16xf32>)
        %rev3A_201 = arith.constant 15 : i32
        %rev3A_202 = vector.broadcast %rev3A_201 : i32 to vector<16xi32>
        %rev3A_203 = tpu.iota {dimensions = array<i32: 0>} : vector<16xi32>
        %rev3A_204 = arith.subi %rev3A_202, %rev3A_203 : vector<16xi32>
        %rev3A_205 = tpu.dynamic_gather %sort3A_174[%rev3A_204] in [0] : vector<16xf32>, vector<16xi32> -> vector<16xf32>
        %max3A_206 = arith.maximumf %sort3A_170, %rev3A_205 : vector<16xf32>
        %sort3A_207 = arith.constant dense<true> : vector<16xi1>
        %sort3A_208, %sort3A_209, %sort3A_210 = tpu.sort %max3A_206, %max3A_206 masked %sort3A_207 : (vector<16xf32>, vector<16xf32>, vector<16xi1>) -> (vector<16xi1>, vector<16xf32>, vector<16xf32>)
        %rev3A_211 = arith.constant 15 : i32
        %rev3A_212 = vector.broadcast %rev3A_211 : i32 to vector<16xi32>
        %rev3A_213 = tpu.iota {dimensions = array<i32: 0>} : vector<16xi32>
        %rev3A_214 = arith.subi %rev3A_212, %rev3A_213 : vector<16xi32>
        %rev3A_215 = tpu.dynamic_gather %sort3A_182[%rev3A_214] in [0] : vector<16xf32>, vector<16xi32> -> vector<16xf32>
        %max3A_216 = arith.maximumf %sort3A_178, %rev3A_215 : vector<16xf32>
        %sort3A_217 = arith.constant dense<true> : vector<16xi1>
        %sort3A_218, %sort3A_219, %sort3A_220 = tpu.sort %max3A_216, %max3A_216 masked %sort3A_217 : (vector<16xf32>, vector<16xf32>, vector<16xi1>) -> (vector<16xi1>, vector<16xf32>, vector<16xf32>)
        %rev3A_221 = arith.constant 15 : i32
        %rev3A_222 = vector.broadcast %rev3A_221 : i32 to vector<16xi32>
        %rev3A_223 = tpu.iota {dimensions = array<i32: 0>} : vector<16xi32>
        %rev3A_224 = arith.subi %rev3A_222, %rev3A_223 : vector<16xi32>
        %rev3A_225 = tpu.dynamic_gather %sort3A_190[%rev3A_224] in [0] : vector<16xf32>, vector<16xi32> -> vector<16xf32>
        %max3A_226 = arith.maximumf %sort3A_186, %rev3A_225 : vector<16xf32>
        %sort3A_227 = arith.constant dense<true> : vector<16xi1>
        %sort3A_228, %sort3A_229, %sort3A_230 = tpu.sort %max3A_226, %max3A_226 masked %sort3A_227 : (vector<16xf32>, vector<16xf32>, vector<16xi1>) -> (vector<16xi1>, vector<16xf32>, vector<16xf32>)
        %rev3A_231 = arith.constant 15 : i32
        %rev3A_232 = vector.broadcast %rev3A_231 : i32 to vector<16xi32>
        %rev3A_233 = tpu.iota {dimensions = array<i32: 0>} : vector<16xi32>
        %rev3A_234 = arith.subi %rev3A_232, %rev3A_233 : vector<16xi32>
        %rev3A_235 = tpu.dynamic_gather %sort3A_209[%rev3A_234] in [0] : vector<16xf32>, vector<16xi32> -> vector<16xf32>
        %max3A_236 = arith.maximumf %sort3A_199, %rev3A_235 : vector<16xf32>
        %sort3A_237 = arith.constant dense<true> : vector<16xi1>
        %sort3A_238, %sort3A_239, %sort3A_240 = tpu.sort %max3A_236, %max3A_236 masked %sort3A_237 : (vector<16xf32>, vector<16xf32>, vector<16xi1>) -> (vector<16xi1>, vector<16xf32>, vector<16xf32>)
        %rev3A_241 = arith.constant 15 : i32
        %rev3A_242 = vector.broadcast %rev3A_241 : i32 to vector<16xi32>
        %rev3A_243 = tpu.iota {dimensions = array<i32: 0>} : vector<16xi32>
        %rev3A_244 = arith.subi %rev3A_242, %rev3A_243 : vector<16xi32>
        %rev3A_245 = tpu.dynamic_gather %sort3A_229[%rev3A_244] in [0] : vector<16xf32>, vector<16xi32> -> vector<16xf32>
        %max3A_246 = arith.maximumf %sort3A_219, %rev3A_245 : vector<16xf32>
        %sort3A_247 = arith.constant dense<true> : vector<16xi1>
        %sort3A_248, %sort3A_249, %sort3A_250 = tpu.sort %max3A_246, %max3A_246 masked %sort3A_247 : (vector<16xf32>, vector<16xf32>, vector<16xi1>) -> (vector<16xi1>, vector<16xf32>, vector<16xf32>)
        %rev3A_251 = arith.constant 15 : i32
        %rev3A_252 = vector.broadcast %rev3A_251 : i32 to vector<16xi32>
        %rev3A_253 = tpu.iota {dimensions = array<i32: 0>} : vector<16xi32>
        %rev3A_254 = arith.subi %rev3A_252, %rev3A_253 : vector<16xi32>
        %rev3A_255 = tpu.dynamic_gather %sort3A_249[%rev3A_254] in [0] : vector<16xf32>, vector<16xi32> -> vector<16xf32>
        %max3A_256 = arith.maximumf %sort3A_239, %rev3A_255 : vector<16xf32>
        %sort3A_257 = arith.constant dense<true> : vector<16xi1>
        %sort3A_258, %sort3A_259, %sort3A_260 = tpu.sort %max3A_256, %max3A_256 masked %sort3A_257 : (vector<16xf32>, vector<16xf32>, vector<16xi1>) -> (vector<16xi1>, vector<16xf32>, vector<16xf32>)
        %rev3A_261 = arith.constant 15 : i32
        %rev3A_262 = vector.broadcast %rev3A_261 : i32 to vector<16xi32>
        %rev3A_263 = tpu.iota {dimensions = array<i32: 0>} : vector<16xi32>
        %rev3A_264 = arith.subi %rev3A_262, %rev3A_263 : vector<16xi32>
        %rev3A_265 = tpu.dynamic_gather %sort3A_259[%rev3A_264] in [0] : vector<16xf32>, vector<16xi32> -> vector<16xf32>
        %max3A_266 = arith.maximumf %scan3A_80, %rev3A_265 : vector<16xf32>
        %sort3A_267 = arith.constant dense<true> : vector<16xi1>
        %sort3A_268, %sort3A_269, %sort3A_270 = tpu.sort %max3A_266, %max3A_266 masked %sort3A_267 : (vector<16xf32>, vector<16xf32>, vector<16xi1>) -> (vector<16xi1>, vector<16xf32>, vector<16xf32>)
        %iota3A_271 = tpu.iota {dimensions = array<i32: 0>} : vector<16xi32>
        %eq3A = arith.constant 6 : i32
        %eq3A_272 = vector.broadcast %eq3A : i32 to vector<16xi32>
        %eq3A_273 = arith.cmpi eq, %iota3A_271, %eq3A_272 : vector<16xi32>
        %jit3A_274 = arith.constant -1.000000e+30 : f32
        %broadcast_in_dim3A_275 = vector.broadcast %jit3A_274 : f32 to vector<16xf32>
        %select_n3A_276 = arith.select %eq3A_273, %sort3A_269, %broadcast_in_dim3A_275 : vector<16xi1>, vector<16xf32>
        %reduce_max3A_277 = arith.constant true
        %reduce_max3A_278 = vector.broadcast %reduce_max3A_277 : i1 to vector<16xi1>
        %reduce_max3A_279 = tpu.scan <max>, %select_n3A_276 masked %reduce_max3A_278 : vector<16xf32>, vector<16xi1> -> vector<16xf32>
        %reduce_max3A_280 = vector.extract %reduce_max3A_279[15] : f32 from vector<16xf32>
        scf.yield %sort3A_269, %reduce_max3A_280 : vector<16xf32>, f32
      } else {
        scf.yield %scan3A_80, %scan3A_81 : vector<16xf32>, f32
      }
      scf.yield %cond3A_154#0, %cond3A_154#1, %cond3A_160#0, %cond3A_160#1 : vector<16xf32>, f32, vector<16xf32>, f32
    }
    %scan3A_40 = arith.constant 160 : i32
    %iota3A = tpu.iota {dimensions = array<i32: 0>} : vector<16xi32>
    %ge3A = arith.constant 6 : i32
    %ge3A_41 = vector.broadcast %ge3A : i32 to vector<16xi32>
    %ge3A_42 = arith.cmpi sge, %iota3A, %ge3A_41 : vector<16xi32>
    %jit3A = arith.constant 0.000000e+00 : f32
    %broadcast_in_dim3A_43 = vector.broadcast %jit3A : f32 to vector<16xf32>
    %select_n3A = arith.select %ge3A_42, %scan3A_39#0, %broadcast_in_dim3A_43 : vector<16xi1>, vector<16xf32>
    %reduce_sum3A = arith.constant true
    %reduce_sum3A_44 = vector.broadcast %reduce_sum3A : i1 to vector<16xi1>
    %reduce_sum3A_45 = tpu.scan <sum>, %select_n3A masked %reduce_sum3A_44 : vector<16xf32>, vector<16xi1> -> vector<16xf32>
    %reduce_sum3A_46 = vector.extract %reduce_sum3A_45[15] : f32 from vector<16xf32>
    %convert_element_type3A = arith.fptosi %reduce_sum3A_46 : f32 to i32
    %convert_element_type3A_47 = arith.sitofp %convert_element_type3A : i32 to f32
    %gt3A = arith.cmpf ogt, %convert_element_type3A_47, %reduce_sum3A_46 : f32
    %convert_element_type3A_48 = arith.extui %gt3A : i1 to i32
    %sub3A = arith.subi %convert_element_type3A, %convert_element_type3A_48 : i32
    %max3A = arith.constant 1 : i32
    %max3A_49 = arith.maxsi %sub3A, %max3A : i32
    %jit3A_50 = arith.constant 0.000000e+00 : f32
    %broadcast_in_dim3A_51 = vector.broadcast %jit3A_50 : f32 to vector<16xf32>
    %select_n3A_52 = arith.select %ge3A_42, %scan3A_39#2, %broadcast_in_dim3A_51 : vector<16xi1>, vector<16xf32>
    %reduce_sum3A_53 = arith.constant true
    %reduce_sum3A_54 = vector.broadcast %reduce_sum3A_53 : i1 to vector<16xi1>
    %reduce_sum3A_55 = tpu.scan <sum>, %select_n3A_52 masked %reduce_sum3A_54 : vector<16xf32>, vector<16xi1> -> vector<16xf32>
    %reduce_sum3A_56 = vector.extract %reduce_sum3A_55[15] : f32 from vector<16xf32>
    %convert_element_type3A_57 = arith.fptosi %reduce_sum3A_56 : f32 to i32
    %convert_element_type3A_58 = arith.sitofp %convert_element_type3A_57 : i32 to f32
    %gt3A_59 = arith.cmpf ogt, %convert_element_type3A_58, %reduce_sum3A_56 : f32
    %convert_element_type3A_60 = arith.extui %gt3A_59 : i1 to i32
    %sub3A_61 = arith.subi %convert_element_type3A_57, %convert_element_type3A_60 : i32
    %max3A_62 = arith.constant 1 : i32
    %max3A_63 = arith.maxsi %sub3A_61, %max3A_62 : i32
    %broadcast_in_dim3A_64 = arith.constant 1.000000e+00 : f32
    %broadcast_in_dim3A_65 = vector.broadcast %broadcast_in_dim3A_64 : f32 to vector<16xf32>
    %convert_element_type3A_66 = arith.sitofp %max3A_49 : i32 to f32
    %mul3A_67 = vector.broadcast %convert_element_type3A_66 : f32 to vector<16xf32>
    %mul3A_68 = arith.mulf %broadcast_in_dim3A_65, %mul3A_67 : vector<16xf32>
    %swap3A = arith.constant 0 : index
    %swap3A_69 = tpu.vector_load %arg6[%swap3A] {strides = array<i32>} : memref<16xf32, #tpu.memory_space<vmem>>, vector<16xf32>,
    tpu.vector_store %arg6[%swap3A], %mul3A_68 {strides = array<i32>} : memref<16xf32, #tpu.memory_space<vmem>>, vector<16xf32>,
    "tpu.region"() ({
      %run_scoped3A = tpu.sem_alloc : memref<!tpu.dma_semaphore, #tpu.memory_space<semaphore_mem>>
      %dma_start3A_77 = arith.constant 0 : i32
      %dma_start3A_78 = tpu.memref_slice %arg3[%add3A, %dma_start3A_77] : memref<64x16xf32, #tpu.memory_space<hbm>> -> memref<1x16xf32, #tpu.memory_space<hbm>>
      %dma_start3A_79 = tpu.memref_squeeze %dma_start3A_78 : memref<1x16xf32, #tpu.memory_space<hbm>> -> memref<16xf32, #tpu.memory_space<hbm>>
      %dma_start3A_80 = arith.constant 0 : i32
      %dma_start3A_81 = tpu.memref_slice %arg3[%add3A, %dma_start3A_80] : memref<64x16xf32, #tpu.memory_space<hbm>> -> memref<1x16xf32, #tpu.memory_space<hbm>>
      %dma_start3A_82 = tpu.memref_squeeze %dma_start3A_81 : memref<1x16xf32, #tpu.memory_space<hbm>> -> memref<16xf32, #tpu.memory_space<hbm>>
      tpu.enqueue_dma source(%arg6 : memref<16xf32, #tpu.memory_space<vmem>>) target(%dma_start3A_82 : memref<16xf32, #tpu.memory_space<hbm>>) target_semaphore(%run_scoped3A : memref<!tpu.dma_semaphore, #tpu.memory_space<semaphore_mem>>)
      %dma_wait3A_83 = arith.constant 0 : i32
      %dma_wait3A_84 = tpu.memref_slice %arg3[%add3A, %dma_wait3A_83] : memref<64x16xf32, #tpu.memory_space<hbm>> -> memref<1x16xf32, #tpu.memory_space<hbm>>
      %dma_wait3A_85 = tpu.memref_squeeze %dma_wait3A_84 : memref<1x16xf32, #tpu.memory_space<hbm>> -> memref<16xf32, #tpu.memory_space<hbm>>
      %dma_wait3A_86 = arith.constant 0 : i32
      %dma_wait3A_87 = tpu.memref_slice %arg3[%add3A, %dma_wait3A_86] : memref<64x16xf32, #tpu.memory_space<hbm>> -> memref<1x16xf32, #tpu.memory_space<hbm>>
      %dma_wait3A_88 = tpu.memref_squeeze %dma_wait3A_87 : memref<1x16xf32, #tpu.memory_space<hbm>> -> memref<16xf32, #tpu.memory_space<hbm>>
      tpu.wait_dma2 semaphore(%run_scoped3A : memref<!tpu.dma_semaphore, #tpu.memory_space<semaphore_mem>>) src(%arg6 : memref<16xf32, #tpu.memory_space<vmem>>) dst(%dma_wait3A_88 : memref<16xf32, #tpu.memory_space<hbm>>)
      tpu.yield
    }) : () -> ()
    %broadcast_in_dim3A_70 = arith.constant 1.000000e+00 : f32
    %broadcast_in_dim3A_71 = vector.broadcast %broadcast_in_dim3A_70 : f32 to vector<16xf32>
    %convert_element_type3A_72 = arith.sitofp %max3A_63 : i32 to f32
    %mul3A_73 = vector.broadcast %convert_element_type3A_72 : f32 to vector<16xf32>
    %mul3A_74 = arith.mulf %broadcast_in_dim3A_71, %mul3A_73 : vector<16xf32>
    %swap3A_75 = arith.constant 0 : index
    %swap3A_76 = tpu.vector_load %arg6[%swap3A_75] {strides = array<i32>} : memref<16xf32, #tpu.memory_space<vmem>>, vector<16xf32>,
    tpu.vector_store %arg6[%swap3A_75], %mul3A_74 {strides = array<i32>} : memref<16xf32, #tpu.memory_space<vmem>>, vector<16xf32>,
    "tpu.region"() ({
      %run_scoped3A = tpu.sem_alloc : memref<!tpu.dma_semaphore, #tpu.memory_space<semaphore_mem>>
      %dma_start3A_77 = arith.constant 0 : i32
      %dma_start3A_78 = tpu.memref_slice %arg3[%add3A_2, %dma_start3A_77] : memref<64x16xf32, #tpu.memory_space<hbm>> -> memref<1x16xf32, #tpu.memory_space<hbm>>
      %dma_start3A_79 = tpu.memref_squeeze %dma_start3A_78 : memref<1x16xf32, #tpu.memory_space<hbm>> -> memref<16xf32, #tpu.memory_space<hbm>>
      %dma_start3A_80 = arith.constant 0 : i32
      %dma_start3A_81 = tpu.memref_slice %arg3[%add3A_2, %dma_start3A_80] : memref<64x16xf32, #tpu.memory_space<hbm>> -> memref<1x16xf32, #tpu.memory_space<hbm>>
      %dma_start3A_82 = tpu.memref_squeeze %dma_start3A_81 : memref<1x16xf32, #tpu.memory_space<hbm>> -> memref<16xf32, #tpu.memory_space<hbm>>
      tpu.enqueue_dma source(%arg6 : memref<16xf32, #tpu.memory_space<vmem>>) target(%dma_start3A_82 : memref<16xf32, #tpu.memory_space<hbm>>) target_semaphore(%run_scoped3A : memref<!tpu.dma_semaphore, #tpu.memory_space<semaphore_mem>>)
      %dma_wait3A_83 = arith.constant 0 : i32
      %dma_wait3A_84 = tpu.memref_slice %arg3[%add3A_2, %dma_wait3A_83] : memref<64x16xf32, #tpu.memory_space<hbm>> -> memref<1x16xf32, #tpu.memory_space<hbm>>
      %dma_wait3A_85 = tpu.memref_squeeze %dma_wait3A_84 : memref<1x16xf32, #tpu.memory_space<hbm>> -> memref<16xf32, #tpu.memory_space<hbm>>
      %dma_wait3A_86 = arith.constant 0 : i32
      %dma_wait3A_87 = tpu.memref_slice %arg3[%add3A_2, %dma_wait3A_86] : memref<64x16xf32, #tpu.memory_space<hbm>> -> memref<1x16xf32, #tpu.memory_space<hbm>>
      %dma_wait3A_88 = tpu.memref_squeeze %dma_wait3A_87 : memref<1x16xf32, #tpu.memory_space<hbm>> -> memref<16xf32, #tpu.memory_space<hbm>>
      tpu.wait_dma2 semaphore(%run_scoped3A : memref<!tpu.dma_semaphore, #tpu.memory_space<semaphore_mem>>) src(%arg6 : memref<16xf32, #tpu.memory_space<vmem>>) dst(%dma_wait3A_88 : memref<16xf32, #tpu.memory_space<hbm>>)
      tpu.yield
    }) : () -> ()
    return
  }
}

#map = affine_map<(d0, d1) -> (0, 0, 0)>
#map1 = affine_map<(d0, d1) -> (0, 0)>
module attributes {stable_mosaic.version = 14 : i64} {
  func.func @sck(%arg0: i32, %arg1: i32, %arg2: memref<64x160x128xf32, #tpu.memory_space<hbm>>, %arg3: memref<64x16xf32, #tpu.memory_space<hbm>>, %arg4: memref<64x16xf32, #tpu.memory_space<hbm>>, %arg5: memref<160x128xf32, #tpu.memory_space<vmem>>, %arg6: memref<160x128xf32, #tpu.memory_space<vmem>>, %arg7: memref<16xf32, #tpu.memory_space<vmem>>, %arg8: memref<16xf32, #tpu.memory_space<vmem>>, %arg9: memref<16xf32, #tpu.memory_space<vmem>>, %arg10: memref<!tpu.dma_semaphore, #tpu.memory_space<semaphore_mem>>, %arg11: memref<!tpu.dma_semaphore, #tpu.memory_space<semaphore_mem>>) attributes {dimension_semantics = [#tpu.dimension_semantics<core_parallel>, #tpu.dimension_semantics<subcore_parallel>], iteration_bounds = array<i64: 2, 16>, scalar_prefetch = 0 : i64, scratch_operands = 7 : i64, tpu.core_type = #tpu.core_type<sc_vector_subcore>, window_params = [{transform_indices = #map}, {transform_indices = #map1}, {transform_indices = #map1}]} {
    %mul3A = arith.constant 2 : i32
    %mul3A_0 = arith.muli %arg1, %mul3A : i32
    %add3A = arith.addi %mul3A_0, %arg0 : i32
    %add3A_1 = arith.constant 32 : i32
    %add3A_2 = arith.addi %add3A, %add3A_1 : i32
    %dma_start3A = arith.constant 0 : i32
    %dma_start3A_3 = arith.constant 0 : i32
    %dma_start3A_4 = tpu.memref_slice %arg2[%add3A, %dma_start3A, %dma_start3A_3] : memref<64x160x128xf32, #tpu.memory_space<hbm>> -> memref<1x160x128xf32, #tpu.memory_space<hbm>>
    %dma_start3A_5 = tpu.memref_squeeze %dma_start3A_4 : memref<1x160x128xf32, #tpu.memory_space<hbm>> -> memref<160x128xf32, #tpu.memory_space<hbm>>
    %dma_start3A_6 = arith.constant 0 : i32
    %dma_start3A_7 = arith.constant 0 : i32
    %dma_start3A_8 = tpu.memref_slice %arg2[%add3A, %dma_start3A_6, %dma_start3A_7] : memref<64x160x128xf32, #tpu.memory_space<hbm>> -> memref<1x160x128xf32, #tpu.memory_space<hbm>>
    %dma_start3A_9 = tpu.memref_squeeze %dma_start3A_8 : memref<1x160x128xf32, #tpu.memory_space<hbm>> -> memref<160x128xf32, #tpu.memory_space<hbm>>
    tpu.enqueue_dma source(%dma_start3A_9 : memref<160x128xf32, #tpu.memory_space<hbm>>) target(%arg5 : memref<160x128xf32, #tpu.memory_space<vmem>>) target_semaphore(%arg10 : memref<!tpu.dma_semaphore, #tpu.memory_space<semaphore_mem>>)
    %dma_start3A_10 = arith.constant 0 : i32
    %dma_start3A_11 = arith.constant 0 : i32
    %dma_start3A_12 = tpu.memref_slice %arg2[%add3A_2, %dma_start3A_10, %dma_start3A_11] : memref<64x160x128xf32, #tpu.memory_space<hbm>> -> memref<1x160x128xf32, #tpu.memory_space<hbm>>
    %dma_start3A_13 = tpu.memref_squeeze %dma_start3A_12 : memref<1x160x128xf32, #tpu.memory_space<hbm>> -> memref<160x128xf32, #tpu.memory_space<hbm>>
    %dma_start3A_14 = arith.constant 0 : i32
    %dma_start3A_15 = arith.constant 0 : i32
    %dma_start3A_16 = tpu.memref_slice %arg2[%add3A_2, %dma_start3A_14, %dma_start3A_15] : memref<64x160x128xf32, #tpu.memory_space<hbm>> -> memref<1x160x128xf32, #tpu.memory_space<hbm>>
    %dma_start3A_17 = tpu.memref_squeeze %dma_start3A_16 : memref<1x160x128xf32, #tpu.memory_space<hbm>> -> memref<160x128xf32, #tpu.memory_space<hbm>>
    tpu.enqueue_dma source(%dma_start3A_17 : memref<160x128xf32, #tpu.memory_space<hbm>>) target(%arg6 : memref<160x128xf32, #tpu.memory_space<vmem>>) target_semaphore(%arg11 : memref<!tpu.dma_semaphore, #tpu.memory_space<semaphore_mem>>)
    "tpu.region"() ({
      %run_scoped3A = tpu.sem_alloc : memref<!tpu.dma_semaphore, #tpu.memory_space<semaphore_mem>>
      %dma_start3A_81 = arith.constant 0 : i32
      %dma_start3A_82 = tpu.memref_slice %arg3[%add3A, %dma_start3A_81] : memref<64x16xf32, #tpu.memory_space<hbm>> -> memref<1x16xf32, #tpu.memory_space<hbm>>
      %dma_start3A_83 = tpu.memref_squeeze %dma_start3A_82 : memref<1x16xf32, #tpu.memory_space<hbm>> -> memref<16xf32, #tpu.memory_space<hbm>>
      %dma_start3A_84 = arith.constant 0 : i32
      %dma_start3A_85 = tpu.memref_slice %arg3[%add3A, %dma_start3A_84] : memref<64x16xf32, #tpu.memory_space<hbm>> -> memref<1x16xf32, #tpu.memory_space<hbm>>
      %dma_start3A_86 = tpu.memref_squeeze %dma_start3A_85 : memref<1x16xf32, #tpu.memory_space<hbm>> -> memref<16xf32, #tpu.memory_space<hbm>>
      tpu.enqueue_dma source(%dma_start3A_86 : memref<16xf32, #tpu.memory_space<hbm>>) target(%arg8 : memref<16xf32, #tpu.memory_space<vmem>>) target_semaphore(%run_scoped3A : memref<!tpu.dma_semaphore, #tpu.memory_space<semaphore_mem>>)
      %dma_wait3A_87 = arith.constant 0 : i32
      %dma_wait3A_88 = tpu.memref_slice %arg3[%add3A, %dma_wait3A_87] : memref<64x16xf32, #tpu.memory_space<hbm>> -> memref<1x16xf32, #tpu.memory_space<hbm>>
      %dma_wait3A_89 = tpu.memref_squeeze %dma_wait3A_88 : memref<1x16xf32, #tpu.memory_space<hbm>> -> memref<16xf32, #tpu.memory_space<hbm>>
      %dma_wait3A_90 = arith.constant 0 : i32
      %dma_wait3A_91 = tpu.memref_slice %arg3[%add3A, %dma_wait3A_90] : memref<64x16xf32, #tpu.memory_space<hbm>> -> memref<1x16xf32, #tpu.memory_space<hbm>>
      %dma_wait3A_92 = tpu.memref_squeeze %dma_wait3A_91 : memref<1x16xf32, #tpu.memory_space<hbm>> -> memref<16xf32, #tpu.memory_space<hbm>>
      tpu.wait_dma2 semaphore(%run_scoped3A : memref<!tpu.dma_semaphore, #tpu.memory_space<semaphore_mem>>) src(%dma_wait3A_92 : memref<16xf32, #tpu.memory_space<hbm>>) dst(%arg8 : memref<16xf32, #tpu.memory_space<vmem>>)
      tpu.yield
    }) : () -> ()
    "tpu.region"() ({
      %run_scoped3A = tpu.sem_alloc : memref<!tpu.dma_semaphore, #tpu.memory_space<semaphore_mem>>
      %dma_start3A_81 = arith.constant 0 : i32
      %dma_start3A_82 = tpu.memref_slice %arg3[%add3A_2, %dma_start3A_81] : memref<64x16xf32, #tpu.memory_space<hbm>> -> memref<1x16xf32, #tpu.memory_space<hbm>>
      %dma_start3A_83 = tpu.memref_squeeze %dma_start3A_82 : memref<1x16xf32, #tpu.memory_space<hbm>> -> memref<16xf32, #tpu.memory_space<hbm>>
      %dma_start3A_84 = arith.constant 0 : i32
      %dma_start3A_85 = tpu.memref_slice %arg3[%add3A_2, %dma_start3A_84] : memref<64x16xf32, #tpu.memory_space<hbm>> -> memref<1x16xf32, #tpu.memory_space<hbm>>
      %dma_start3A_86 = tpu.memref_squeeze %dma_start3A_85 : memref<1x16xf32, #tpu.memory_space<hbm>> -> memref<16xf32, #tpu.memory_space<hbm>>
      tpu.enqueue_dma source(%dma_start3A_86 : memref<16xf32, #tpu.memory_space<hbm>>) target(%arg9 : memref<16xf32, #tpu.memory_space<vmem>>) target_semaphore(%run_scoped3A : memref<!tpu.dma_semaphore, #tpu.memory_space<semaphore_mem>>)
      %dma_wait3A_87 = arith.constant 0 : i32
      %dma_wait3A_88 = tpu.memref_slice %arg3[%add3A_2, %dma_wait3A_87] : memref<64x16xf32, #tpu.memory_space<hbm>> -> memref<1x16xf32, #tpu.memory_space<hbm>>
      %dma_wait3A_89 = tpu.memref_squeeze %dma_wait3A_88 : memref<1x16xf32, #tpu.memory_space<hbm>> -> memref<16xf32, #tpu.memory_space<hbm>>
      %dma_wait3A_90 = arith.constant 0 : i32
      %dma_wait3A_91 = tpu.memref_slice %arg3[%add3A_2, %dma_wait3A_90] : memref<64x16xf32, #tpu.memory_space<hbm>> -> memref<1x16xf32, #tpu.memory_space<hbm>>
      %dma_wait3A_92 = tpu.memref_squeeze %dma_wait3A_91 : memref<1x16xf32, #tpu.memory_space<hbm>> -> memref<16xf32, #tpu.memory_space<hbm>>
      tpu.wait_dma2 semaphore(%run_scoped3A : memref<!tpu.dma_semaphore, #tpu.memory_space<semaphore_mem>>) src(%dma_wait3A_92 : memref<16xf32, #tpu.memory_space<hbm>>) dst(%arg9 : memref<16xf32, #tpu.memory_space<vmem>>)
      tpu.yield
    }) : () -> ()
    %get3A = arith.constant 0 : index
    %get3A_18 = tpu.vector_load %arg8[%get3A] {strides = array<i32>} : memref<16xf32, #tpu.memory_space<vmem>>, vector<16xf32>,
    %reduce_max3A = arith.constant true
    %reduce_max3A_19 = vector.broadcast %reduce_max3A : i1 to vector<16xi1>
    %reduce_max3A_20 = tpu.scan <max>, %get3A_18 masked %reduce_max3A_19 : vector<16xf32>, vector<16xi1> -> vector<16xf32>
    %reduce_max3A_21 = vector.extract %reduce_max3A_20[15] : f32 from vector<16xf32>
    %convert_element_type3A = arith.fptosi %reduce_max3A_21 : f32 to i32
    %get3A_22 = arith.constant 0 : index
    %get3A_23 = tpu.vector_load %arg9[%get3A_22] {strides = array<i32>} : memref<16xf32, #tpu.memory_space<vmem>>, vector<16xf32>,
    %reduce_max3A_24 = arith.constant true
    %reduce_max3A_25 = vector.broadcast %reduce_max3A_24 : i1 to vector<16xi1>
    %reduce_max3A_26 = tpu.scan <max>, %get3A_23 masked %reduce_max3A_25 : vector<16xf32>, vector<16xi1> -> vector<16xf32>
    %reduce_max3A_27 = vector.extract %reduce_max3A_26[15] : f32 from vector<16xf32>
    %convert_element_type3A_28 = arith.fptosi %reduce_max3A_27 : f32 to i32
    %dma_wait3A = arith.constant 0 : i32
    %dma_wait3A_29 = arith.constant 0 : i32
    %dma_wait3A_30 = tpu.memref_slice %arg2[%add3A, %dma_wait3A, %dma_wait3A_29] : memref<64x160x128xf32, #tpu.memory_space<hbm>> -> memref<1x160x128xf32, #tpu.memory_space<hbm>>
    %dma_wait3A_31 = tpu.memref_squeeze %dma_wait3A_30 : memref<1x160x128xf32, #tpu.memory_space<hbm>> -> memref<160x128xf32, #tpu.memory_space<hbm>>
    %dma_wait3A_32 = arith.constant 0 : i32
    %dma_wait3A_33 = arith.constant 0 : i32
    %dma_wait3A_34 = tpu.memref_slice %arg2[%add3A, %dma_wait3A_32, %dma_wait3A_33] : memref<64x160x128xf32, #tpu.memory_space<hbm>> -> memref<1x160x128xf32, #tpu.memory_space<hbm>>
    %dma_wait3A_35 = tpu.memref_squeeze %dma_wait3A_34 : memref<1x160x128xf32, #tpu.memory_space<hbm>> -> memref<160x128xf32, #tpu.memory_space<hbm>>
    tpu.wait_dma2 semaphore(%arg10 : memref<!tpu.dma_semaphore, #tpu.memory_space<semaphore_mem>>) src(%dma_wait3A_35 : memref<160x128xf32, #tpu.memory_space<hbm>>) dst(%arg5 : memref<160x128xf32, #tpu.memory_space<vmem>>)
    %dma_wait3A_36 = arith.constant 0 : i32
    %dma_wait3A_37 = arith.constant 0 : i32
    %dma_wait3A_38 = tpu.memref_slice %arg2[%add3A_2, %dma_wait3A_36, %dma_wait3A_37] : memref<64x160x128xf32, #tpu.memory_space<hbm>> -> memref<1x160x128xf32, #tpu.memory_space<hbm>>
    %dma_wait3A_39 = tpu.memref_squeeze %dma_wait3A_38 : memref<1x160x128xf32, #tpu.memory_space<hbm>> -> memref<160x128xf32, #tpu.memory_space<hbm>>
    %dma_wait3A_40 = arith.constant 0 : i32
    %dma_wait3A_41 = arith.constant 0 : i32
    %dma_wait3A_42 = tpu.memref_slice %arg2[%add3A_2, %dma_wait3A_40, %dma_wait3A_41] : memref<64x160x128xf32, #tpu.memory_space<hbm>> -> memref<1x160x128xf32, #tpu.memory_space<hbm>>
    %dma_wait3A_43 = tpu.memref_squeeze %dma_wait3A_42 : memref<1x160x128xf32, #tpu.memory_space<hbm>> -> memref<160x128xf32, #tpu.memory_space<hbm>>
    tpu.wait_dma2 semaphore(%arg11 : memref<!tpu.dma_semaphore, #tpu.memory_space<semaphore_mem>>) src(%dma_wait3A_43 : memref<160x128xf32, #tpu.memory_space<hbm>>) dst(%arg6 : memref<160x128xf32, #tpu.memory_space<vmem>>)
    %broadcast_in_dim3A = arith.constant 1.000000e+30 : f32
    %broadcast_in_dim3A_44 = vector.broadcast %broadcast_in_dim3A : f32 to vector<16xf32>
    %scan3A = arith.constant 1.000000e+30 : f32
    %scan3A_45 = arith.constant 1.000000e+30 : f32
    %scan3A_46 = arith.constant 0 : i32
    %scan3A_47 = arith.constant 160 : i32
    %scan3A_48 = arith.addi %scan3A_46, %scan3A_47 : i32
    %scan3A_49 = arith.constant 1 : i32
    %scan3A_50:4 = scf.for %scan3A_81 = %scan3A_46 to %scan3A_48 step %scan3A_49 iter_args(%scan3A_82 = %broadcast_in_dim3A_44, %scan3A_83 = %scan3A, %scan3A_84 = %broadcast_in_dim3A_44, %scan3A_85 = %scan3A_45) -> (vector<16xf32>, f32, vector<16xf32>, f32)  : i32 {
      %get3A_86 = arith.index_cast %scan3A_81 : i32 to index
      %get3A_87 = arith.constant 0 : index
      %get3A_88 = tpu.vector_load %arg5[%get3A_86, %get3A_87] {strides = array<i32>} : memref<160x128xf32, #tpu.memory_space<vmem>>, vector<16xf32>,
      %get3A_89 = arith.index_cast %scan3A_81 : i32 to index
      %get3A_90 = arith.constant 16 : index
      %get3A_91 = tpu.vector_load %arg5[%get3A_89, %get3A_90] {strides = array<i32>} : memref<160x128xf32, #tpu.memory_space<vmem>>, vector<16xf32>,
      %get3A_92 = arith.index_cast %scan3A_81 : i32 to index
      %get3A_93 = arith.constant 32 : index
      %get3A_94 = tpu.vector_load %arg5[%get3A_92, %get3A_93] {strides = array<i32>} : memref<160x128xf32, #tpu.memory_space<vmem>>, vector<16xf32>,
      %get3A_95 = arith.index_cast %scan3A_81 : i32 to index
      %get3A_96 = arith.constant 48 : index
      %get3A_97 = tpu.vector_load %arg5[%get3A_95, %get3A_96] {strides = array<i32>} : memref<160x128xf32, #tpu.memory_space<vmem>>, vector<16xf32>,
      %get3A_98 = arith.index_cast %scan3A_81 : i32 to index
      %get3A_99 = arith.constant 64 : index
      %get3A_100 = tpu.vector_load %arg5[%get3A_98, %get3A_99] {strides = array<i32>} : memref<160x128xf32, #tpu.memory_space<vmem>>, vector<16xf32>,
      %get3A_101 = arith.index_cast %scan3A_81 : i32 to index
      %get3A_102 = arith.constant 80 : index
      %get3A_103 = tpu.vector_load %arg5[%get3A_101, %get3A_102] {strides = array<i32>} : memref<160x128xf32, #tpu.memory_space<vmem>>, vector<16xf32>,
      %get3A_104 = arith.index_cast %scan3A_81 : i32 to index
      %get3A_105 = arith.constant 96 : index
      %get3A_106 = tpu.vector_load %arg5[%get3A_104, %get3A_105] {strides = array<i32>} : memref<160x128xf32, #tpu.memory_space<vmem>>, vector<16xf32>,
      %get3A_107 = arith.index_cast %scan3A_81 : i32 to index
      %get3A_108 = arith.constant 112 : index
      %get3A_109 = tpu.vector_load %arg5[%get3A_107, %get3A_108] {strides = array<i32>} : memref<160x128xf32, #tpu.memory_space<vmem>>, vector<16xf32>,
      %get3A_110 = arith.index_cast %scan3A_81 : i32 to index
      %get3A_111 = arith.constant 0 : index
      %get3A_112 = tpu.vector_load %arg6[%get3A_110, %get3A_111] {strides = array<i32>} : memref<160x128xf32, #tpu.memory_space<vmem>>, vector<16xf32>,
      %get3A_113 = arith.index_cast %scan3A_81 : i32 to index
      %get3A_114 = arith.constant 16 : index
      %get3A_115 = tpu.vector_load %arg6[%get3A_113, %get3A_114] {strides = array<i32>} : memref<160x128xf32, #tpu.memory_space<vmem>>, vector<16xf32>,
      %get3A_116 = arith.index_cast %scan3A_81 : i32 to index
      %get3A_117 = arith.constant 32 : index
      %get3A_118 = tpu.vector_load %arg6[%get3A_116, %get3A_117] {strides = array<i32>} : memref<160x128xf32, #tpu.memory_space<vmem>>, vector<16xf32>,
      %get3A_119 = arith.index_cast %scan3A_81 : i32 to index
      %get3A_120 = arith.constant 48 : index
      %get3A_121 = tpu.vector_load %arg6[%get3A_119, %get3A_120] {strides = array<i32>} : memref<160x128xf32, #tpu.memory_space<vmem>>, vector<16xf32>,
      %get3A_122 = arith.index_cast %scan3A_81 : i32 to index
      %get3A_123 = arith.constant 64 : index
      %get3A_124 = tpu.vector_load %arg6[%get3A_122, %get3A_123] {strides = array<i32>} : memref<160x128xf32, #tpu.memory_space<vmem>>, vector<16xf32>,
      %get3A_125 = arith.index_cast %scan3A_81 : i32 to index
      %get3A_126 = arith.constant 80 : index
      %get3A_127 = tpu.vector_load %arg6[%get3A_125, %get3A_126] {strides = array<i32>} : memref<160x128xf32, #tpu.memory_space<vmem>>, vector<16xf32>,
      %get3A_128 = arith.index_cast %scan3A_81 : i32 to index
      %get3A_129 = arith.constant 96 : index
      %get3A_130 = tpu.vector_load %arg6[%get3A_128, %get3A_129] {strides = array<i32>} : memref<160x128xf32, #tpu.memory_space<vmem>>, vector<16xf32>,
      %get3A_131 = arith.index_cast %scan3A_81 : i32 to index
      %get3A_132 = arith.constant 112 : index
      %get3A_133 = tpu.vector_load %arg6[%get3A_131, %get3A_132] {strides = array<i32>} : memref<160x128xf32, #tpu.memory_space<vmem>>, vector<16xf32>,
      %min3A = arith.minimumf %get3A_88, %get3A_91 : vector<16xf32>
      %min3A_134 = arith.minimumf %get3A_94, %get3A_97 : vector<16xf32>
      %min3A_135 = arith.minimumf %get3A_100, %get3A_103 : vector<16xf32>
      %min3A_136 = arith.minimumf %get3A_106, %get3A_109 : vector<16xf32>
      %min3A_137 = arith.minimumf %min3A, %min3A_134 : vector<16xf32>
      %min3A_138 = arith.minimumf %min3A_135, %min3A_136 : vector<16xf32>
      %min3A_139 = arith.minimumf %min3A_137, %min3A_138 : vector<16xf32>
      %reduce_min3A = arith.constant true
      %reduce_min3A_140 = vector.broadcast %reduce_min3A : i1 to vector<16xi1>
      %reduce_min3A_141 = tpu.scan <min>, %min3A_139 masked %reduce_min3A_140 : vector<16xf32>, vector<16xi1> -> vector<16xf32>
      %reduce_min3A_142 = vector.extract %reduce_min3A_141[15] : f32 from vector<16xf32>
      %min3A_143 = arith.minimumf %get3A_112, %get3A_115 : vector<16xf32>
      %min3A_144 = arith.minimumf %get3A_118, %get3A_121 : vector<16xf32>
      %min3A_145 = arith.minimumf %get3A_124, %get3A_127 : vector<16xf32>
      %min3A_146 = arith.minimumf %get3A_130, %get3A_133 : vector<16xf32>
      %min3A_147 = arith.minimumf %min3A_143, %min3A_144 : vector<16xf32>
      %min3A_148 = arith.minimumf %min3A_145, %min3A_146 : vector<16xf32>
      %min3A_149 = arith.minimumf %min3A_147, %min3A_148 : vector<16xf32>
      %reduce_min3A_150 = arith.constant true
      %reduce_min3A_151 = vector.broadcast %reduce_min3A_150 : i1 to vector<16xi1>
      %reduce_min3A_152 = tpu.scan <min>, %min3A_149 masked %reduce_min3A_151 : vector<16xf32>, vector<16xi1> -> vector<16xf32>
      %reduce_min3A_153 = vector.extract %reduce_min3A_152[15] : f32 from vector<16xf32>
      %lt3A = arith.cmpf olt, %reduce_min3A_142, %scan3A_83 : f32
      %convert_element_type3A_154 = arith.extui %lt3A : i1 to i32
      %cond3A = arith.constant 0 : i32
      %cond3A_155 = arith.constant 0 : i32
      %cond3A_156 = arith.cmpi ne, %convert_element_type3A_154, %cond3A_155 : i32
      %cond3A_157:2 = scf.if %cond3A_156 -> (vector<16xf32>, f32) {
        %sort3A = arith.constant dense<true> : vector<16xi1>
        %sort3A_164, %sort3A_165, %sort3A_166 = tpu.sort %get3A_88, %get3A_88 masked %sort3A : (vector<16xf32>, vector<16xf32>, vector<16xi1>) -> (vector<16xi1>, vector<16xf32>, vector<16xf32>)
        %sort3A_167 = arith.constant dense<true> : vector<16xi1>
        %sort3A_168, %sort3A_169, %sort3A_170 = tpu.sort %get3A_91, %get3A_91 masked %sort3A_167 : (vector<16xf32>, vector<16xf32>, vector<16xi1>) -> (vector<16xi1>, vector<16xf32>, vector<16xf32>)
        %sort3A_171 = arith.constant dense<true> : vector<16xi1>
        %sort3A_172, %sort3A_173, %sort3A_174 = tpu.sort %get3A_94, %get3A_94 masked %sort3A_171 : (vector<16xf32>, vector<16xf32>, vector<16xi1>) -> (vector<16xi1>, vector<16xf32>, vector<16xf32>)
        %sort3A_175 = arith.constant dense<true> : vector<16xi1>
        %sort3A_176, %sort3A_177, %sort3A_178 = tpu.sort %get3A_97, %get3A_97 masked %sort3A_175 : (vector<16xf32>, vector<16xf32>, vector<16xi1>) -> (vector<16xi1>, vector<16xf32>, vector<16xf32>)
        %sort3A_179 = arith.constant dense<true> : vector<16xi1>
        %sort3A_180, %sort3A_181, %sort3A_182 = tpu.sort %get3A_100, %get3A_100 masked %sort3A_179 : (vector<16xf32>, vector<16xf32>, vector<16xi1>) -> (vector<16xi1>, vector<16xf32>, vector<16xf32>)
        %sort3A_183 = arith.constant dense<true> : vector<16xi1>
        %sort3A_184, %sort3A_185, %sort3A_186 = tpu.sort %get3A_103, %get3A_103 masked %sort3A_183 : (vector<16xf32>, vector<16xf32>, vector<16xi1>) -> (vector<16xi1>, vector<16xf32>, vector<16xf32>)
        %sort3A_187 = arith.constant dense<true> : vector<16xi1>
        %sort3A_188, %sort3A_189, %sort3A_190 = tpu.sort %get3A_106, %get3A_106 masked %sort3A_187 : (vector<16xf32>, vector<16xf32>, vector<16xi1>) -> (vector<16xi1>, vector<16xf32>, vector<16xf32>)
        %sort3A_191 = arith.constant dense<true> : vector<16xi1>
        %sort3A_192, %sort3A_193, %sort3A_194 = tpu.sort %get3A_109, %get3A_109 masked %sort3A_191 : (vector<16xf32>, vector<16xf32>, vector<16xi1>) -> (vector<16xi1>, vector<16xf32>, vector<16xf32>)
        %rev3A = arith.constant 15 : i32
        %rev3A_195 = vector.broadcast %rev3A : i32 to vector<16xi32>
        %rev3A_196 = tpu.iota {dimensions = array<i32: 0>} : vector<16xi32>
        %rev3A_197 = arith.subi %rev3A_195, %rev3A_196 : vector<16xi32>
        %rev3A_198 = tpu.dynamic_gather %sort3A_169[%rev3A_197] in [0] : vector<16xf32>, vector<16xi32> -> vector<16xf32>
        %min3A_199 = arith.minimumf %sort3A_165, %rev3A_198 : vector<16xf32>
        %sort3A_200 = arith.constant dense<true> : vector<16xi1>
        %sort3A_201, %sort3A_202, %sort3A_203 = tpu.sort %min3A_199, %min3A_199 masked %sort3A_200 : (vector<16xf32>, vector<16xf32>, vector<16xi1>) -> (vector<16xi1>, vector<16xf32>, vector<16xf32>)
        %rev3A_204 = arith.constant 15 : i32
        %rev3A_205 = vector.broadcast %rev3A_204 : i32 to vector<16xi32>
        %rev3A_206 = tpu.iota {dimensions = array<i32: 0>} : vector<16xi32>
        %rev3A_207 = arith.subi %rev3A_205, %rev3A_206 : vector<16xi32>
        %rev3A_208 = tpu.dynamic_gather %sort3A_177[%rev3A_207] in [0] : vector<16xf32>, vector<16xi32> -> vector<16xf32>
        %min3A_209 = arith.minimumf %sort3A_173, %rev3A_208 : vector<16xf32>
        %sort3A_210 = arith.constant dense<true> : vector<16xi1>
        %sort3A_211, %sort3A_212, %sort3A_213 = tpu.sort %min3A_209, %min3A_209 masked %sort3A_210 : (vector<16xf32>, vector<16xf32>, vector<16xi1>) -> (vector<16xi1>, vector<16xf32>, vector<16xf32>)
        %rev3A_214 = arith.constant 15 : i32
        %rev3A_215 = vector.broadcast %rev3A_214 : i32 to vector<16xi32>
        %rev3A_216 = tpu.iota {dimensions = array<i32: 0>} : vector<16xi32>
        %rev3A_217 = arith.subi %rev3A_215, %rev3A_216 : vector<16xi32>
        %rev3A_218 = tpu.dynamic_gather %sort3A_185[%rev3A_217] in [0] : vector<16xf32>, vector<16xi32> -> vector<16xf32>
        %min3A_219 = arith.minimumf %sort3A_181, %rev3A_218 : vector<16xf32>
        %sort3A_220 = arith.constant dense<true> : vector<16xi1>
        %sort3A_221, %sort3A_222, %sort3A_223 = tpu.sort %min3A_219, %min3A_219 masked %sort3A_220 : (vector<16xf32>, vector<16xf32>, vector<16xi1>) -> (vector<16xi1>, vector<16xf32>, vector<16xf32>)
        %rev3A_224 = arith.constant 15 : i32
        %rev3A_225 = vector.broadcast %rev3A_224 : i32 to vector<16xi32>
        %rev3A_226 = tpu.iota {dimensions = array<i32: 0>} : vector<16xi32>
        %rev3A_227 = arith.subi %rev3A_225, %rev3A_226 : vector<16xi32>
        %rev3A_228 = tpu.dynamic_gather %sort3A_193[%rev3A_227] in [0] : vector<16xf32>, vector<16xi32> -> vector<16xf32>
        %min3A_229 = arith.minimumf %sort3A_189, %rev3A_228 : vector<16xf32>
        %sort3A_230 = arith.constant dense<true> : vector<16xi1>
        %sort3A_231, %sort3A_232, %sort3A_233 = tpu.sort %min3A_229, %min3A_229 masked %sort3A_230 : (vector<16xf32>, vector<16xf32>, vector<16xi1>) -> (vector<16xi1>, vector<16xf32>, vector<16xf32>)
        %rev3A_234 = arith.constant 15 : i32
        %rev3A_235 = vector.broadcast %rev3A_234 : i32 to vector<16xi32>
        %rev3A_236 = tpu.iota {dimensions = array<i32: 0>} : vector<16xi32>
        %rev3A_237 = arith.subi %rev3A_235, %rev3A_236 : vector<16xi32>
        %rev3A_238 = tpu.dynamic_gather %sort3A_212[%rev3A_237] in [0] : vector<16xf32>, vector<16xi32> -> vector<16xf32>
        %min3A_239 = arith.minimumf %sort3A_202, %rev3A_238 : vector<16xf32>
        %sort3A_240 = arith.constant dense<true> : vector<16xi1>
        %sort3A_241, %sort3A_242, %sort3A_243 = tpu.sort %min3A_239, %min3A_239 masked %sort3A_240 : (vector<16xf32>, vector<16xf32>, vector<16xi1>) -> (vector<16xi1>, vector<16xf32>, vector<16xf32>)
        %rev3A_244 = arith.constant 15 : i32
        %rev3A_245 = vector.broadcast %rev3A_244 : i32 to vector<16xi32>
        %rev3A_246 = tpu.iota {dimensions = array<i32: 0>} : vector<16xi32>
        %rev3A_247 = arith.subi %rev3A_245, %rev3A_246 : vector<16xi32>
        %rev3A_248 = tpu.dynamic_gather %sort3A_232[%rev3A_247] in [0] : vector<16xf32>, vector<16xi32> -> vector<16xf32>
        %min3A_249 = arith.minimumf %sort3A_222, %rev3A_248 : vector<16xf32>
        %sort3A_250 = arith.constant dense<true> : vector<16xi1>
        %sort3A_251, %sort3A_252, %sort3A_253 = tpu.sort %min3A_249, %min3A_249 masked %sort3A_250 : (vector<16xf32>, vector<16xf32>, vector<16xi1>) -> (vector<16xi1>, vector<16xf32>, vector<16xf32>)
        %rev3A_254 = arith.constant 15 : i32
        %rev3A_255 = vector.broadcast %rev3A_254 : i32 to vector<16xi32>
        %rev3A_256 = tpu.iota {dimensions = array<i32: 0>} : vector<16xi32>
        %rev3A_257 = arith.subi %rev3A_255, %rev3A_256 : vector<16xi32>
        %rev3A_258 = tpu.dynamic_gather %sort3A_252[%rev3A_257] in [0] : vector<16xf32>, vector<16xi32> -> vector<16xf32>
        %min3A_259 = arith.minimumf %sort3A_242, %rev3A_258 : vector<16xf32>
        %sort3A_260 = arith.constant dense<true> : vector<16xi1>
        %sort3A_261, %sort3A_262, %sort3A_263 = tpu.sort %min3A_259, %min3A_259 masked %sort3A_260 : (vector<16xf32>, vector<16xf32>, vector<16xi1>) -> (vector<16xi1>, vector<16xf32>, vector<16xf32>)
        %rev3A_264 = arith.constant 15 : i32
        %rev3A_265 = vector.broadcast %rev3A_264 : i32 to vector<16xi32>
        %rev3A_266 = tpu.iota {dimensions = array<i32: 0>} : vector<16xi32>
        %rev3A_267 = arith.subi %rev3A_265, %rev3A_266 : vector<16xi32>
        %rev3A_268 = tpu.dynamic_gather %sort3A_262[%rev3A_267] in [0] : vector<16xf32>, vector<16xi32> -> vector<16xf32>
        %min3A_269 = arith.minimumf %scan3A_82, %rev3A_268 : vector<16xf32>
        %sort3A_270 = arith.constant dense<true> : vector<16xi1>
        %sort3A_271, %sort3A_272, %sort3A_273 = tpu.sort %min3A_269, %min3A_269 masked %sort3A_270 : (vector<16xf32>, vector<16xf32>, vector<16xi1>) -> (vector<16xi1>, vector<16xf32>, vector<16xf32>)
        %iota3A_274 = tpu.iota {dimensions = array<i32: 0>} : vector<16xi32>
        %eq3A_275 = arith.constant 9 : i32
        %eq3A_276 = vector.broadcast %eq3A_275 : i32 to vector<16xi32>
        %eq3A_277 = arith.cmpi eq, %iota3A_274, %eq3A_276 : vector<16xi32>
        %jit3A_278 = arith.constant -1.000000e+30 : f32
        %broadcast_in_dim3A_279 = vector.broadcast %jit3A_278 : f32 to vector<16xf32>
        %select_n3A_280 = arith.select %eq3A_277, %sort3A_272, %broadcast_in_dim3A_279 : vector<16xi1>, vector<16xf32>
        %reduce_max3A_281 = arith.constant true
        %reduce_max3A_282 = vector.broadcast %reduce_max3A_281 : i1 to vector<16xi1>
        %reduce_max3A_283 = tpu.scan <max>, %select_n3A_280 masked %reduce_max3A_282 : vector<16xf32>, vector<16xi1> -> vector<16xf32>
        %reduce_max3A_284 = vector.extract %reduce_max3A_283[15] : f32 from vector<16xf32>
        scf.yield %sort3A_272, %reduce_max3A_284 : vector<16xf32>, f32
      } else {
        scf.yield %scan3A_82, %scan3A_83 : vector<16xf32>, f32
      }
      %lt3A_158 = arith.cmpf olt, %reduce_min3A_153, %scan3A_85 : f32
      %convert_element_type3A_159 = arith.extui %lt3A_158 : i1 to i32
      %cond3A_160 = arith.constant 0 : i32
      %cond3A_161 = arith.constant 0 : i32
      %cond3A_162 = arith.cmpi ne, %convert_element_type3A_159, %cond3A_161 : i32
      %cond3A_163:2 = scf.if %cond3A_162 -> (vector<16xf32>, f32) {
        %sort3A = arith.constant dense<true> : vector<16xi1>
        %sort3A_164, %sort3A_165, %sort3A_166 = tpu.sort %get3A_112, %get3A_112 masked %sort3A : (vector<16xf32>, vector<16xf32>, vector<16xi1>) -> (vector<16xi1>, vector<16xf32>, vector<16xf32>)
        %sort3A_167 = arith.constant dense<true> : vector<16xi1>
        %sort3A_168, %sort3A_169, %sort3A_170 = tpu.sort %get3A_115, %get3A_115 masked %sort3A_167 : (vector<16xf32>, vector<16xf32>, vector<16xi1>) -> (vector<16xi1>, vector<16xf32>, vector<16xf32>)
        %sort3A_171 = arith.constant dense<true> : vector<16xi1>
        %sort3A_172, %sort3A_173, %sort3A_174 = tpu.sort %get3A_118, %get3A_118 masked %sort3A_171 : (vector<16xf32>, vector<16xf32>, vector<16xi1>) -> (vector<16xi1>, vector<16xf32>, vector<16xf32>)
        %sort3A_175 = arith.constant dense<true> : vector<16xi1>
        %sort3A_176, %sort3A_177, %sort3A_178 = tpu.sort %get3A_121, %get3A_121 masked %sort3A_175 : (vector<16xf32>, vector<16xf32>, vector<16xi1>) -> (vector<16xi1>, vector<16xf32>, vector<16xf32>)
        %sort3A_179 = arith.constant dense<true> : vector<16xi1>
        %sort3A_180, %sort3A_181, %sort3A_182 = tpu.sort %get3A_124, %get3A_124 masked %sort3A_179 : (vector<16xf32>, vector<16xf32>, vector<16xi1>) -> (vector<16xi1>, vector<16xf32>, vector<16xf32>)
        %sort3A_183 = arith.constant dense<true> : vector<16xi1>
        %sort3A_184, %sort3A_185, %sort3A_186 = tpu.sort %get3A_127, %get3A_127 masked %sort3A_183 : (vector<16xf32>, vector<16xf32>, vector<16xi1>) -> (vector<16xi1>, vector<16xf32>, vector<16xf32>)
        %sort3A_187 = arith.constant dense<true> : vector<16xi1>
        %sort3A_188, %sort3A_189, %sort3A_190 = tpu.sort %get3A_130, %get3A_130 masked %sort3A_187 : (vector<16xf32>, vector<16xf32>, vector<16xi1>) -> (vector<16xi1>, vector<16xf32>, vector<16xf32>)
        %sort3A_191 = arith.constant dense<true> : vector<16xi1>
        %sort3A_192, %sort3A_193, %sort3A_194 = tpu.sort %get3A_133, %get3A_133 masked %sort3A_191 : (vector<16xf32>, vector<16xf32>, vector<16xi1>) -> (vector<16xi1>, vector<16xf32>, vector<16xf32>)
        %rev3A = arith.constant 15 : i32
        %rev3A_195 = vector.broadcast %rev3A : i32 to vector<16xi32>
        %rev3A_196 = tpu.iota {dimensions = array<i32: 0>} : vector<16xi32>
        %rev3A_197 = arith.subi %rev3A_195, %rev3A_196 : vector<16xi32>
        %rev3A_198 = tpu.dynamic_gather %sort3A_169[%rev3A_197] in [0] : vector<16xf32>, vector<16xi32> -> vector<16xf32>
        %min3A_199 = arith.minimumf %sort3A_165, %rev3A_198 : vector<16xf32>
        %sort3A_200 = arith.constant dense<true> : vector<16xi1>
        %sort3A_201, %sort3A_202, %sort3A_203 = tpu.sort %min3A_199, %min3A_199 masked %sort3A_200 : (vector<16xf32>, vector<16xf32>, vector<16xi1>) -> (vector<16xi1>, vector<16xf32>, vector<16xf32>)
        %rev3A_204 = arith.constant 15 : i32
        %rev3A_205 = vector.broadcast %rev3A_204 : i32 to vector<16xi32>
        %rev3A_206 = tpu.iota {dimensions = array<i32: 0>} : vector<16xi32>
        %rev3A_207 = arith.subi %rev3A_205, %rev3A_206 : vector<16xi32>
        %rev3A_208 = tpu.dynamic_gather %sort3A_177[%rev3A_207] in [0] : vector<16xf32>, vector<16xi32> -> vector<16xf32>
        %min3A_209 = arith.minimumf %sort3A_173, %rev3A_208 : vector<16xf32>
        %sort3A_210 = arith.constant dense<true> : vector<16xi1>
        %sort3A_211, %sort3A_212, %sort3A_213 = tpu.sort %min3A_209, %min3A_209 masked %sort3A_210 : (vector<16xf32>, vector<16xf32>, vector<16xi1>) -> (vector<16xi1>, vector<16xf32>, vector<16xf32>)
        %rev3A_214 = arith.constant 15 : i32
        %rev3A_215 = vector.broadcast %rev3A_214 : i32 to vector<16xi32>
        %rev3A_216 = tpu.iota {dimensions = array<i32: 0>} : vector<16xi32>
        %rev3A_217 = arith.subi %rev3A_215, %rev3A_216 : vector<16xi32>
        %rev3A_218 = tpu.dynamic_gather %sort3A_185[%rev3A_217] in [0] : vector<16xf32>, vector<16xi32> -> vector<16xf32>
        %min3A_219 = arith.minimumf %sort3A_181, %rev3A_218 : vector<16xf32>
        %sort3A_220 = arith.constant dense<true> : vector<16xi1>
        %sort3A_221, %sort3A_222, %sort3A_223 = tpu.sort %min3A_219, %min3A_219 masked %sort3A_220 : (vector<16xf32>, vector<16xf32>, vector<16xi1>) -> (vector<16xi1>, vector<16xf32>, vector<16xf32>)
        %rev3A_224 = arith.constant 15 : i32
        %rev3A_225 = vector.broadcast %rev3A_224 : i32 to vector<16xi32>
        %rev3A_226 = tpu.iota {dimensions = array<i32: 0>} : vector<16xi32>
        %rev3A_227 = arith.subi %rev3A_225, %rev3A_226 : vector<16xi32>
        %rev3A_228 = tpu.dynamic_gather %sort3A_193[%rev3A_227] in [0] : vector<16xf32>, vector<16xi32> -> vector<16xf32>
        %min3A_229 = arith.minimumf %sort3A_189, %rev3A_228 : vector<16xf32>
        %sort3A_230 = arith.constant dense<true> : vector<16xi1>
        %sort3A_231, %sort3A_232, %sort3A_233 = tpu.sort %min3A_229, %min3A_229 masked %sort3A_230 : (vector<16xf32>, vector<16xf32>, vector<16xi1>) -> (vector<16xi1>, vector<16xf32>, vector<16xf32>)
        %rev3A_234 = arith.constant 15 : i32
        %rev3A_235 = vector.broadcast %rev3A_234 : i32 to vector<16xi32>
        %rev3A_236 = tpu.iota {dimensions = array<i32: 0>} : vector<16xi32>
        %rev3A_237 = arith.subi %rev3A_235, %rev3A_236 : vector<16xi32>
        %rev3A_238 = tpu.dynamic_gather %sort3A_212[%rev3A_237] in [0] : vector<16xf32>, vector<16xi32> -> vector<16xf32>
        %min3A_239 = arith.minimumf %sort3A_202, %rev3A_238 : vector<16xf32>
        %sort3A_240 = arith.constant dense<true> : vector<16xi1>
        %sort3A_241, %sort3A_242, %sort3A_243 = tpu.sort %min3A_239, %min3A_239 masked %sort3A_240 : (vector<16xf32>, vector<16xf32>, vector<16xi1>) -> (vector<16xi1>, vector<16xf32>, vector<16xf32>)
        %rev3A_244 = arith.constant 15 : i32
        %rev3A_245 = vector.broadcast %rev3A_244 : i32 to vector<16xi32>
        %rev3A_246 = tpu.iota {dimensions = array<i32: 0>} : vector<16xi32>
        %rev3A_247 = arith.subi %rev3A_245, %rev3A_246 : vector<16xi32>
        %rev3A_248 = tpu.dynamic_gather %sort3A_232[%rev3A_247] in [0] : vector<16xf32>, vector<16xi32> -> vector<16xf32>
        %min3A_249 = arith.minimumf %sort3A_222, %rev3A_248 : vector<16xf32>
        %sort3A_250 = arith.constant dense<true> : vector<16xi1>
        %sort3A_251, %sort3A_252, %sort3A_253 = tpu.sort %min3A_249, %min3A_249 masked %sort3A_250 : (vector<16xf32>, vector<16xf32>, vector<16xi1>) -> (vector<16xi1>, vector<16xf32>, vector<16xf32>)
        %rev3A_254 = arith.constant 15 : i32
        %rev3A_255 = vector.broadcast %rev3A_254 : i32 to vector<16xi32>
        %rev3A_256 = tpu.iota {dimensions = array<i32: 0>} : vector<16xi32>
        %rev3A_257 = arith.subi %rev3A_255, %rev3A_256 : vector<16xi32>
        %rev3A_258 = tpu.dynamic_gather %sort3A_252[%rev3A_257] in [0] : vector<16xf32>, vector<16xi32> -> vector<16xf32>
        %min3A_259 = arith.minimumf %sort3A_242, %rev3A_258 : vector<16xf32>
        %sort3A_260 = arith.constant dense<true> : vector<16xi1>
        %sort3A_261, %sort3A_262, %sort3A_263 = tpu.sort %min3A_259, %min3A_259 masked %sort3A_260 : (vector<16xf32>, vector<16xf32>, vector<16xi1>) -> (vector<16xi1>, vector<16xf32>, vector<16xf32>)
        %rev3A_264 = arith.constant 15 : i32
        %rev3A_265 = vector.broadcast %rev3A_264 : i32 to vector<16xi32>
        %rev3A_266 = tpu.iota {dimensions = array<i32: 0>} : vector<16xi32>
        %rev3A_267 = arith.subi %rev3A_265, %rev3A_266 : vector<16xi32>
        %rev3A_268 = tpu.dynamic_gather %sort3A_262[%rev3A_267] in [0] : vector<16xf32>, vector<16xi32> -> vector<16xf32>
        %min3A_269 = arith.minimumf %scan3A_84, %rev3A_268 : vector<16xf32>
        %sort3A_270 = arith.constant dense<true> : vector<16xi1>
        %sort3A_271, %sort3A_272, %sort3A_273 = tpu.sort %min3A_269, %min3A_269 masked %sort3A_270 : (vector<16xf32>, vector<16xf32>, vector<16xi1>) -> (vector<16xi1>, vector<16xf32>, vector<16xf32>)
        %iota3A_274 = tpu.iota {dimensions = array<i32: 0>} : vector<16xi32>
        %eq3A_275 = arith.constant 9 : i32
        %eq3A_276 = vector.broadcast %eq3A_275 : i32 to vector<16xi32>
        %eq3A_277 = arith.cmpi eq, %iota3A_274, %eq3A_276 : vector<16xi32>
        %jit3A_278 = arith.constant -1.000000e+30 : f32
        %broadcast_in_dim3A_279 = vector.broadcast %jit3A_278 : f32 to vector<16xf32>
        %select_n3A_280 = arith.select %eq3A_277, %sort3A_272, %broadcast_in_dim3A_279 : vector<16xi1>, vector<16xf32>
        %reduce_max3A_281 = arith.constant true
        %reduce_max3A_282 = vector.broadcast %reduce_max3A_281 : i1 to vector<16xi1>
        %reduce_max3A_283 = tpu.scan <max>, %select_n3A_280 masked %reduce_max3A_282 : vector<16xf32>, vector<16xi1> -> vector<16xf32>
        %reduce_max3A_284 = vector.extract %reduce_max3A_283[15] : f32 from vector<16xf32>
        scf.yield %sort3A_272, %reduce_max3A_284 : vector<16xf32>, f32
      } else {
        scf.yield %scan3A_84, %scan3A_85 : vector<16xf32>, f32
      }
      scf.yield %cond3A_157#0, %cond3A_157#1, %cond3A_163#0, %cond3A_163#1 : vector<16xf32>, f32, vector<16xf32>, f32
    }
    %scan3A_51 = arith.constant 160 : i32
    %iota3A = tpu.iota {dimensions = array<i32: 0>} : vector<16xi32>
    %sub3A = arith.constant 1 : i32
    %sub3A_52 = arith.subi %convert_element_type3A, %sub3A : i32
    %eq3A = vector.broadcast %sub3A_52 : i32 to vector<16xi32>
    %eq3A_53 = arith.cmpi eq, %iota3A, %eq3A : vector<16xi32>
    %jit3A = arith.constant -1.000000e+30 : f32
    %broadcast_in_dim3A_54 = vector.broadcast %jit3A : f32 to vector<16xf32>
    %select_n3A = arith.select %eq3A_53, %scan3A_50#0, %broadcast_in_dim3A_54 : vector<16xi1>, vector<16xf32>
    %reduce_max3A_55 = arith.constant true
    %reduce_max3A_56 = vector.broadcast %reduce_max3A_55 : i1 to vector<16xi1>
    %reduce_max3A_57 = tpu.scan <max>, %select_n3A masked %reduce_max3A_56 : vector<16xf32>, vector<16xi1> -> vector<16xf32>
    %reduce_max3A_58 = vector.extract %reduce_max3A_57[15] : f32 from vector<16xf32>
    %sub3A_59 = arith.constant 1 : i32
    %sub3A_60 = arith.subi %convert_element_type3A_28, %sub3A_59 : i32
    %eq3A_61 = vector.broadcast %sub3A_60 : i32 to vector<16xi32>
    %eq3A_62 = arith.cmpi eq, %iota3A, %eq3A_61 : vector<16xi32>
    %jit3A_63 = arith.constant -1.000000e+30 : f32
    %broadcast_in_dim3A_64 = vector.broadcast %jit3A_63 : f32 to vector<16xf32>
    %select_n3A_65 = arith.select %eq3A_62, %scan3A_50#2, %broadcast_in_dim3A_64 : vector<16xi1>, vector<16xf32>
    %reduce_max3A_66 = arith.constant true
    %reduce_max3A_67 = vector.broadcast %reduce_max3A_66 : i1 to vector<16xi1>
    %reduce_max3A_68 = tpu.scan <max>, %select_n3A_65 masked %reduce_max3A_67 : vector<16xf32>, vector<16xi1> -> vector<16xf32>
    %reduce_max3A_69 = vector.extract %reduce_max3A_68[15] : f32 from vector<16xf32>
    %broadcast_in_dim3A_70 = arith.constant 1.000000e+00 : f32
    %broadcast_in_dim3A_71 = vector.broadcast %broadcast_in_dim3A_70 : f32 to vector<16xf32>
    %mul3A_72 = vector.broadcast %reduce_max3A_58 : f32 to vector<16xf32>
    %mul3A_73 = arith.mulf %broadcast_in_dim3A_71, %mul3A_72 : vector<16xf32>
    %swap3A = arith.constant 0 : index
    %swap3A_74 = tpu.vector_load %arg7[%swap3A] {strides = array<i32>} : memref<16xf32, #tpu.memory_space<vmem>>, vector<16xf32>,
    tpu.vector_store %arg7[%swap3A], %mul3A_73 {strides = array<i32>} : memref<16xf32, #tpu.memory_space<vmem>>, vector<16xf32>,
    "tpu.region"() ({
      %run_scoped3A = tpu.sem_alloc : memref<!tpu.dma_semaphore, #tpu.memory_space<semaphore_mem>>
      %dma_start3A_81 = arith.constant 0 : i32
      %dma_start3A_82 = tpu.memref_slice %arg4[%add3A, %dma_start3A_81] : memref<64x16xf32, #tpu.memory_space<hbm>> -> memref<1x16xf32, #tpu.memory_space<hbm>>
      %dma_start3A_83 = tpu.memref_squeeze %dma_start3A_82 : memref<1x16xf32, #tpu.memory_space<hbm>> -> memref<16xf32, #tpu.memory_space<hbm>>
      %dma_start3A_84 = arith.constant 0 : i32
      %dma_start3A_85 = tpu.memref_slice %arg4[%add3A, %dma_start3A_84] : memref<64x16xf32, #tpu.memory_space<hbm>> -> memref<1x16xf32, #tpu.memory_space<hbm>>
      %dma_start3A_86 = tpu.memref_squeeze %dma_start3A_85 : memref<1x16xf32, #tpu.memory_space<hbm>> -> memref<16xf32, #tpu.memory_space<hbm>>
      tpu.enqueue_dma source(%arg7 : memref<16xf32, #tpu.memory_space<vmem>>) target(%dma_start3A_86 : memref<16xf32, #tpu.memory_space<hbm>>) target_semaphore(%run_scoped3A : memref<!tpu.dma_semaphore, #tpu.memory_space<semaphore_mem>>)
      %dma_wait3A_87 = arith.constant 0 : i32
      %dma_wait3A_88 = tpu.memref_slice %arg4[%add3A, %dma_wait3A_87] : memref<64x16xf32, #tpu.memory_space<hbm>> -> memref<1x16xf32, #tpu.memory_space<hbm>>
      %dma_wait3A_89 = tpu.memref_squeeze %dma_wait3A_88 : memref<1x16xf32, #tpu.memory_space<hbm>> -> memref<16xf32, #tpu.memory_space<hbm>>
      %dma_wait3A_90 = arith.constant 0 : i32
      %dma_wait3A_91 = tpu.memref_slice %arg4[%add3A, %dma_wait3A_90] : memref<64x16xf32, #tpu.memory_space<hbm>> -> memref<1x16xf32, #tpu.memory_space<hbm>>
      %dma_wait3A_92 = tpu.memref_squeeze %dma_wait3A_91 : memref<1x16xf32, #tpu.memory_space<hbm>> -> memref<16xf32, #tpu.memory_space<hbm>>
      tpu.wait_dma2 semaphore(%run_scoped3A : memref<!tpu.dma_semaphore, #tpu.memory_space<semaphore_mem>>) src(%arg7 : memref<16xf32, #tpu.memory_space<vmem>>) dst(%dma_wait3A_92 : memref<16xf32, #tpu.memory_space<hbm>>)
      tpu.yield
    }) : () -> ()
    %broadcast_in_dim3A_75 = arith.constant 1.000000e+00 : f32
    %broadcast_in_dim3A_76 = vector.broadcast %broadcast_in_dim3A_75 : f32 to vector<16xf32>
    %mul3A_77 = vector.broadcast %reduce_max3A_69 : f32 to vector<16xf32>
    %mul3A_78 = arith.mulf %broadcast_in_dim3A_76, %mul3A_77 : vector<16xf32>
    %swap3A_79 = arith.constant 0 : index
    %swap3A_80 = tpu.vector_load %arg7[%swap3A_79] {strides = array<i32>} : memref<16xf32, #tpu.memory_space<vmem>>, vector<16xf32>,
    tpu.vector_store %arg7[%swap3A_79], %mul3A_78 {strides = array<i32>} : memref<16xf32, #tpu.memory_space<vmem>>, vector<16xf32>,
    "tpu.region"() ({
      %run_scoped3A = tpu.sem_alloc : memref<!tpu.dma_semaphore, #tpu.memory_space<semaphore_mem>>
      %dma_start3A_81 = arith.constant 0 : i32
      %dma_start3A_82 = tpu.memref_slice %arg4[%add3A_2, %dma_start3A_81] : memref<64x16xf32, #tpu.memory_space<hbm>> -> memref<1x16xf32, #tpu.memory_space<hbm>>
      %dma_start3A_83 = tpu.memref_squeeze %dma_start3A_82 : memref<1x16xf32, #tpu.memory_space<hbm>> -> memref<16xf32, #tpu.memory_space<hbm>>
      %dma_start3A_84 = arith.constant 0 : i32
      %dma_start3A_85 = tpu.memref_slice %arg4[%add3A_2, %dma_start3A_84] : memref<64x16xf32, #tpu.memory_space<hbm>> -> memref<1x16xf32, #tpu.memory_space<hbm>>
      %dma_start3A_86 = tpu.memref_squeeze %dma_start3A_85 : memref<1x16xf32, #tpu.memory_space<hbm>> -> memref<16xf32, #tpu.memory_space<hbm>>
      tpu.enqueue_dma source(%arg7 : memref<16xf32, #tpu.memory_space<vmem>>) target(%dma_start3A_86 : memref<16xf32, #tpu.memory_space<hbm>>) target_semaphore(%run_scoped3A : memref<!tpu.dma_semaphore, #tpu.memory_space<semaphore_mem>>)
      %dma_wait3A_87 = arith.constant 0 : i32
      %dma_wait3A_88 = tpu.memref_slice %arg4[%add3A_2, %dma_wait3A_87] : memref<64x16xf32, #tpu.memory_space<hbm>> -> memref<1x16xf32, #tpu.memory_space<hbm>>
      %dma_wait3A_89 = tpu.memref_squeeze %dma_wait3A_88 : memref<1x16xf32, #tpu.memory_space<hbm>> -> memref<16xf32, #tpu.memory_space<hbm>>
      %dma_wait3A_90 = arith.constant 0 : i32
      %dma_wait3A_91 = tpu.memref_slice %arg4[%add3A_2, %dma_wait3A_90] : memref<64x16xf32, #tpu.memory_space<hbm>> -> memref<1x16xf32, #tpu.memory_space<hbm>>
      %dma_wait3A_92 = tpu.memref_squeeze %dma_wait3A_91 : memref<1x16xf32, #tpu.memory_space<hbm>> -> memref<16xf32, #tpu.memory_space<hbm>>
      tpu.wait_dma2 semaphore(%run_scoped3A : memref<!tpu.dma_semaphore, #tpu.memory_space<semaphore_mem>>) src(%arg7 : memref<16xf32, #tpu.memory_space<vmem>>) dst(%dma_wait3A_92 : memref<16xf32, #tpu.memory_space<hbm>>)
      tpu.yield
    }) : () -> ()
    return
  }
}

module attributes {stable_mosaic.version = 14 : i64} {
  func.func @_cost_kernel(%arg0: i32, %arg1: memref<2048x80xf32, #tpu.memory_space<vmem>>, %arg2: memref<4x2048xf32, #tpu.memory_space<vmem>>, %arg3: memref<4x2048xf32, #tpu.memory_space<vmem>>, %arg4: memref<64x4xf32, #tpu.memory_space<vmem>>, %arg5: memref<64x1xi32, #tpu.memory_space<vmem>>, %arg6: memref<64x16x128xf32, #tpu.memory_space<vmem>>) attributes {dimension_semantics = [#tpu.dimension_semantics<arbitrary>], iteration_bounds = array<i64: 10>, scalar_prefetch = 0 : i64, scratch_operands = 0 : i64, tpu.core_type = #tpu.core_type<tc>, window_params = [{transform_indices = @transform_0, window_bounds = array<i64: 2048, 80>}, {transform_indices = @transform_1, window_bounds = array<i64: 4, 2048>}, {transform_indices = @transform_2, window_bounds = array<i64: 4, 2048>}, {pipeline_mode = #tpu.pipeline_mode<synchronous>, transform_indices = @transform_3, window_bounds = array<i64: 64, 4>}, {pipeline_mode = #tpu.pipeline_mode<synchronous>, transform_indices = @transform_4, window_bounds = array<i64: 64, 1>}, {transform_indices = @transform_5, window_bounds = array<i64: 64, 16, 128>}]} {
    %get3A = arith.constant 0 : index
    %get3A_0 = arith.constant 0 : index
    %get3A_1 = vector.load %arg1[%get3A, %get3A_0] : memref<2048x80xf32, #tpu.memory_space<vmem>>, vector<2048x80xf32>
    %neg3A = arith.constant 0.000000e+00 : f32
    %neg3A_2 = vector.broadcast %neg3A : f32 to vector<2048x80xf32>
    %neg3A_3 = arith.subf %neg3A_2, %get3A_1 : vector<2048x80xf32>
    %log1p3A = math.log1p %neg3A_3 : vector<2048x80xf32>
    %broadcast_in_dim3A = arith.constant 1.000000e+00 : f32
    %broadcast_in_dim3A_4 = vector.broadcast %broadcast_in_dim3A : f32 to vector<1x80xf32>
    %dot_general3A = arith.constant dense<0.000000e+00> : vector<1x2048xf32>
    %dot_general3A_5 = tpu.matmul %broadcast_in_dim3A_4, %log1p3A, %dot_general3A {dimension_numbers = #tpu.dot_dimension_numbers<[1], [1], [0], [0], [0, 0, 1, 0], [], []>, precision = #tpu.contract_precision<fp32>, transpose_lhs_hint = false} : vector<1x80xf32>, vector<2048x80xf32>, vector<1x2048xf32> -> vector<1x2048xf32>
    %iota3A = tpu.iota {dimensions = array<i32: 1>} : vector<64x80xi32>
    %get3A_6 = arith.constant 0 : index
    %get3A_7 = arith.constant 0 : index
    %get3A_8 = vector.load %arg5[%get3A_6, %get3A_7] : memref<64x1xi32, #tpu.memory_space<vmem>>, vector<64x1xi32>
    %eq3A = vector.broadcast %get3A_8 : vector<64x1xi32> to vector<64x80xi32>
    %eq3A_9 = arith.cmpi eq, %iota3A, %eq3A : vector<64x80xi32>
    %convert_element_type3A = arith.extui %eq3A_9 : vector<64x80xi1> to vector<64x80xi32>
    %convert_element_type3A_10 = arith.sitofp %convert_element_type3A : vector<64x80xi32> to vector<64x80xf32>
    %dot_general3A_11 = arith.constant dense<0.000000e+00> : vector<64x2048xf32>
    %dot_general3A_12 = tpu.matmul %convert_element_type3A_10, %get3A_1, %dot_general3A_11 {dimension_numbers = #tpu.dot_dimension_numbers<[1], [1], [0], [0], [0, 0, 1, 0], [], []>, precision = #tpu.contract_precision<fp32>, transpose_lhs_hint = false} : vector<64x80xf32>, vector<2048x80xf32>, vector<64x2048xf32> -> vector<64x2048xf32>
    %log3A = math.log %dot_general3A_12 : vector<64x2048xf32>
    %neg3A_13 = arith.constant 0.000000e+00 : f32
    %neg3A_14 = vector.broadcast %neg3A_13 : f32 to vector<64x2048xf32>
    %neg3A_15 = arith.subf %neg3A_14, %dot_general3A_12 : vector<64x2048xf32>
    %log1p3A_16 = math.log1p %neg3A_15 : vector<64x2048xf32>
    %sub3A = arith.subf %log3A, %log1p3A_16 : vector<64x2048xf32>
    %add3A = vector.broadcast %dot_general3A_5 : vector<1x2048xf32> to vector<64x2048xf32>
    %add3A_17 = arith.addf %sub3A, %add3A : vector<64x2048xf32>
    %neg3A_18 = arith.constant 0.000000e+00 : f32
    %neg3A_19 = vector.broadcast %neg3A_18 : f32 to vector<64x2048xf32>
    %neg3A_20 = arith.subf %neg3A_19, %add3A_17 : vector<64x2048xf32>
    %get3A_21 = arith.constant 0 : index
    %get3A_22 = arith.constant 0 : index
    %get3A_23 = vector.load %arg2[%get3A_21, %get3A_22] : memref<4x2048xf32, #tpu.memory_space<vmem>>, vector<1x2048xf32>
    %get3A_24 = arith.constant 1 : index
    %get3A_25 = arith.constant 0 : index
    %get3A_26 = vector.load %arg2[%get3A_24, %get3A_25] : memref<4x2048xf32, #tpu.memory_space<vmem>>, vector<1x2048xf32>
    %get3A_27 = arith.constant 2 : index
    %get3A_28 = arith.constant 0 : index
    %get3A_29 = vector.load %arg2[%get3A_27, %get3A_28] : memref<4x2048xf32, #tpu.memory_space<vmem>>, vector<1x2048xf32>
    %get3A_30 = arith.constant 3 : index
    %get3A_31 = arith.constant 0 : index
    %get3A_32 = vector.load %arg2[%get3A_30, %get3A_31] : memref<4x2048xf32, #tpu.memory_space<vmem>>, vector<1x2048xf32>
    %get3A_33 = arith.constant 0 : index
    %get3A_34 = arith.constant 0 : index
    %get3A_35 = vector.load %arg4[%get3A_33, %get3A_34] : memref<64x4xf32, #tpu.memory_space<vmem>>, vector<64x1xf32>
    %get3A_36 = arith.constant 0 : index
    %get3A_37 = arith.constant 1 : index
    %get3A_38 = vector.load %arg4[%get3A_36, %get3A_37] : memref<64x4xf32, #tpu.memory_space<vmem>>, vector<64x1xf32>
    %get3A_39 = arith.constant 0 : index
    %get3A_40 = arith.constant 2 : index
    %get3A_41 = vector.load %arg4[%get3A_39, %get3A_40] : memref<64x4xf32, #tpu.memory_space<vmem>>, vector<64x1xf32>
    %get3A_42 = arith.constant 0 : index
    %get3A_43 = arith.constant 3 : index
    %get3A_44 = vector.load %arg4[%get3A_42, %get3A_43] : memref<64x4xf32, #tpu.memory_space<vmem>>, vector<64x1xf32>
    %sub3A_45 = vector.broadcast %get3A_23 : vector<1x2048xf32> to vector<64x2048xf32>
    %sub3A_46 = vector.broadcast %get3A_35 : vector<64x1xf32> to vector<64x2048xf32>
    %sub3A_47 = arith.subf %sub3A_45, %sub3A_46 : vector<64x2048xf32>
    %gt3A = arith.constant 0.000000e+00 : f32
    %gt3A_48 = vector.broadcast %gt3A : f32 to vector<64x2048xf32>
    %gt3A_49 = arith.cmpf ogt, %sub3A_47, %gt3A_48 : vector<64x2048xf32>
    %sub3A_50 = vector.broadcast %get3A_26 : vector<1x2048xf32> to vector<64x2048xf32>
    %sub3A_51 = vector.broadcast %get3A_38 : vector<64x1xf32> to vector<64x2048xf32>
    %sub3A_52 = arith.subf %sub3A_50, %sub3A_51 : vector<64x2048xf32>
    %gt3A_53 = arith.constant 0.000000e+00 : f32
    %gt3A_54 = vector.broadcast %gt3A_53 : f32 to vector<64x2048xf32>
    %gt3A_55 = arith.cmpf ogt, %sub3A_52, %gt3A_54 : vector<64x2048xf32>
    %and3A = arith.andi %gt3A_49, %gt3A_55 : vector<64x2048xi1>
    %sub3A_56 = vector.broadcast %get3A_41 : vector<64x1xf32> to vector<64x2048xf32>
    %sub3A_57 = vector.broadcast %get3A_23 : vector<1x2048xf32> to vector<64x2048xf32>
    %sub3A_58 = arith.subf %sub3A_56, %sub3A_57 : vector<64x2048xf32>
    %gt3A_59 = arith.constant 0.000000e+00 : f32
    %gt3A_60 = vector.broadcast %gt3A_59 : f32 to vector<64x2048xf32>
    %gt3A_61 = arith.cmpf ogt, %sub3A_58, %gt3A_60 : vector<64x2048xf32>
    %and3A_62 = arith.andi %and3A, %gt3A_61 : vector<64x2048xi1>
    %sub3A_63 = vector.broadcast %get3A_44 : vector<64x1xf32> to vector<64x2048xf32>
    %sub3A_64 = vector.broadcast %get3A_26 : vector<1x2048xf32> to vector<64x2048xf32>
    %sub3A_65 = arith.subf %sub3A_63, %sub3A_64 : vector<64x2048xf32>
    %gt3A_66 = arith.constant 0.000000e+00 : f32
    %gt3A_67 = vector.broadcast %gt3A_66 : f32 to vector<64x2048xf32>
    %gt3A_68 = arith.cmpf ogt, %sub3A_65, %gt3A_67 : vector<64x2048xf32>
    %and3A_69 = arith.andi %and3A_62, %gt3A_68 : vector<64x2048xi1>
    %add3A_70 = arith.addf %get3A_35, %get3A_41 : vector<64x1xf32>
    %mul3A = arith.constant 5.000000e-01 : f32
    %mul3A_71 = vector.broadcast %mul3A : f32 to vector<64x1xf32>
    %mul3A_72 = arith.mulf %add3A_70, %mul3A_71 : vector<64x1xf32>
    %add3A_73 = arith.addf %get3A_38, %get3A_44 : vector<64x1xf32>
    %mul3A_74 = arith.constant 5.000000e-01 : f32
    %mul3A_75 = vector.broadcast %mul3A_74 : f32 to vector<64x1xf32>
    %mul3A_76 = arith.mulf %add3A_73, %mul3A_75 : vector<64x1xf32>
    %mul3A_77 = arith.constant 2.500000e+00 : f32
    %mul3A_78 = vector.broadcast %mul3A_77 : f32 to vector<1x2048xf32>
    %mul3A_79 = arith.mulf %mul3A_78, %get3A_29 : vector<1x2048xf32>
    %sub3A_80 = vector.broadcast %mul3A_72 : vector<64x1xf32> to vector<64x2048xf32>
    %sub3A_81 = vector.broadcast %mul3A_79 : vector<1x2048xf32> to vector<64x2048xf32>
    %sub3A_82 = arith.subf %sub3A_80, %sub3A_81 : vector<64x2048xf32>
    %sub3A_83 = vector.broadcast %get3A_23 : vector<1x2048xf32> to vector<64x2048xf32>
    %sub3A_84 = arith.subf %sub3A_83, %sub3A_82 : vector<64x2048xf32>
    %gt3A_85 = arith.constant 0.000000e+00 : f32
    %gt3A_86 = vector.broadcast %gt3A_85 : f32 to vector<64x2048xf32>
    %gt3A_87 = arith.cmpf ogt, %sub3A_84, %gt3A_86 : vector<64x2048xf32>
    %mul3A_88 = arith.constant 2.500000e+00 : f32
    %mul3A_89 = vector.broadcast %mul3A_88 : f32 to vector<1x2048xf32>
    %mul3A_90 = arith.mulf %mul3A_89, %get3A_32 : vector<1x2048xf32>
    %sub3A_91 = vector.broadcast %mul3A_76 : vector<64x1xf32> to vector<64x2048xf32>
    %sub3A_92 = vector.broadcast %mul3A_90 : vector<1x2048xf32> to vector<64x2048xf32>
    %sub3A_93 = arith.subf %sub3A_91, %sub3A_92 : vector<64x2048xf32>
    %sub3A_94 = vector.broadcast %get3A_26 : vector<1x2048xf32> to vector<64x2048xf32>
    %sub3A_95 = arith.subf %sub3A_94, %sub3A_93 : vector<64x2048xf32>
    %gt3A_96 = arith.constant 0.000000e+00 : f32
    %gt3A_97 = vector.broadcast %gt3A_96 : f32 to vector<64x2048xf32>
    %gt3A_98 = arith.cmpf ogt, %sub3A_95, %gt3A_97 : vector<64x2048xf32>
    %and3A_99 = arith.andi %gt3A_87, %gt3A_98 : vector<64x2048xi1>
    %mul3A_100 = arith.constant 2.500000e+00 : f32
    %mul3A_101 = vector.broadcast %mul3A_100 : f32 to vector<1x2048xf32>
    %mul3A_102 = arith.mulf %mul3A_101, %get3A_29 : vector<1x2048xf32>
    %add3A_103 = vector.broadcast %mul3A_72 : vector<64x1xf32> to vector<64x2048xf32>
    %add3A_104 = vector.broadcast %mul3A_102 : vector<1x2048xf32> to vector<64x2048xf32>
    %add3A_105 = arith.addf %add3A_103, %add3A_104 : vector<64x2048xf32>
    %sub3A_106 = vector.broadcast %get3A_23 : vector<1x2048xf32> to vector<64x2048xf32>
    %sub3A_107 = arith.subf %add3A_105, %sub3A_106 : vector<64x2048xf32>
    %gt3A_108 = arith.constant 0.000000e+00 : f32
    %gt3A_109 = vector.broadcast %gt3A_108 : f32 to vector<64x2048xf32>
    %gt3A_110 = arith.cmpf ogt, %sub3A_107, %gt3A_109 : vector<64x2048xf32>
    %and3A_111 = arith.andi %and3A_99, %gt3A_110 : vector<64x2048xi1>
    %mul3A_112 = arith.constant 2.500000e+00 : f32
    %mul3A_113 = vector.broadcast %mul3A_112 : f32 to vector<1x2048xf32>
    %mul3A_114 = arith.mulf %mul3A_113, %get3A_32 : vector<1x2048xf32>
    %add3A_115 = vector.broadcast %mul3A_76 : vector<64x1xf32> to vector<64x2048xf32>
    %add3A_116 = vector.broadcast %mul3A_114 : vector<1x2048xf32> to vector<64x2048xf32>
    %add3A_117 = arith.addf %add3A_115, %add3A_116 : vector<64x2048xf32>
    %sub3A_118 = vector.broadcast %get3A_26 : vector<1x2048xf32> to vector<64x2048xf32>
    %sub3A_119 = arith.subf %add3A_117, %sub3A_118 : vector<64x2048xf32>
    %gt3A_120 = arith.constant 0.000000e+00 : f32
    %gt3A_121 = vector.broadcast %gt3A_120 : f32 to vector<64x2048xf32>
    %gt3A_122 = arith.cmpf ogt, %sub3A_119, %gt3A_121 : vector<64x2048xf32>
    %and3A_123 = arith.andi %and3A_111, %gt3A_122 : vector<64x2048xi1>
    %reduce_or3A = arith.constant 1.000000e+00 : f32
    %reduce_or3A_124 = arith.constant 0.000000e+00 : f32
    %reduce_or3A_125 = vector.broadcast %reduce_or3A : f32 to vector<64x2048xf32>
    %reduce_or3A_126 = vector.broadcast %reduce_or3A_124 : f32 to vector<64x2048xf32>
    %reduce_or3A_127 = arith.select %and3A_69, %reduce_or3A_125, %reduce_or3A_126 : vector<64x2048xi1>, vector<64x2048xf32>
    %reduce_or3A_128 = arith.constant dense<0xFF800000> : vector<2048xf32>
    %reduce_or3A_129 = vector.multi_reduction <maximumf>, %reduce_or3A_127, %reduce_or3A_128 [0] : vector<64x2048xf32> to vector<2048xf32>
    %reduce_or3A_130 = arith.constant 0.000000e+00 : f32
    %reduce_or3A_131 = vector.broadcast %reduce_or3A_130 : f32 to vector<2048xf32>
    %reduce_or3A_132 = arith.cmpf ogt, %reduce_or3A_129, %reduce_or3A_131 : vector<2048xf32>
    %broadcast_in_dim3A_133 = vector.shape_cast %reduce_or3A_132 : vector<2048xi1> to vector<1x2048xi1>
    %reduce_or3A_134 = arith.constant 1.000000e+00 : f32
    %reduce_or3A_135 = arith.constant 0.000000e+00 : f32
    %reduce_or3A_136 = vector.broadcast %reduce_or3A_134 : f32 to vector<64x2048xf32>
    %reduce_or3A_137 = vector.broadcast %reduce_or3A_135 : f32 to vector<64x2048xf32>
    %reduce_or3A_138 = arith.select %and3A_123, %reduce_or3A_136, %reduce_or3A_137 : vector<64x2048xi1>, vector<64x2048xf32>
    %reduce_or3A_139 = arith.constant dense<0xFF800000> : vector<2048xf32>
    %reduce_or3A_140 = vector.multi_reduction <maximumf>, %reduce_or3A_138, %reduce_or3A_139 [0] : vector<64x2048xf32> to vector<2048xf32>
    %reduce_or3A_141 = arith.constant 0.000000e+00 : f32
    %reduce_or3A_142 = vector.broadcast %reduce_or3A_141 : f32 to vector<2048xf32>
    %reduce_or3A_143 = arith.cmpf ogt, %reduce_or3A_140, %reduce_or3A_142 : vector<2048xf32>
    %broadcast_in_dim3A_144 = vector.shape_cast %reduce_or3A_143 : vector<2048xi1> to vector<1x2048xi1>
    %or3A = arith.ori %broadcast_in_dim3A_133, %broadcast_in_dim3A_144 : vector<1x2048xi1>
    %get3A_145 = arith.constant 0 : index
    %get3A_146 = arith.constant 0 : index
    %get3A_147 = vector.load %arg3[%get3A_145, %get3A_146] : memref<4x2048xf32, #tpu.memory_space<vmem>>, vector<1x2048xf32>
    %get3A_148 = arith.constant 1 : index
    %get3A_149 = arith.constant 0 : index
    %get3A_150 = vector.load %arg3[%get3A_148, %get3A_149] : memref<4x2048xf32, #tpu.memory_space<vmem>>, vector<1x2048xf32>
    %get3A_151 = arith.constant 2 : index
    %get3A_152 = arith.constant 0 : index
    %get3A_153 = vector.load %arg3[%get3A_151, %get3A_152] : memref<4x2048xf32, #tpu.memory_space<vmem>>, vector<1x2048xf32>
    %get3A_154 = arith.constant 3 : index
    %get3A_155 = arith.constant 0 : index
    %get3A_156 = vector.load %arg3[%get3A_154, %get3A_155] : memref<4x2048xf32, #tpu.memory_space<vmem>>, vector<1x2048xf32>
    %min3A = vector.broadcast %get3A_153 : vector<1x2048xf32> to vector<64x2048xf32>
    %min3A_157 = vector.broadcast %get3A_41 : vector<64x1xf32> to vector<64x2048xf32>
    %min3A_158 = arith.minimumf %min3A, %min3A_157 : vector<64x2048xf32>
    %max3A = vector.broadcast %get3A_147 : vector<1x2048xf32> to vector<64x2048xf32>
    %max3A_159 = vector.broadcast %get3A_35 : vector<64x1xf32> to vector<64x2048xf32>
    %max3A_160 = arith.maximumf %max3A, %max3A_159 : vector<64x2048xf32>
    %sub3A_161 = arith.subf %min3A_158, %max3A_160 : vector<64x2048xf32>
    %jit3A = arith.constant 0.000000e+00 : f32
    %max3A_162 = vector.broadcast %jit3A : f32 to vector<64x2048xf32>
    %max3A_163 = arith.maximumf %max3A_162, %sub3A_161 : vector<64x2048xf32>
    %min3A_164 = vector.broadcast %get3A_156 : vector<1x2048xf32> to vector<64x2048xf32>
    %min3A_165 = vector.broadcast %get3A_44 : vector<64x1xf32> to vector<64x2048xf32>
    %min3A_166 = arith.minimumf %min3A_164, %min3A_165 : vector<64x2048xf32>
    %max3A_167 = vector.broadcast %get3A_150 : vector<1x2048xf32> to vector<64x2048xf32>
    %max3A_168 = vector.broadcast %get3A_38 : vector<64x1xf32> to vector<64x2048xf32>
    %max3A_169 = arith.maximumf %max3A_167, %max3A_168 : vector<64x2048xf32>
    %sub3A_170 = arith.subf %min3A_166, %max3A_169 : vector<64x2048xf32>
    %jit3A_171 = arith.constant 0.000000e+00 : f32
    %max3A_172 = vector.broadcast %jit3A_171 : f32 to vector<64x2048xf32>
    %max3A_173 = arith.maximumf %max3A_172, %sub3A_170 : vector<64x2048xf32>
    %mul3A_174 = arith.mulf %max3A_163, %max3A_173 : vector<64x2048xf32>
    %sub3A_175 = arith.subf %get3A_153, %get3A_147 : vector<1x2048xf32>
    %sub3A_176 = arith.subf %get3A_156, %get3A_150 : vector<1x2048xf32>
    %mul3A_177 = arith.mulf %sub3A_175, %sub3A_176 : vector<1x2048xf32>
    %sub3A_178 = arith.subf %get3A_41, %get3A_35 : vector<64x1xf32>
    %sub3A_179 = arith.subf %get3A_44, %get3A_38 : vector<64x1xf32>
    %mul3A_180 = arith.mulf %sub3A_178, %sub3A_179 : vector<64x1xf32>
    %add3A_181 = vector.broadcast %mul3A_177 : vector<1x2048xf32> to vector<64x2048xf32>
    %add3A_182 = vector.broadcast %mul3A_180 : vector<64x1xf32> to vector<64x2048xf32>
    %add3A_183 = arith.addf %add3A_181, %add3A_182 : vector<64x2048xf32>
    %sub3A_184 = arith.subf %add3A_183, %mul3A_174 : vector<64x2048xf32>
    %max3A_185 = arith.constant 1.000000e-07 : f32
    %max3A_186 = vector.broadcast %max3A_185 : f32 to vector<64x2048xf32>
    %max3A_187 = arith.maximumf %sub3A_184, %max3A_186 : vector<64x2048xf32>
    %div3A = arith.divf %mul3A_174, %max3A_187 : vector<64x2048xf32>
    %jit3A_188 = arith.constant 0.000000e+00 : f32
    %broadcast_in_dim3A_189 = vector.shape_cast %or3A : vector<1x2048xi1> to vector<1x2048xi1>
    %broadcast_in_dim3A_190 = vector.broadcast %broadcast_in_dim3A_189 : vector<1x2048xi1> to vector<64x2048xi1>
    %broadcast_in_dim3A_191 = vector.broadcast %jit3A_188 : f32 to vector<64x2048xf32>
    %select_n3A = arith.select %broadcast_in_dim3A_190, %div3A, %broadcast_in_dim3A_191 : vector<64x2048xi1>, vector<64x2048xf32>
    %and3A_192 = arith.andi %and3A_69, %and3A_123 : vector<64x2048xi1>
    %add3A_193 = arith.constant 1.000000e-07 : f32
    %add3A_194 = vector.broadcast %add3A_193 : f32 to vector<64x2048xf32>
    %add3A_195 = arith.addf %select_n3A, %add3A_194 : vector<64x2048xf32>
    %log3A_196 = math.log %add3A_195 : vector<64x2048xf32>
    %neg3A_197 = arith.constant 0.000000e+00 : f32
    %neg3A_198 = vector.broadcast %neg3A_197 : f32 to vector<64x2048xf32>
    %neg3A_199 = arith.subf %neg3A_198, %log3A_196 : vector<64x2048xf32>
    %mul3A_200 = arith.constant 3.000000e+00 : f32
    %mul3A_201 = vector.broadcast %mul3A_200 : f32 to vector<64x2048xf32>
    %mul3A_202 = arith.mulf %mul3A_201, %neg3A_199 : vector<64x2048xf32>
    %add3A_203 = arith.addf %neg3A_20, %mul3A_202 : vector<64x2048xf32>
    %jit3A_204 = arith.constant 0.000000e+00 : f32
    %jit3A_205 = arith.constant 1.000000e+05 : f32
    %broadcast_in_dim3A_206 = vector.broadcast %jit3A_204 : f32 to vector<64x2048xf32>
    %broadcast_in_dim3A_207 = vector.broadcast %jit3A_205 : f32 to vector<64x2048xf32>
    %select_n3A_208 = arith.select %and3A_192, %broadcast_in_dim3A_206, %broadcast_in_dim3A_207 : vector<64x2048xi1>, vector<64x2048xf32>
    %add3A_209 = arith.addf %add3A_203, %select_n3A_208 : vector<64x2048xf32>
    %jit3A_210 = arith.constant 0.000000e+00 : f32
    %jit3A_211 = arith.constant 1.000000e+06 : f32
    %broadcast_in_dim3A_212 = vector.broadcast %jit3A_210 : f32 to vector<1x2048xf32>
    %broadcast_in_dim3A_213 = vector.broadcast %jit3A_211 : f32 to vector<1x2048xf32>
    %select_n3A_214 = arith.select %or3A, %broadcast_in_dim3A_212, %broadcast_in_dim3A_213 : vector<1x2048xi1>, vector<1x2048xf32>
    %add3A_215 = vector.broadcast %select_n3A_214 : vector<1x2048xf32> to vector<64x2048xf32>
    %add3A_216 = arith.addf %add3A_209, %add3A_215 : vector<64x2048xf32>
    %iota3A_217 = tpu.iota {dimensions = array<i32: 1>} : vector<1x2048xi32>
    %mul3A_218 = arith.constant 2048 : i32
    %mul3A_219 = arith.muli %arg0, %mul3A_218 : i32
    %add3A_220 = vector.broadcast %mul3A_219 : i32 to vector<1x2048xi32>
    %add3A_221 = arith.addi %iota3A_217, %add3A_220 : vector<1x2048xi32>
    %ge3A = arith.constant 20000 : i32
    %ge3A_222 = vector.broadcast %ge3A : i32 to vector<1x2048xi32>
    %ge3A_223 = arith.cmpi sge, %add3A_221, %ge3A_222 : vector<1x2048xi32>
    %jit3A_224 = arith.constant 1.000000e+09 : f32
    %broadcast_in_dim3A_225 = vector.shape_cast %ge3A_223 : vector<1x2048xi1> to vector<1x2048xi1>
    %broadcast_in_dim3A_226 = vector.broadcast %broadcast_in_dim3A_225 : vector<1x2048xi1> to vector<64x2048xi1>
    %broadcast_in_dim3A_227 = vector.broadcast %jit3A_224 : f32 to vector<64x2048xf32>
    %select_n3A_228 = arith.select %broadcast_in_dim3A_226, %broadcast_in_dim3A_227, %add3A_216 : vector<64x2048xi1>, vector<64x2048xf32>
    %reshape3A = vector.shape_cast %select_n3A_228 : vector<64x2048xf32> to vector<64x16x128xf32>
    %swap3A = arith.constant 0 : index
    %swap3A_229 = arith.constant 0 : index
    %swap3A_230 = arith.constant 0 : index
    %swap3A_231 = vector.load %arg6[%swap3A, %swap3A_229, %swap3A_230] : memref<64x16x128xf32, #tpu.memory_space<vmem>>, vector<64x16x128xf32>
    tpu.vector_store %arg6[%swap3A, %swap3A_229, %swap3A_230], %reshape3A {strides = array<i32>} : memref<64x16x128xf32, #tpu.memory_space<vmem>>, vector<64x16x128xf32>,
    return
  }
  func.func @transform_0(%arg0: i32) -> (i32, i32) {
    %c0_i32 = arith.constant 0 : i32
    %c0_i32_0 = arith.constant 0 : i32
    return %arg0, %c0_i32 : i32, i32
  }
  func.func @transform_1(%arg0: i32) -> (i32, i32) {
    %c0_i32 = arith.constant 0 : i32
    %c0_i32_0 = arith.constant 0 : i32
    return %c0_i32, %arg0 : i32, i32
  }
  func.func @transform_2(%arg0: i32) -> (i32, i32) {
    %c0_i32 = arith.constant 0 : i32
    %c0_i32_0 = arith.constant 0 : i32
    return %c0_i32, %arg0 : i32, i32
  }
  func.func @transform_3(%arg0: i32) -> (i32, i32) {
    %c0_i32 = arith.constant 0 : i32
    %c0_i32_0 = arith.constant 0 : i32
    %c0_i32_1 = arith.constant 0 : i32
    return %c0_i32, %c0_i32_0 : i32, i32
  }
  func.func @transform_4(%arg0: i32) -> (i32, i32) {
    %c0_i32 = arith.constant 0 : i32
    %c0_i32_0 = arith.constant 0 : i32
    %c0_i32_1 = arith.constant 0 : i32
    return %c0_i32, %c0_i32_0 : i32, i32
  }
  func.func @transform_5(%arg0: i32) -> (i32, i32, i32) {
    %c0_i32 = arith.constant 0 : i32
    %c0_i32_0 = arith.constant 0 : i32
    %c0_i32_1 = arith.constant 0 : i32
    return %c0_i32, %arg0, %c0_i32_0 : i32, i32, i32
  }
}

module attributes {stable_mosaic.version = 14 : i64} {
  func.func @_iou_kernel(%arg0: i32, %arg1: memref<4x2048xf32, #tpu.memory_space<vmem>>, %arg2: memref<4x2048xf32, #tpu.memory_space<vmem>>, %arg3: memref<64x4xf32, #tpu.memory_space<vmem>>, %arg4: memref<64x16x128xf32, #tpu.memory_space<vmem>>) attributes {dimension_semantics = [#tpu.dimension_semantics<arbitrary>], iteration_bounds = array<i64: 10>, scalar_prefetch = 0 : i64, scratch_operands = 0 : i64, tpu.core_type = #tpu.core_type<tc>, window_params = [{transform_indices = @transform_0, window_bounds = array<i64: 4, 2048>}, {transform_indices = @transform_1, window_bounds = array<i64: 4, 2048>}, {pipeline_mode = #tpu.pipeline_mode<synchronous>, transform_indices = @transform_2, window_bounds = array<i64: 64, 4>}, {transform_indices = @transform_3, window_bounds = array<i64: 64, 16, 128>}]} {
    %get3A = arith.constant 0 : index
    %get3A_0 = arith.constant 0 : index
    %get3A_1 = vector.load %arg1[%get3A, %get3A_0] : memref<4x2048xf32, #tpu.memory_space<vmem>>, vector<1x2048xf32>
    %get3A_2 = arith.constant 1 : index
    %get3A_3 = arith.constant 0 : index
    %get3A_4 = vector.load %arg1[%get3A_2, %get3A_3] : memref<4x2048xf32, #tpu.memory_space<vmem>>, vector<1x2048xf32>
    %get3A_5 = arith.constant 2 : index
    %get3A_6 = arith.constant 0 : index
    %get3A_7 = vector.load %arg1[%get3A_5, %get3A_6] : memref<4x2048xf32, #tpu.memory_space<vmem>>, vector<1x2048xf32>
    %get3A_8 = arith.constant 3 : index
    %get3A_9 = arith.constant 0 : index
    %get3A_10 = vector.load %arg1[%get3A_8, %get3A_9] : memref<4x2048xf32, #tpu.memory_space<vmem>>, vector<1x2048xf32>
    %get3A_11 = arith.constant 0 : index
    %get3A_12 = arith.constant 0 : index
    %get3A_13 = vector.load %arg3[%get3A_11, %get3A_12] : memref<64x4xf32, #tpu.memory_space<vmem>>, vector<64x1xf32>
    %get3A_14 = arith.constant 0 : index
    %get3A_15 = arith.constant 1 : index
    %get3A_16 = vector.load %arg3[%get3A_14, %get3A_15] : memref<64x4xf32, #tpu.memory_space<vmem>>, vector<64x1xf32>
    %get3A_17 = arith.constant 0 : index
    %get3A_18 = arith.constant 2 : index
    %get3A_19 = vector.load %arg3[%get3A_17, %get3A_18] : memref<64x4xf32, #tpu.memory_space<vmem>>, vector<64x1xf32>
    %get3A_20 = arith.constant 0 : index
    %get3A_21 = arith.constant 3 : index
    %get3A_22 = vector.load %arg3[%get3A_20, %get3A_21] : memref<64x4xf32, #tpu.memory_space<vmem>>, vector<64x1xf32>
    %sub3A = vector.broadcast %get3A_1 : vector<1x2048xf32> to vector<64x2048xf32>
    %sub3A_23 = vector.broadcast %get3A_13 : vector<64x1xf32> to vector<64x2048xf32>
    %sub3A_24 = arith.subf %sub3A, %sub3A_23 : vector<64x2048xf32>
    %gt3A = arith.constant 0.000000e+00 : f32
    %gt3A_25 = vector.broadcast %gt3A : f32 to vector<64x2048xf32>
    %gt3A_26 = arith.cmpf ogt, %sub3A_24, %gt3A_25 : vector<64x2048xf32>
    %sub3A_27 = vector.broadcast %get3A_4 : vector<1x2048xf32> to vector<64x2048xf32>
    %sub3A_28 = vector.broadcast %get3A_16 : vector<64x1xf32> to vector<64x2048xf32>
    %sub3A_29 = arith.subf %sub3A_27, %sub3A_28 : vector<64x2048xf32>
    %gt3A_30 = arith.constant 0.000000e+00 : f32
    %gt3A_31 = vector.broadcast %gt3A_30 : f32 to vector<64x2048xf32>
    %gt3A_32 = arith.cmpf ogt, %sub3A_29, %gt3A_31 : vector<64x2048xf32>
    %and3A = arith.andi %gt3A_26, %gt3A_32 : vector<64x2048xi1>
    %sub3A_33 = vector.broadcast %get3A_19 : vector<64x1xf32> to vector<64x2048xf32>
    %sub3A_34 = vector.broadcast %get3A_1 : vector<1x2048xf32> to vector<64x2048xf32>
    %sub3A_35 = arith.subf %sub3A_33, %sub3A_34 : vector<64x2048xf32>
    %gt3A_36 = arith.constant 0.000000e+00 : f32
    %gt3A_37 = vector.broadcast %gt3A_36 : f32 to vector<64x2048xf32>
    %gt3A_38 = arith.cmpf ogt, %sub3A_35, %gt3A_37 : vector<64x2048xf32>
    %and3A_39 = arith.andi %and3A, %gt3A_38 : vector<64x2048xi1>
    %sub3A_40 = vector.broadcast %get3A_22 : vector<64x1xf32> to vector<64x2048xf32>
    %sub3A_41 = vector.broadcast %get3A_4 : vector<1x2048xf32> to vector<64x2048xf32>
    %sub3A_42 = arith.subf %sub3A_40, %sub3A_41 : vector<64x2048xf32>
    %gt3A_43 = arith.constant 0.000000e+00 : f32
    %gt3A_44 = vector.broadcast %gt3A_43 : f32 to vector<64x2048xf32>
    %gt3A_45 = arith.cmpf ogt, %sub3A_42, %gt3A_44 : vector<64x2048xf32>
    %and3A_46 = arith.andi %and3A_39, %gt3A_45 : vector<64x2048xi1>
    %add3A = arith.addf %get3A_13, %get3A_19 : vector<64x1xf32>
    %mul3A = arith.constant 5.000000e-01 : f32
    %mul3A_47 = vector.broadcast %mul3A : f32 to vector<64x1xf32>
    %mul3A_48 = arith.mulf %add3A, %mul3A_47 : vector<64x1xf32>
    %add3A_49 = arith.addf %get3A_16, %get3A_22 : vector<64x1xf32>
    %mul3A_50 = arith.constant 5.000000e-01 : f32
    %mul3A_51 = vector.broadcast %mul3A_50 : f32 to vector<64x1xf32>
    %mul3A_52 = arith.mulf %add3A_49, %mul3A_51 : vector<64x1xf32>
    %mul3A_53 = arith.constant 2.500000e+00 : f32
    %mul3A_54 = vector.broadcast %mul3A_53 : f32 to vector<1x2048xf32>
    %mul3A_55 = arith.mulf %mul3A_54, %get3A_7 : vector<1x2048xf32>
    %sub3A_56 = vector.broadcast %mul3A_48 : vector<64x1xf32> to vector<64x2048xf32>
    %sub3A_57 = vector.broadcast %mul3A_55 : vector<1x2048xf32> to vector<64x2048xf32>
    %sub3A_58 = arith.subf %sub3A_56, %sub3A_57 : vector<64x2048xf32>
    %sub3A_59 = vector.broadcast %get3A_1 : vector<1x2048xf32> to vector<64x2048xf32>
    %sub3A_60 = arith.subf %sub3A_59, %sub3A_58 : vector<64x2048xf32>
    %gt3A_61 = arith.constant 0.000000e+00 : f32
    %gt3A_62 = vector.broadcast %gt3A_61 : f32 to vector<64x2048xf32>
    %gt3A_63 = arith.cmpf ogt, %sub3A_60, %gt3A_62 : vector<64x2048xf32>
    %mul3A_64 = arith.constant 2.500000e+00 : f32
    %mul3A_65 = vector.broadcast %mul3A_64 : f32 to vector<1x2048xf32>
    %mul3A_66 = arith.mulf %mul3A_65, %get3A_10 : vector<1x2048xf32>
    %sub3A_67 = vector.broadcast %mul3A_52 : vector<64x1xf32> to vector<64x2048xf32>
    %sub3A_68 = vector.broadcast %mul3A_66 : vector<1x2048xf32> to vector<64x2048xf32>
    %sub3A_69 = arith.subf %sub3A_67, %sub3A_68 : vector<64x2048xf32>
    %sub3A_70 = vector.broadcast %get3A_4 : vector<1x2048xf32> to vector<64x2048xf32>
    %sub3A_71 = arith.subf %sub3A_70, %sub3A_69 : vector<64x2048xf32>
    %gt3A_72 = arith.constant 0.000000e+00 : f32
    %gt3A_73 = vector.broadcast %gt3A_72 : f32 to vector<64x2048xf32>
    %gt3A_74 = arith.cmpf ogt, %sub3A_71, %gt3A_73 : vector<64x2048xf32>
    %and3A_75 = arith.andi %gt3A_63, %gt3A_74 : vector<64x2048xi1>
    %mul3A_76 = arith.constant 2.500000e+00 : f32
    %mul3A_77 = vector.broadcast %mul3A_76 : f32 to vector<1x2048xf32>
    %mul3A_78 = arith.mulf %mul3A_77, %get3A_7 : vector<1x2048xf32>
    %add3A_79 = vector.broadcast %mul3A_48 : vector<64x1xf32> to vector<64x2048xf32>
    %add3A_80 = vector.broadcast %mul3A_78 : vector<1x2048xf32> to vector<64x2048xf32>
    %add3A_81 = arith.addf %add3A_79, %add3A_80 : vector<64x2048xf32>
    %sub3A_82 = vector.broadcast %get3A_1 : vector<1x2048xf32> to vector<64x2048xf32>
    %sub3A_83 = arith.subf %add3A_81, %sub3A_82 : vector<64x2048xf32>
    %gt3A_84 = arith.constant 0.000000e+00 : f32
    %gt3A_85 = vector.broadcast %gt3A_84 : f32 to vector<64x2048xf32>
    %gt3A_86 = arith.cmpf ogt, %sub3A_83, %gt3A_85 : vector<64x2048xf32>
    %and3A_87 = arith.andi %and3A_75, %gt3A_86 : vector<64x2048xi1>
    %mul3A_88 = arith.constant 2.500000e+00 : f32
    %mul3A_89 = vector.broadcast %mul3A_88 : f32 to vector<1x2048xf32>
    %mul3A_90 = arith.mulf %mul3A_89, %get3A_10 : vector<1x2048xf32>
    %add3A_91 = vector.broadcast %mul3A_52 : vector<64x1xf32> to vector<64x2048xf32>
    %add3A_92 = vector.broadcast %mul3A_90 : vector<1x2048xf32> to vector<64x2048xf32>
    %add3A_93 = arith.addf %add3A_91, %add3A_92 : vector<64x2048xf32>
    %sub3A_94 = vector.broadcast %get3A_4 : vector<1x2048xf32> to vector<64x2048xf32>
    %sub3A_95 = arith.subf %add3A_93, %sub3A_94 : vector<64x2048xf32>
    %gt3A_96 = arith.constant 0.000000e+00 : f32
    %gt3A_97 = vector.broadcast %gt3A_96 : f32 to vector<64x2048xf32>
    %gt3A_98 = arith.cmpf ogt, %sub3A_95, %gt3A_97 : vector<64x2048xf32>
    %and3A_99 = arith.andi %and3A_87, %gt3A_98 : vector<64x2048xi1>
    %reduce_or3A = arith.constant 1.000000e+00 : f32
    %reduce_or3A_100 = arith.constant 0.000000e+00 : f32
    %reduce_or3A_101 = vector.broadcast %reduce_or3A : f32 to vector<64x2048xf32>
    %reduce_or3A_102 = vector.broadcast %reduce_or3A_100 : f32 to vector<64x2048xf32>
    %reduce_or3A_103 = arith.select %and3A_46, %reduce_or3A_101, %reduce_or3A_102 : vector<64x2048xi1>, vector<64x2048xf32>
    %reduce_or3A_104 = arith.constant dense<0xFF800000> : vector<2048xf32>
    %reduce_or3A_105 = vector.multi_reduction <maximumf>, %reduce_or3A_103, %reduce_or3A_104 [0] : vector<64x2048xf32> to vector<2048xf32>
    %reduce_or3A_106 = arith.constant 0.000000e+00 : f32
    %reduce_or3A_107 = vector.broadcast %reduce_or3A_106 : f32 to vector<2048xf32>
    %reduce_or3A_108 = arith.cmpf ogt, %reduce_or3A_105, %reduce_or3A_107 : vector<2048xf32>
    %broadcast_in_dim3A = vector.shape_cast %reduce_or3A_108 : vector<2048xi1> to vector<1x2048xi1>
    %reduce_or3A_109 = arith.constant 1.000000e+00 : f32
    %reduce_or3A_110 = arith.constant 0.000000e+00 : f32
    %reduce_or3A_111 = vector.broadcast %reduce_or3A_109 : f32 to vector<64x2048xf32>
    %reduce_or3A_112 = vector.broadcast %reduce_or3A_110 : f32 to vector<64x2048xf32>
    %reduce_or3A_113 = arith.select %and3A_99, %reduce_or3A_111, %reduce_or3A_112 : vector<64x2048xi1>, vector<64x2048xf32>
    %reduce_or3A_114 = arith.constant dense<0xFF800000> : vector<2048xf32>
    %reduce_or3A_115 = vector.multi_reduction <maximumf>, %reduce_or3A_113, %reduce_or3A_114 [0] : vector<64x2048xf32> to vector<2048xf32>
    %reduce_or3A_116 = arith.constant 0.000000e+00 : f32
    %reduce_or3A_117 = vector.broadcast %reduce_or3A_116 : f32 to vector<2048xf32>
    %reduce_or3A_118 = arith.cmpf ogt, %reduce_or3A_115, %reduce_or3A_117 : vector<2048xf32>
    %broadcast_in_dim3A_119 = vector.shape_cast %reduce_or3A_118 : vector<2048xi1> to vector<1x2048xi1>
    %or3A = arith.ori %broadcast_in_dim3A, %broadcast_in_dim3A_119 : vector<1x2048xi1>
    %get3A_120 = arith.constant 0 : index
    %get3A_121 = arith.constant 0 : index
    %get3A_122 = vector.load %arg2[%get3A_120, %get3A_121] : memref<4x2048xf32, #tpu.memory_space<vmem>>, vector<1x2048xf32>
    %get3A_123 = arith.constant 1 : index
    %get3A_124 = arith.constant 0 : index
    %get3A_125 = vector.load %arg2[%get3A_123, %get3A_124] : memref<4x2048xf32, #tpu.memory_space<vmem>>, vector<1x2048xf32>
    %get3A_126 = arith.constant 2 : index
    %get3A_127 = arith.constant 0 : index
    %get3A_128 = vector.load %arg2[%get3A_126, %get3A_127] : memref<4x2048xf32, #tpu.memory_space<vmem>>, vector<1x2048xf32>
    %get3A_129 = arith.constant 3 : index
    %get3A_130 = arith.constant 0 : index
    %get3A_131 = vector.load %arg2[%get3A_129, %get3A_130] : memref<4x2048xf32, #tpu.memory_space<vmem>>, vector<1x2048xf32>
    %min3A = vector.broadcast %get3A_128 : vector<1x2048xf32> to vector<64x2048xf32>
    %min3A_132 = vector.broadcast %get3A_19 : vector<64x1xf32> to vector<64x2048xf32>
    %min3A_133 = arith.minimumf %min3A, %min3A_132 : vector<64x2048xf32>
    %max3A = vector.broadcast %get3A_122 : vector<1x2048xf32> to vector<64x2048xf32>
    %max3A_134 = vector.broadcast %get3A_13 : vector<64x1xf32> to vector<64x2048xf32>
    %max3A_135 = arith.maximumf %max3A, %max3A_134 : vector<64x2048xf32>
    %sub3A_136 = arith.subf %min3A_133, %max3A_135 : vector<64x2048xf32>
    %jit3A = arith.constant 0.000000e+00 : f32
    %max3A_137 = vector.broadcast %jit3A : f32 to vector<64x2048xf32>
    %max3A_138 = arith.maximumf %max3A_137, %sub3A_136 : vector<64x2048xf32>
    %min3A_139 = vector.broadcast %get3A_131 : vector<1x2048xf32> to vector<64x2048xf32>
    %min3A_140 = vector.broadcast %get3A_22 : vector<64x1xf32> to vector<64x2048xf32>
    %min3A_141 = arith.minimumf %min3A_139, %min3A_140 : vector<64x2048xf32>
    %max3A_142 = vector.broadcast %get3A_125 : vector<1x2048xf32> to vector<64x2048xf32>
    %max3A_143 = vector.broadcast %get3A_16 : vector<64x1xf32> to vector<64x2048xf32>
    %max3A_144 = arith.maximumf %max3A_142, %max3A_143 : vector<64x2048xf32>
    %sub3A_145 = arith.subf %min3A_141, %max3A_144 : vector<64x2048xf32>
    %jit3A_146 = arith.constant 0.000000e+00 : f32
    %max3A_147 = vector.broadcast %jit3A_146 : f32 to vector<64x2048xf32>
    %max3A_148 = arith.maximumf %max3A_147, %sub3A_145 : vector<64x2048xf32>
    %mul3A_149 = arith.mulf %max3A_138, %max3A_148 : vector<64x2048xf32>
    %sub3A_150 = arith.subf %get3A_128, %get3A_122 : vector<1x2048xf32>
    %sub3A_151 = arith.subf %get3A_131, %get3A_125 : vector<1x2048xf32>
    %mul3A_152 = arith.mulf %sub3A_150, %sub3A_151 : vector<1x2048xf32>
    %sub3A_153 = arith.subf %get3A_19, %get3A_13 : vector<64x1xf32>
    %sub3A_154 = arith.subf %get3A_22, %get3A_16 : vector<64x1xf32>
    %mul3A_155 = arith.mulf %sub3A_153, %sub3A_154 : vector<64x1xf32>
    %add3A_156 = vector.broadcast %mul3A_152 : vector<1x2048xf32> to vector<64x2048xf32>
    %add3A_157 = vector.broadcast %mul3A_155 : vector<64x1xf32> to vector<64x2048xf32>
    %add3A_158 = arith.addf %add3A_156, %add3A_157 : vector<64x2048xf32>
    %sub3A_159 = arith.subf %add3A_158, %mul3A_149 : vector<64x2048xf32>
    %max3A_160 = arith.constant 1.000000e-07 : f32
    %max3A_161 = vector.broadcast %max3A_160 : f32 to vector<64x2048xf32>
    %max3A_162 = arith.maximumf %sub3A_159, %max3A_161 : vector<64x2048xf32>
    %div3A = arith.divf %mul3A_149, %max3A_162 : vector<64x2048xf32>
    %jit3A_163 = arith.constant 0.000000e+00 : f32
    %broadcast_in_dim3A_164 = vector.shape_cast %or3A : vector<1x2048xi1> to vector<1x2048xi1>
    %broadcast_in_dim3A_165 = vector.broadcast %broadcast_in_dim3A_164 : vector<1x2048xi1> to vector<64x2048xi1>
    %broadcast_in_dim3A_166 = vector.broadcast %jit3A_163 : f32 to vector<64x2048xf32>
    %select_n3A = arith.select %broadcast_in_dim3A_165, %div3A, %broadcast_in_dim3A_166 : vector<64x2048xi1>, vector<64x2048xf32>
    %reshape3A = vector.shape_cast %select_n3A : vector<64x2048xf32> to vector<64x16x128xf32>
    %swap3A = arith.constant 0 : index
    %swap3A_167 = arith.constant 0 : index
    %swap3A_168 = arith.constant 0 : index
    %swap3A_169 = vector.load %arg4[%swap3A, %swap3A_167, %swap3A_168] : memref<64x16x128xf32, #tpu.memory_space<vmem>>, vector<64x16x128xf32>
    tpu.vector_store %arg4[%swap3A, %swap3A_167, %swap3A_168], %reshape3A {strides = array<i32>} : memref<64x16x128xf32, #tpu.memory_space<vmem>>, vector<64x16x128xf32>,
    return
  }
  func.func @transform_0(%arg0: i32) -> (i32, i32) {
    %c0_i32 = arith.constant 0 : i32
    %c0_i32_0 = arith.constant 0 : i32
    return %c0_i32, %arg0 : i32, i32
  }
  func.func @transform_1(%arg0: i32) -> (i32, i32) {
    %c0_i32 = arith.constant 0 : i32
    %c0_i32_0 = arith.constant 0 : i32
    return %c0_i32, %arg0 : i32, i32
  }
  func.func @transform_2(%arg0: i32) -> (i32, i32) {
    %c0_i32 = arith.constant 0 : i32
    %c0_i32_0 = arith.constant 0 : i32
    %c0_i32_1 = arith.constant 0 : i32
    return %c0_i32, %c0_i32_0 : i32, i32
  }
  func.func @transform_3(%arg0: i32) -> (i32, i32, i32) {
    %c0_i32 = arith.constant 0 : i32
    %c0_i32_0 = arith.constant 0 : i32
    %c0_i32_1 = arith.constant 0 : i32
    return %c0_i32, %arg0, %c0_i32_0 : i32, i32, i32
  }
}

module attributes {stable_mosaic.version = 14 : i64} {
  func.func @_assign_kernel(%arg0: i32, %arg1: memref<64x16x128xf32, #tpu.memory_space<vmem>>, %arg2: memref<64x16x128xf32, #tpu.memory_space<vmem>>, %arg3: memref<64x1xf32, #tpu.memory_space<vmem>>, %arg4: memref<1x16x128xi32, #tpu.memory_space<vmem>>, %arg5: memref<1x16x128xi32, #tpu.memory_space<vmem>>, %arg6: memref<1x16x128xf32, #tpu.memory_space<vmem>>) attributes {dimension_semantics = [#tpu.dimension_semantics<arbitrary>], iteration_bounds = array<i64: 10>, scalar_prefetch = 0 : i64, scratch_operands = 0 : i64, tpu.core_type = #tpu.core_type<tc>, window_params = [{transform_indices = @transform_0, window_bounds = array<i64: 64, 16, 128>}, {transform_indices = @transform_1, window_bounds = array<i64: 64, 16, 128>}, {pipeline_mode = #tpu.pipeline_mode<synchronous>, transform_indices = @transform_2, window_bounds = array<i64: 64, 1>}, {transform_indices = @transform_3, window_bounds = array<i64: 1, 16, 128>}, {transform_indices = @transform_4, window_bounds = array<i64: 1, 16, 128>}, {transform_indices = @transform_5, window_bounds = array<i64: 1, 16, 128>}]} {
    %get3A = arith.constant 0 : index
    %get3A_0 = arith.constant 0 : index
    %get3A_1 = arith.constant 0 : index
    %get3A_2 = vector.load %arg1[%get3A, %get3A_0, %get3A_1] : memref<64x16x128xf32, #tpu.memory_space<vmem>>, vector<64x16x128xf32>
    %get3A_3 = arith.constant 0 : index
    %get3A_4 = arith.constant 0 : index
    %get3A_5 = arith.constant 0 : index
    %get3A_6 = vector.load %arg2[%get3A_3, %get3A_4, %get3A_5] : memref<64x16x128xf32, #tpu.memory_space<vmem>>, vector<64x16x128xf32>
    %get3A_7 = arith.constant 0 : index
    %get3A_8 = arith.constant 0 : index
    %get3A_9 = vector.load %arg3[%get3A_7, %get3A_8] : memref<64x1xf32, #tpu.memory_space<vmem>>, vector<64x1xf32>
    %reshape3A = vector.shape_cast %get3A_9 : vector<64x1xf32> to vector<64x1x1xf32>
    %le3A = vector.broadcast %reshape3A : vector<64x1x1xf32> to vector<64x16x128xf32>
    %le3A_10 = arith.cmpf ole, %get3A_2, %le3A : vector<64x16x128xf32>
    %convert_element_type3A = arith.extui %le3A_10 : vector<64x16x128xi1> to vector<64x16x128xi32>
    %reduce_sum3A = arith.constant dense<0> : vector<16x128xi32>
    %reduce_sum3A_11 = vector.multi_reduction <add>, %convert_element_type3A, %reduce_sum3A [0] : vector<64x16x128xi32> to vector<16x128xi32>
    %broadcast_in_dim3A = vector.shape_cast %reduce_sum3A_11 : vector<16x128xi32> to vector<1x16x128xi32>
    %iota3A = tpu.iota {dimensions = array<i32: 0>} : vector<64x16x128xi32>
    %reduce_min3A = arith.constant dense<0x7F800000> : vector<16x128xf32>
    %reduce_min3A_12 = vector.multi_reduction <minimumf>, %get3A_2, %reduce_min3A [0] : vector<64x16x128xf32> to vector<16x128xf32>
    %broadcast_in_dim3A_13 = vector.shape_cast %reduce_min3A_12 : vector<16x128xf32> to vector<1x16x128xf32>
    %eq3A = vector.broadcast %broadcast_in_dim3A_13 : vector<1x16x128xf32> to vector<64x16x128xf32>
    %eq3A_14 = arith.cmpf oeq, %get3A_2, %eq3A : vector<64x16x128xf32>
    %jit3A = arith.constant 1073741824 : i32
    %broadcast_in_dim3A_15 = vector.broadcast %jit3A : i32 to vector<64x16x128xi32>
    %select_n3A = arith.select %eq3A_14, %iota3A, %broadcast_in_dim3A_15 : vector<64x16x128xi1>, vector<64x16x128xi32>
    %reduce_min3A_16 = arith.constant dense<2147483647> : vector<16x128xi32>
    %reduce_min3A_17 = vector.multi_reduction <minsi>, %select_n3A, %reduce_min3A_16 [0] : vector<64x16x128xi32> to vector<16x128xi32>
    %broadcast_in_dim3A_18 = vector.shape_cast %reduce_min3A_17 : vector<16x128xi32> to vector<1x16x128xi32>
    %jit3A_19 = arith.constant 1073741824 : i32
    %broadcast_in_dim3A_20 = vector.broadcast %jit3A_19 : i32 to vector<64x16x128xi32>
    %select_n3A_21 = arith.select %le3A_10, %iota3A, %broadcast_in_dim3A_20 : vector<64x16x128xi1>, vector<64x16x128xi32>
    %reduce_min3A_22 = arith.constant dense<2147483647> : vector<16x128xi32>
    %reduce_min3A_23 = vector.multi_reduction <minsi>, %select_n3A_21, %reduce_min3A_22 [0] : vector<64x16x128xi32> to vector<16x128xi32>
    %broadcast_in_dim3A_24 = vector.shape_cast %reduce_min3A_23 : vector<16x128xi32> to vector<1x16x128xi32>
    %ge3A = arith.constant 2 : i32
    %ge3A_25 = vector.broadcast %ge3A : i32 to vector<1x16x128xi32>
    %ge3A_26 = arith.cmpi sge, %broadcast_in_dim3A, %ge3A_25 : vector<1x16x128xi32>
    %select_n3A_27 = arith.select %ge3A_26, %broadcast_in_dim3A_18, %broadcast_in_dim3A_24 : vector<1x16x128xi1>, vector<1x16x128xi32>
    %gt3A = arith.constant 0 : i32
    %gt3A_28 = vector.broadcast %gt3A : i32 to vector<1x16x128xi32>
    %gt3A_29 = arith.cmpi sgt, %broadcast_in_dim3A, %gt3A_28 : vector<1x16x128xi32>
    %eq3A_30 = vector.broadcast %select_n3A_27 : vector<1x16x128xi32> to vector<64x16x128xi32>
    %eq3A_31 = arith.cmpi eq, %iota3A, %eq3A_30 : vector<64x16x128xi32>
    %jit3A_32 = arith.constant 0.000000e+00 : f32
    %broadcast_in_dim3A_33 = vector.broadcast %jit3A_32 : f32 to vector<64x16x128xf32>
    %select_n3A_34 = arith.select %eq3A_31, %get3A_6, %broadcast_in_dim3A_33 : vector<64x16x128xi1>, vector<64x16x128xf32>
    %reduce_sum3A_35 = arith.constant dense<0.000000e+00> : vector<16x128xf32>
    %reduce_sum3A_36 = vector.multi_reduction <add>, %select_n3A_34, %reduce_sum3A_35 [0] : vector<64x16x128xf32> to vector<16x128xf32>
    %broadcast_in_dim3A_37 = vector.shape_cast %reduce_sum3A_36 : vector<16x128xf32> to vector<1x16x128xf32>
    %jit3A_38 = arith.constant 0 : i32
    %broadcast_in_dim3A_39 = vector.broadcast %jit3A_38 : i32 to vector<1x16x128xi32>
    %select_n3A_40 = arith.select %gt3A_29, %select_n3A_27, %broadcast_in_dim3A_39 : vector<1x16x128xi1>, vector<1x16x128xi32>
    %swap3A = arith.constant 0 : index
    %swap3A_41 = arith.constant 0 : index
    %swap3A_42 = arith.constant 0 : index
    %swap3A_43 = vector.load %arg4[%swap3A, %swap3A_41, %swap3A_42] : memref<1x16x128xi32, #tpu.memory_space<vmem>>, vector<1x16x128xi32>
    tpu.vector_store %arg4[%swap3A, %swap3A_41, %swap3A_42], %select_n3A_40 {strides = array<i32>} : memref<1x16x128xi32, #tpu.memory_space<vmem>>, vector<1x16x128xi32>,
    %jit3A_44 = arith.constant 1 : i32
    %jit3A_45 = arith.constant -1 : i32
    %broadcast_in_dim3A_46 = vector.broadcast %jit3A_44 : i32 to vector<1x16x128xi32>
    %broadcast_in_dim3A_47 = vector.broadcast %jit3A_45 : i32 to vector<1x16x128xi32>
    %select_n3A_48 = arith.select %gt3A_29, %broadcast_in_dim3A_46, %broadcast_in_dim3A_47 : vector<1x16x128xi1>, vector<1x16x128xi32>
    %swap3A_49 = arith.constant 0 : index
    %swap3A_50 = arith.constant 0 : index
    %swap3A_51 = arith.constant 0 : index
    %swap3A_52 = vector.load %arg5[%swap3A_49, %swap3A_50, %swap3A_51] : memref<1x16x128xi32, #tpu.memory_space<vmem>>, vector<1x16x128xi32>
    tpu.vector_store %arg5[%swap3A_49, %swap3A_50, %swap3A_51], %select_n3A_48 {strides = array<i32>} : memref<1x16x128xi32, #tpu.memory_space<vmem>>, vector<1x16x128xi32>,
    %jit3A_53 = arith.constant -1.000000e+05 : f32
    %broadcast_in_dim3A_54 = vector.broadcast %jit3A_53 : f32 to vector<1x16x128xf32>
    %select_n3A_55 = arith.select %gt3A_29, %broadcast_in_dim3A_37, %broadcast_in_dim3A_54 : vector<1x16x128xi1>, vector<1x16x128xf32>
    %swap3A_56 = arith.constant 0 : index
    %swap3A_57 = arith.constant 0 : index
    %swap3A_58 = arith.constant 0 : index
    %swap3A_59 = vector.load %arg6[%swap3A_56, %swap3A_57, %swap3A_58] : memref<1x16x128xf32, #tpu.memory_space<vmem>>, vector<1x16x128xf32>
    tpu.vector_store %arg6[%swap3A_56, %swap3A_57, %swap3A_58], %select_n3A_55 {strides = array<i32>} : memref<1x16x128xf32, #tpu.memory_space<vmem>>, vector<1x16x128xf32>,
    return
  }
  func.func @transform_0(%arg0: i32) -> (i32, i32, i32) {
    %c0_i32 = arith.constant 0 : i32
    %c0_i32_0 = arith.constant 0 : i32
    %c0_i32_1 = arith.constant 0 : i32
    return %c0_i32, %arg0, %c0_i32_0 : i32, i32, i32
  }
  func.func @transform_1(%arg0: i32) -> (i32, i32, i32) {
    %c0_i32 = arith.constant 0 : i32
    %c0_i32_0 = arith.constant 0 : i32
    %c0_i32_1 = arith.constant 0 : i32
    return %c0_i32, %arg0, %c0_i32_0 : i32, i32, i32
  }
  func.func @transform_2(%arg0: i32) -> (i32, i32) {
    %c0_i32 = arith.constant 0 : i32
    %c0_i32_0 = arith.constant 0 : i32
    %c0_i32_1 = arith.constant 0 : i32
    return %c0_i32, %c0_i32_0 : i32, i32
  }
  func.func @transform_3(%arg0: i32) -> (i32, i32, i32) {
    %c0_i32 = arith.constant 0 : i32
    %c0_i32_0 = arith.constant 0 : i32
    %c0_i32_1 = arith.constant 0 : i32
    return %c0_i32, %arg0, %c0_i32_0 : i32, i32, i32
  }
  func.func @transform_4(%arg0: i32) -> (i32, i32, i32) {
    %c0_i32 = arith.constant 0 : i32
    %c0_i32_0 = arith.constant 0 : i32
    %c0_i32_1 = arith.constant 0 : i32
    return %c0_i32, %arg0, %c0_i32_0 : i32, i32, i32
  }
  func.func @transform_5(%arg0: i32) -> (i32, i32, i32) {
    %c0_i32 = arith.constant 0 : i32
    %c0_i32_0 = arith.constant 0 : i32
    %c0_i32_1 = arith.constant 0 : i32
    return %c0_i32, %arg0, %c0_i32_0 : i32, i32, i32
  }
}

</mosaic_0001>

<sc_bundles>
// kernel: kernel.10.cloned.1.call-start
scs
__scs_entry_jumppad:
0x0: {  	(pc) =	sbr.rel $0x88, $3  }
0x1: {  	(tag) =	ssettag $0x0;
	lr =	simm.s32 $0x1  }
0x2: {  	[smem:$0x3F9C] =	sst lr;
	_ =	strace $0xD0000000  }
0x3: {  	_ = 	snop  }
0x4: {  	_ = 	snop  }
0x5: {  	_ = 	snop  }
0x6: {  	_ = 	snop  }
0x7: {  	_ = 	snop  }
__scs_overlays_trampoline_lowered:
0x8: {  	[smem:$0x3FAB] =	sst s0  }
0x9: {  	[smem:$0x3FAC] =	sst s1  }
0xa: {  	[smem:$0x3FAD] =	sst s2  }
0xb: {  	[smem:$0x3FAE] =	sst s3  }
0xc: {  	[smem:$0x3FAF] =	sst s4  }
0xd: {  	[smem:$0x3FB0] =	sst s5  }
0xe: {  	[smem:$0x3FB1] =	sst s6  }
0xf: {  	[smem:$0x3FB2] =	sst s7  }
0x10: {  	[smem:$0x3FB3] =	sst s8  }
0x11: {  	[smem:$0x3FB4] =	sst s9;
	s0 =	simm.s32 @!p0 $0x0  }
0x12: {  	s1 =	sld [smem:$0x3F9A];
	s0 =	simm.s32 @p0 $0x1  }
0x13: {  	[smem:$0x3FB5] =	sst s0;
	s0 =	simm.s32 @!p1 $0x0  }
0x14: {  	s2 =	sld [smem:$0x3F99];
	s0 =	simm.s32 @p1 $0x1  }
0x15: {  	[smem:$0x3FB6] =	sst s0;
	s0 =	simm.s32 @!p2 $0x0  }
0x16: {  	s3 =	sld [smem:$0x3FDB];
	s0 =	simm.s32 @p2 $0x1  }
0x17: {  	s4 =	simm.s32 $0x1BF5;
	[smem:$0x3FB8] =	sst s0  }
0x18: {  	s0 =	sld [smem:$0x3F9B];
	_ =	swait.ge [sflag:s4], $0x0  }
0x19: {  	s7 =	sld [smem:$0x3F9C]  }
0x1a: {  	s8 =	sadd.s32 $0xFFFFE003, lr  }
0x1b: {  	s9 =	sadd.s32 $0xFFFFFEF7, lr;
	s5 =	simm.s32 $0xFFFFFFFF;
	p2 =	slt.u32 s8, $0xFFFFF086  }
0x1c: {  	p1 =	slt.u32 s9, $0xF7A;
	s5 =	simm.s32 @!p2 $0x0  }
0x1d: {  	s5 =	simm.s32 @p1 $0x1;
	p0 =	seq.s32 s7, s2  }
0x1e: {  	s7 =	smul.u32 @!p0 $0xF7A, s2;
	p2 =	seq.s32 @!p0 s5, $0x0  }
0x1f: {  	s9 =	smul.u32 $0xF7A, s1;
	s8 =	simm.s32 @!p0 $0x1BF5;
	p2 =	por !p2, p0  }
0x20: {  	[sflag:s8] =	ssyncset.s32 @!p0 $0xFFFFF086;
	s6 =	sadd.s32 @!p0 s3, s7;
	s7 =	simm.s32 @!p0 $0x108  }
0x21: {  	s3 =	sadd.s32 s3, s9;
	s6 =	sadd.s32 @!p0 $0x88, s6;
	s7 =	simm.s32 @p2 $0x1082  }
0x22: {  	[simem:s7], [sflag:s8] =	dma.local @!p0 [hbm:s6], $0xF7A  }
0x23: {  	s9 =	sor.u32 $0xD0000000, s2;
	s6 =	simm.s32 $0x108;
	_ =	swait.ge @!p0 [sflag:s8], $0x0  }
0x24: {  	s3 =	sadd.s32 $0x88, s3;
	s6 =	simm.s32 @!p1 $0x1082;
	[sflag:s4] =	ssyncset.s32 $0xFFFFF086  }
0x25: {  	[simem:s6], [sflag:s4] =	dma.local [hbm:s3], $0xF7A  }
0x26: {  	[smem:$0x3F9C] =	sst s1;
	(tag) =	ssettag s2;
	_ =	strace s9  }
0x27: {  	s1 =	sld [smem:$0x3FAC]  }
0x28: {  	s2 =	sld [smem:$0x3FAD]  }
0x29: {  	s4 =	sld [smem:$0x3FAF]  }
0x2a: {  	p0 =	seq.s32 s5, $0x0;
	s5 =	sld [smem:$0x3FB0]  }
0x2b: {  	s6 =	sld [smem:$0x3FB1]  }
0x2c: {  	s7 =	sld [smem:$0x3FB2]  }
0x2d: {  	s3 =	simm.s32 $0x108;
	s8 =	sld [smem:$0x3FB3]  }
0x2e: {  	s3 =	simm.s32 @!p0 $0x1082;
	s9 =	sld [smem:$0x3FB4]  }
0x2f: {  	lr =	sadd.s32 s0, s3;
	s0 =	sld [smem:$0x3FAB]  }
0x30: {  	s3 =	sld [smem:$0x3FAE]  }
0x31: {  	[smem:$0x3FB7] =	sst s10  }
0x32: {  	s10 =	sld [smem:$0x3FB5];
	_ =	sdelay $0x3  }
0x33: {  	p0 =	seq.s32 s10, $0x1;
	s10 =	sld [smem:$0x3FB7];
	_ =	sdelay $0x3  }
0x34: {  	[smem:$0x3FB7] =	sst s10  }
0x35: {  	s10 =	sld [smem:$0x3FB6];
	_ =	sdelay $0x3  }
0x36: {  	p1 =	seq.s32 s10, $0x1;
	s10 =	sld [smem:$0x3FB7];
	_ =	sdelay $0x3  }
0x37: {  	[smem:$0x3FB7] =	sst s10  }
0x38: {  	s10 =	sld [smem:$0x3FB8]  }
0x39: {  	_ = 	snop;
	(pc) =	sbr.ind lr, $3  }
0x3a: {  	_ = 	snop  }
0x3b: {  	_ = 	snop  }
0x3c: {  	p2 =	seq.s32 s10, $0x1;
	s10 =	sld [smem:$0x3FB7]  }
0x3d: {  	_ =	shalt  }
0x3e: {  	_ =	shalt  }
0x3f: {  	_ =	shalt  }
0x40: {  	_ =	shalt  }
0x41: {  	_ =	shalt  }
0x42: {  	_ =	shalt  }
0x43: {  	_ =	shalt  }
0x44: {  	_ =	shalt  }
0x45: {  	_ =	shalt  }
0x46: {  	_ =	shalt  }
0x47: {  	_ =	shalt  }
0x48: {  	_ =	shalt  }
0x49: {  	_ =	shalt  }
0x4a: {  	_ =	shalt  }
0x4b: {  	_ =	shalt  }
0x4c: {  	_ =	shalt  }
0x4d: {  	_ =	shalt  }
0x4e: {  	_ =	shalt  }
0x4f: {  	_ =	shalt  }
0x50: {  	_ =	shalt  }
0x51: {  	_ =	shalt  }
0x52: {  	_ =	shalt  }
0x53: {  	_ =	shalt  }
0x54: {  	_ =	shalt  }
0x55: {  	_ =	shalt  }
0x56: {  	_ =	shalt  }
0x57: {  	_ =	shalt  }
0x58: {  	_ =	shalt  }
0x59: {  	_ =	shalt  }
0x5a: {  	_ =	shalt  }
0x5b: {  	_ =	shalt  }
0x5c: {  	_ =	shalt  }
0x5d: {  	_ =	shalt  }
0x5e: {  	_ =	shalt  }
0x5f: {  	_ =	shalt  }
0x60: {  	_ =	shalt  }
0x61: {  	_ =	shalt  }
0x62: {  	_ =	shalt  }
0x63: {  	_ =	shalt  }
0x64: {  	_ =	shalt  }
0x65: {  	_ =	shalt  }
0x66: {  	_ =	shalt  }
0x67: {  	_ =	shalt  }
0x68: {  	_ =	shalt  }
0x69: {  	_ =	shalt  }
0x6a: {  	_ =	shalt  }
0x6b: {  	_ =	shalt  }
0x6c: {  	_ =	shalt  }
0x6d: {  	_ =	shalt  }
0x6e: {  	_ =	shalt  }
0x6f: {  	_ =	shalt  }
0x70: {  	_ =	shalt  }
0x71: {  	_ =	shalt  }
0x72: {  	_ =	shalt  }
0x73: {  	_ =	shalt  }
0x74: {  	_ =	shalt  }
0x75: {  	_ =	shalt  }
0x76: {  	_ =	shalt  }
0x77: {  	_ =	shalt  }
0x78: {  	_ =	shalt  }
0x79: {  	_ =	shalt  }
0x7a: {  	_ =	shalt  }
0x7b: {  	_ =	shalt  }
0x7c: {  	_ =	shalt  }
0x7d: {  	_ =	shalt  }
0x7e: {  	_ =	shalt  }
0x7f: {  	_ =	shalt  }
0x80: {  	_ =	shalt  }
0x81: {  	_ =	shalt  }
0x82: {  	_ =	shalt  }
0x83: {  	_ =	shalt  }
0x84: {  	_ =	shalt  }
0x85: {  	_ =	shalt  }
0x86: {  	_ =	shalt  }
0x87: {  	_ =	shalt  }
.Lfunc_end0:
.L_simem_size_0:
called_computation.1_lowered:
.L_overlay_start_0:
0x88: {  	s2 =	sld [smem:$0x3FD9]  }
0x89: {  	s3 =	sld [smem:$0x3FFE];
	_ =	sdelay $0x1  }
0x8a: {  	s1 =	srdreg.scid  }
0x8b: {  	s0 =	sand.u32 $0x1, s1  }
0x8c: {  	s14 =	sshll.u32 s0, $0xA;
	s2 =	sadd.s32 s3, s2  }
0x8d: {  	s2 =	sadd.s32 s2, s14  }
0x8e: {  	[smem:$0x3FC3] =	sst s2  }
0x8f: {  	_ = 	snop  }
0x90: {  	s2 =	sld [smem:$0x3FD0];
	_ =	sdelay $0x2  }
0x91: {  	s15 =	simm.s32 $0xA;
	s4 =	simm.s32 $0x10  }
0x92: {  	[smem:s4], [sflag:s15] =	dma.local [hbm:s2], $0x1  }
0x93: {  	_ =	swait.eq [sflag:s15], $0x1  }
0x94: {  	[sflag:s15] =	ssyncset.done $0x0  }
0x95: {  	s16 =	sld [smem:$0x11];
	[sflag:s15] =	ssyncadd.s32 $0xFFFFFFFF  }
0x96: {  	s17 =	sld [smem:$0x12];
	(tm) =	ssettm $0x1  }
0x97: {  	s18 =	sld [smem:$0x3FFB];
	_ =	sdelay $0x3  }
0x98: {  	_ =	strace s18  }
0x99: {  	s4 =	sld [smem:$0x3FFC];
	_ =	sdelay $0x3  }
0x9a: {  	_ =	strace s4  }
0x9b: {  	s4 =	sld [smem:$0x3FFD];
	_ =	sdelay $0x3  }
0x9c: {  	_ =	strace s4  }
0x9d: {  	_ =	strace $0x8FFFFFFF  }
0x9e: {  	s19 =	sld [smem:$0x3FDB];
	_ =	sdelay $0x1  }
0x9f: {  	s5 =	simm.s32 $_scs_section_size  }
0xa0: {  	s6 =	simm.s32 $_size__tile_overlayer_lowered;
	s7 =	simm.s32 $_tile_overlayer_lowered  }
0xa1: {  	s22 =	simm.s32 $0x1BFF;
	s21 =	sshll.u32 s7, $0x1;
	s4 =	sadd.s32 s5, s19  }
0xa2: {  	s8 =	simm.s32 $0x0;
	s20 =	sshll.u32 s6, $0x1;
	s6 =	sadd.s32 s21, s4  }
0xa3: {  	[timem:s8], [sflag:s22] =	dma.local [hbm:s6], s20  }
0xa4: {  	_ =	swait.ge [sflag:s22], s20  }
0xa5: {  	s5 =	ssub.s32 $0x0, s20;
	[sflag:s22] =	ssyncset.done $0x0  }
0xa6: {  	[sflag:s22] =	ssyncadd.s32 s5;
	_ =	sdelay $0x1  }
0xa7: {  	s23 =	simm.s32 $0x1B8B  }
0xa8: {  	_ =	swait.ge [sflag:s23], $0x1  }
0xa9: {  	[sflag:s23] =	ssyncset.done $0x0  }
0xaa: {  	s25 =	simm.s32 $0x1B8E;
	s24 =	sld [smem:$0x3FFE];
	[sflag:s23] =	ssyncadd.s32 $0xFFFFFFFF  }
0xab: {  	s26 =	simm.s32 $execute0_lowered;
	[smem:$0x3FD2] =	sst s25  }
0xac: {  	s6 =	sshll.u32 s26, $0x1;
	_ =	strace $0x80000049;
	[dreg:$0x1] =	wrdreg $0xFFFFFFFF  }
0xad: {  	s28 =	simm.s32 $_size_execute0_lowered;
	s4 =	sadd.s32 s4, s6;
	[dreg:$0x0] =	wrdreg $0x0  }
0xae: {  	s6 =	sshll.u32 s28, $0x1;
	[dreg:$0x2] =	wrdreg s4  }
0xaf: {  	[dreg:$0x3] =	wrdreg s6  }
0xb0: {  	[dreg:$0x4] =	wrdreg $0xC0  }
0xb1: {  	_ =	task [dreg:s8], $0x5FFFF  }
0xb2: {  	[dreg:$0x1] =	wrdreg $0xFFFFFFFF  }
0xb3: {  	[dreg:$0x0] =	wrdreg $0x60  }
0xb4: {  	[dreg:$0x2] =	wrdreg s24  }
0xb5: {  	[dreg:$0x3] =	wrdreg s16  }
0xb6: {  	[dreg:$0x4] =	wrdreg s17  }
0xb7: {  	[dreg:$0x5] =	wrdreg $0x9  }
0xb8: {  	_ =	task.clear_ibuf [dreg:s8], $0x6FFFF;
	_ =	strace $0x90000049  }
0xb9: {  	s29 =	simm.s32 $0x9;
	_ =	strace $0x8000004B  }
0xba: {  	_ =	swait.ge [sflag:s29], $0x1  }
0xbb: {  	[sflag:s29] =	ssyncadd.s32 $0xFFFFFFFF  }
0xbc: {  	_ =	strace $0x9000004B  }
0xbd: {  	_ =	sfence  }
0xbe: {  	s30 =	sld [smem:$0x0];
	_ =	sdelay $0x2  }
0xbf: {  	s31 =	sshll.u32 s1, $0xD;
	s1 =	sshrl.u32 s1, $0x2  }
0xc0: {  	s3 =	sand.u32 $0x4000, s31;
	s1 =	sadd.s32 s1, s30  }
0xc1: {  	s0 =	sor.u32 s3, s0;
	s1 =	sshll.u32 s1, $0x11  }
0xc2: {  	s0 =	sor.u32 s1, s0  }
0xc3: {  	s0 =	sadd.s32 $0x8F2B, s0  }
0xc4: {  	[sflag:s0] =	ssyncadd.remote.s32 $0x1  }
0xc5: {  	_ =	sfence.sel $0xFFFF  }
0xc6: {  	[dreg:$0x0] =	wrdreg $0xFFFFFFFF;
	(pc) =	sbr.abs _section_cstart, $3  }
0xc7: {  	[dreg:$0x1] =	wrdreg $0xFFFFFFFF  }
0xc8: {  	_ =	task.clear_ibuf [dreg:s8], $0x2FFFF;
	_ =	strace $0x9FFFFFFF  }
0xc9: {  	(tm) =	ssettm $0x7FFFFFFF  }
tec
execute0_lowered:
.L_overlay_start_1:
0x0: {  	(tag) =	ssettag $0x1  }
0x1: {  	s3 =	rddreg [dreg:$0x0]  }
0x2: {  	s6 =	rddreg [dreg:$0x1]  }
0x3: {  	s8 =	rddreg [dreg:$0x2]  }
0x4: {  	s0 =	rddreg [dreg:$0x3];
	s2 =	simm.s32 $0x0;
	s4 =	srdreg.scid  }
0x5: {  	s1 =	stileid.u32;
	s14 =	simm.s32 $0x1;
	s15 =	simm.s32 $0x2  }
0x6: {  	s16 =	simm.s32 $0xA000;
	s17 =	simm.s32 $0x0;
	[smem:$0x7FF] =	sst s2  }
0x7: {  	s4 =	sand.u32 $0x1, s4;
	s7 =	sshll.u32 s1, $0x1;
	s9 =	sadd.s32 $0x2A600, s3  }
0x8: {  	_ =	strace $0x8000004A;
	s5 =	ssub.s32 $0x2, s4;
	s4 =	sor.u32 s4, s7  }
0x9: {  	s25 =	sshrl.u32 s5, $0x1;
	s26 =	sor.u32 $0x20, s4;
	s28 =	smul.u32 $0xA00, s4  }
0xa: {  	s11 =	sshll.u32 s4, $0x4;
	s10 =	ssub.s32 s5, s25;
	s29 =	smul.u32 $0xA00, s26  }
0xb: {  	s30 =	sshll.u32 s26, $0x4;
	s12 =	sand.u32 $0x70, s11;
	s5 =	sadd.s32 s6, s11  }
0xc: {  	s7 =	sadd.s32 s8, s11;
	s11 =	simm.s32 $0xA080;
	s13 =	sand.u32 $0x380, s30  }
0xd: {  	s3 =	sadd.s32 s9, s28;
	s4 =	sadd.s32 s9, s29;
	s31 =	sor.u32 s12, s13  }
0xe: {  	s9 =	smax.u32 s10, $0x1;
	s10 =	simm.s32 $0x5000;
	s12 =	simm.s32 $0x3  }
0xf: {  	v0 =	vlaneseq.u32;
	s13 =	simm.s32 $0xA100;
	s6 =	sadd.s32 s6, s31;
	s8 =	sadd.s32 s8, s31  }
.LBB2_1:
0x10: {  	[tilespmem:s2], [sflag:$0x1] =	stream.linear.gather [hbm4b:s3+s2], $0x5000, $0x38;
	[tilespmem:$0xA180] =	vst v63  }
0x11: {  	_ = 	snop  }
0x12: {  	[tilespmem:s10], [sflag:$0x2] =	stream.linear.gather [hbm4b:s4+s2], $0x5000, $0x38;
	[tilespmem:$0xA180] =	vst v63  }
0x13: {  	_ = 	snop  }
0x14: {  	[tilespmem:s11], [sflag:$0x3] =	stream.linear.gather [hbm4b:s5+s2], $0x80, $0x38;
	[tilespmem:$0xA180] =	vst v63  }
0x15: {  	_ =	swait.ge [sflag:s12], $0x80  }
0x16: {  	[sflag:s12] =	ssyncset.done $0x0  }
0x17: {  	[sflag:s12] =	ssyncadd.s32 $0xFFFFFF80  }
0x18: {  	[tilespmem:s13], [sflag:$0x3] =	stream.linear.gather [hbm4b:s6+s2], $0x80, $0x38;
	[tilespmem:$0xA180] =	vst v63  }
0x19: {  	_ =	swait.ge [sflag:s12], $0x80  }
0x1a: {  	[sflag:s12] =	ssyncset.done $0x0  }
0x1b: {  	[sflag:s12] =	ssyncadd.s32 $0xFFFFFF80  }
0x1c: {  	v2 =	vld [tilespmem:$0xA080]  }
0x1d: {  	v1 =	vld [tilespmem:$0xA100];
	_ =	swait.ge [sflag:s14], $0x5000  }
0x1e: {  	[sflag:s14] =	ssyncset.done $0x0  }
0x1f: {  	[sflag:s14] =	ssyncadd.s32 $0xFFFFB000  }
0x20: {  	_ =	swait.ge [sflag:s15], $0x5000  }
0x21: {  	[sflag:s15] =	ssyncset.done $0x0  }
0x22: {  	s18 =	simm.s32 $0x0;
	[sflag:s15] =	ssyncadd.s32 $0xFFFFB000  }
0x23: {  	v3 =	vld [tilespmem:s18+$0x5070]  }
0x24: {  	v4 =	vld [tilespmem:s18+$0x70]  }
0x25: {  	v5 =	vld [tilespmem:s18+$0x50]  }
0x26: {  	v6 =	vld [tilespmem:s18+$0x5010]  }
0x27: {  	v7 =	vld [tilespmem:s18+$0x60]  }
0x28: {  	v8 =	vld [tilespmem:s18+$0x5050]  }
0x29: {  	v9 =	vld [tilespmem:s18+$0x40]  }
0x2a: {  	v10 =	vld [tilespmem:s18+$0x30]  }
0x2b: {  	v12 =	vld [tilespmem:s18+$0x5020]  }
0x2c: {  	v11 =	vld [tilespmem:s18+$0x0]  }
0x2d: {  	v13 =	vld [tilespmem:s18+$0x20]  }
0x2e: {  	v14 =	vld [tilespmem:s18+$0x5030]  }
0x2f: {  	v15 =	vld [tilespmem:s18+$0x5060]  }
0x30: {  	v16 =	vld [tilespmem:s18+$0x5040]  }
0x31: {  	v17 =	vld [tilespmem:s18+$0x5000]  }
0x32: {  	v18 =	vld [tilespmem:s18+$0x10];
	_ =	sdelay $0x1  }
0x33: {  	v19 =	vmin.f32 v13, v10  }
0x34: {  	v20 =	vmin.f32 v12, v14;
	v21 =	vmin.f32 v7, v4;
	v22 =	vmin.f32 v15, v3  }
0x35: {  	v23 =	vmin.f32 v9, v5;
	v24 =	vmin.f32 v16, v8;
	v25 =	vmin.f32 v17, v6  }
0x36: {  	v26 =	vmin.f32 v11, v18;
	v22 =	vmin.f32 v24, v22;
	v20 =	vmin.f32 v25, v20  }
0x37: {  	v21 =	vmin.f32 v23, v21;
	v19 =	vmin.f32 v26, v19;
	v20 =	vmin.f32 v20, v22  }
0x38: {  	v19 =	vmin.f32 v19, v21;
	(xrf0) =	vmin.scan.msk.f32 $0xffff, v20  }
0x39: {  	(xrf0) =	vmin.scan.msk.f32 $0xffff, v19;
	_ =	sdelay $0x4  }
0x3a: {  	v19, _, _ =	vpop (xrf0)  }
0x3b: {  	v20, _, _ =	vpop (xrf0);
	(v2sf) =	vpush v19, $0xF  }
0x3c: {  	(v2sf) =	vpush v20, $0xF;
	_ =	sdelay $0xd  }
0x3d: {  	s19 =	spop (v2sf)  }
0x3e: {  	s18 =	simm.f32 $1.000000020e+30;
	s20 =	spop (v2sf)  }
0x3f: {  	p0 =	slt.f32 s20, s18;
	_ =	sdelay $0x1  }
0x40: {  	(xrf1) =	vsort.ascd.msk.f32 @p0 $0xffff, v9, v9  }
0x41: {  	(xrf1) =	vsort.ascd.msk.f32 @p0 $0xffff, v5, v5  }
0x42: {  	(xrf1) =	vsort.ascd.msk.f32 @p0 $0xffff, v4, v4;
	_ =	sdelay $0x2  }
0x43: {  	(xrf1) =	vsort.ascd.msk.f32 @p0 $0xffff, v10, v10  }
0x44: {  	(xrf1) =	vsort.ascd.msk.f32 @p0 $0xffff, v7, v7  }
0x45: {  	(xrf1) =	vsort.ascd.msk.f32 @p0 $0xffff, v13, v13;
	_ =	sdelay $0x2  }
0x46: {  	v4 =	vlaneseq.u32 @p0  }
0x47: {  	v4 =	vmul.u32 @p0 $0xFFFFFFFF, v4;
	(xrf1) =	vsort.ascd.msk.f32 @p0 $0xffff, v18, v18;
	_ =	sdelay $0x1  }
0x48: {  	(xrf1) =	vsort.ascd.msk.f32 @p0 $0xffff, v11, v11  }
0x49: {  	v5, _, _ =	vpop @p0 (xrf1)  }
0x4a: {  	v11 =	vadd.s32 @p0 $0xF, v4;
	v4, _, _ =	vpop @p0 (xrf1)  }
0x4b: {  	v7, _, _ =	vpop @p0 (xrf1)  }
0x4c: {  	v7 =	vperm.xlane @p0 v7, v11  }
0x4d: {  	v4 =	vperm.xlane @p0 v4, v11  }
0x4e: {  	v9, _, _ =	vpop @p0 (xrf1)  }
0x4f: {  	v9 =	vperm.xlane @p0 v9, v11;
	v4 =	vmin.f32 @p0 v5, v4;
	v5, _, _ =	vpop @p0 (xrf1)  }
0x50: {  	v5 =	vmin.f32 @p0 v5, v7;
	(xrf1) =	vsort.ascd.msk.f32 @p0 $0xffff, v4, v4;
	v7, _, _ =	vpop @p0 (xrf1)  }
0x51: {  	p1 =	slt.f32 s19, s18;
	(xrf1) =	vsort.ascd.msk.f32 @p0 $0xffff, v5, v5;
	v4 =	vmin.f32 @p0 v7, v9  }
0x52: {  	(xrf1) =	vsort.ascd.msk.f32 @p0 $0xffff, v4, v4  }
0x53: {  	(xrf1) =	vsort.ascd.msk.f32 @p1 $0xffff, v16, v16  }
0x54: {  	v4, _, _ =	vpop @p0 (xrf1);
	(xrf1) =	vsort.ascd.msk.f32 @p1 $0xffff, v15, v15  }
0x55: {  	v4 =	vperm.xlane @p0 v4, v11;
	(xrf1) =	vsort.ascd.msk.f32 @p1 $0xffff, v8, v8  }
0x56: {  	v5, _, _ =	vpop @p0 (xrf1);
	(xrf1) =	vsort.ascd.msk.f32 @p1 $0xffff, v14, v14  }
0x57: {  	v4 =	vmin.f32 @p0 v5, v4;
	(xrf1) =	vsort.ascd.msk.f32 @p1 $0xffff, v3, v3  }
0x58: {  	(xrf1) =	vsort.ascd.msk.f32 @p0 $0xffff, v4, v4;
	_ =	sdelay $0x2  }
0x59: {  	(xrf1) =	vsort.ascd.msk.f32 @p1 $0xffff, v12, v12  }
0x5a: {  	(xrf1) =	vsort.ascd.msk.f32 @p1 $0xffff, v6, v6;
	_ =	sdelay $0x1  }
0x5b: {  	v5 =	vlaneseq.u32 @p1;
	(xrf1) =	vsort.ascd.msk.f32 @p1 $0xffff, v17, v17;
	v3, _, _ =	vpop @p0 (xrf1)  }
0x5c: {  	v5 =	vmul.u32 @p1 $0xFFFFFFFF, v5;
	v4, _, _ =	vpop @p0 (xrf1)  }
0x5d: {  	v6, _, _ =	vpop @p0 (xrf1)  }
0x5e: {  	v7, _, _ =	vpop @p1 (xrf1)  }
0x5f: {  	v8, _, _ =	vpop @p1 (xrf1)  }
0x60: {  	v14 =	vadd.s32 @p1 $0xF, v5;
	v4 =	vperm.xlane @p0 v4, v11;
	v5, _, _ =	vpop @p1 (xrf1)  }
0x61: {  	v5 =	vperm.xlane @p1 v5, v14;
	v9, _, _ =	vpop @p1 (xrf1)  }
0x62: {  	v3 =	vmin.f32 @p0 v3, v4;
	v4 =	vperm.xlane @p0 v6, v11;
	v6, _, _ =	vpop @p1 (xrf1)  }
0x63: {  	(xrf1) =	vsort.ascd.msk.f32 @p0 $0xffff, v3, v3;
	v3 =	vmin.f32 @p1 v7, v5;
	v5 =	vperm.xlane @p1 v6, v14;
	v6, _, _ =	vpop @p0 (xrf1)  }
0x64: {  	v4 =	vmin.f32 @p0 v6, v4  }
0x65: {  	(xrf1) =	vsort.ascd.msk.f32 @p1 $0xffff, v3, v3  }
0x66: {  	v7 =	vperm.xlane @p1 v9, v14;
	v6, _, _ =	vpop @p1 (xrf1);
	v3 =	vmin.f32 @p1 v8, v5;
	(xrf1) =	vsort.ascd.msk.f32 @p0 $0xffff, v4, v4  }
0x67: {  	(xrf1) =	vsort.ascd.msk.f32 @p1 $0xffff, v3, v3;
	v4, _, _ =	vpop @p1 (xrf1)  }
0x68: {  	v5 =	vmin.f32 @p1 v6, v7;
	v4 =	vperm.xlane @p1 v4, v14  }
0x69: {  	(xrf1) =	vsort.ascd.msk.f32 @p1 $0xffff, v5, v5;
	v3, _, _ =	vpop @p1 (xrf1)  }
0x6a: {  	v3 =	vmin.f32 @p1 v3, v4  }
0x6b: {  	s31 =	simm.s32 $0x80;
	(xrf1) =	vsort.ascd.msk.f32 @p1 $0xffff, v3, v3  }
0x6c: {  	v21 =	vld [tilespmem:s31+$0x40]  }
0x6d: {  	v19 =	vld [tilespmem:s31+$0x30]  }
0x6e: {  	v20 =	vld [tilespmem:s31+$0x20]  }
0x6f: {  	v13 =	vld [tilespmem:s31+$0x5040]  }
0x70: {  	v18 =	vld [tilespmem:s31+$0x0]  }
0x71: {  	v16 =	vld [tilespmem:s31+$0x60]  }
0x72: {  	v15 =	vld [tilespmem:s31+$0x70];
	v3, _, _ =	vpop @p0 (xrf1)  }
0x73: {  	v12 =	vld [tilespmem:s31+$0x5060];
	v3 =	vperm.xlane @p0 v3, v11;
	v4, _, _ =	vpop @p1 (xrf1)  }
0x74: {  	v17 =	vld [tilespmem:s31+$0x50];
	v22, _, _ =	vpop @p0 (xrf1)  }
0x75: {  	v9 =	vld [tilespmem:s31+$0x5030];
	v10, _, _ =	vpop @p1 (xrf1);
	v3 =	vmin.f32 @p0 v22, v3  }
0x76: {  	v6 =	vld [tilespmem:s31+$0x5010];
	v24 =	vperm.xlane @p1 v10, v14;
	(xrf1) =	vsort.ascd.msk.f32 @p0 $0xffff, v3, v3  }
0x77: {  	v8 =	vld [tilespmem:s31+$0x5050];
	v23, _, _ =	vpop @p1 (xrf1)  }
0x78: {  	v5 =	vld [tilespmem:s31+$0x5070];
	v23 =	vperm.xlane @p1 v23, v14;
	v3 =	vmin.f32 @p1 v4, v24  }
0x79: {  	v7 =	vld [tilespmem:s31+$0x5020];
	(xrf1) =	vsort.ascd.msk.f32 @p1 $0xffff, v3, v3;
	v25, _, _ =	vpop @p1 (xrf1)  }
0x7a: {  	v10 =	vld [tilespmem:s31+$0x5000];
	v4 =	vmin.f32 @p1 v25, v23  }
0x7b: {  	v22 =	vld [tilespmem:s31+$0x10];
	(xrf1) =	vsort.ascd.msk.f32 @p1 $0xffff, v4, v4;
	_ =	sdelay $0x1  }
0x7c: {  	v63 =	vmin.f32 v13, v8;
	v61 =	vmin.f32 v12, v5  }
0x7d: {  	v62 =	vmin.f32 v21, v17;
	v24 =	vmin.f32 v63, v61  }
0x7e: {  	v3 =	vmin.f32 v20, v19;
	v23 =	vmin.f32 v7, v9;
	v27 =	vmin.f32 v10, v6  }
0x7f: {  	v28 =	vmin.f32 v18, v22;
	v4 =	vmin.f32 v16, v15;
	v23 =	vmin.f32 v27, v23  }
0x80: {  	v3 =	vmin.f32 v28, v3;
	v25 =	vmin.f32 v62, v4;
	v24 =	vmin.f32 v23, v24  }
0x81: {  	s19 =	simm.f32 $1.000000020e+30;
	s20 =	simm.s32 $0x400;
	v4 =	vimm.f32 $1.000000020e+30;
	v23 =	vmin.f32 v3, v25;
	(xrf0) =	vmin.scan.msk.f32 $0xffff, v24;
	v3 =	vimm.f32 $1.000000020e+30  }
.LBB2_2:
0x82: {  	_ = 	snop  }
0x83: {  	(xrf0) =	vmin.scan.msk.f32 $0xffff, v23;
	s21 =	smov.u32 s20;
	s20 =	sadd.s32 $0x200, s20;
	v23, _, _ =	vpop @p0 (xrf1)  }
0x84: {  	p2 =	sne.s32 s20, $0x14000;
	v11 =	vperm.xlane @p0 v23, v11;
	_ =	sdelay $0x1  }
0x85: {  	v25 =	vmin.f32 @p0 v4, v11;
	v23, _, _ =	vpop @p1 (xrf1)  }
0x86: {  	v24, _, _ =	vpop (xrf0);
	v23 =	vperm.xlane @p1 v23, v14;
	(xrf1) =	vsort.ascd.msk.f32 @p0 $0xffff, v25, v25  }
0x87: {  	v11, _, _ =	vpop @p1 (xrf1)  }
0x88: {  	v25, _, _ =	vpop (xrf0);
	v11 =	vmin.f32 @p1 v11, v23  }
0x89: {  	(v2sf) =	vpush v24, $0xF;
	(xrf1) =	vsort.ascd.msk.f32 @p1 $0xffff, v11, v11;
	_ =	sdelay $0xa  }
0x8a: {  	vm0 =	vcmask @p0 $0x2328;
	v11, _, _ =	vpop @p0 (xrf1)  }
0x8b: {  	v23 =	vsel @p0 vm0, $0xF149F2CA, v11;
	v4 =	vpsel p0, v11, v4  }
0x8c: {  	(xrf0) =	vmax.scan.msk.f32 @p0 $0xffff, v23  }
0x8d: {  	v11, _, _ =	vpop @p1 (xrf1)  }
0x8e: {  	s22 =	spop (v2sf);
	v11 =	vperm.xlane @p1 v11, v14;
	_ =	sdelay $0x1  }
0x8f: {  	v14 =	vmin.f32 @p1 v3, v11  }
0x90: {  	(xrf1) =	vsort.ascd.msk.f32 @p1 $0xffff, v14, v14  }
0x91: {  	v11, _, _ =	vpop @p0 (xrf0)  }
0x92: {  	(v2sf) =	vpush @p0 v11, $0xF  }
0x93: {  	(v2sf) =	vpush v25, $0xF;
	_ =	sdelay $0xa  }
0x94: {  	vm0 =	vcmask @p1 $0x2328;
	v11, _, _ =	vpop @p1 (xrf1)  }
0x95: {  	v14 =	vsel @p1 vm0, $0xF149F2CA, v11;
	v3 =	vpsel p1, v11, v3  }
0x96: {  	(xrf0) =	vmax.scan.msk.f32 @p1 $0xffff, v14  }
0x97: {  	s23 =	spop @p0 (v2sf)  }
0x98: {  	s24 =	spop (v2sf);
	s18 =	smov.u32 @p0 s23  }
0x99: {  	p0 =	slt.f32 s24, s18;
	_ =	sdelay $0x1  }
0x9a: {  	v11 =	vlaneseq.u32 @p0;
	(xrf1) =	vsort.ascd.msk.f32 @p0 $0xffff, v21, v21  }
0x9b: {  	v11 =	vmul.u32 @p0 $0xFFFFFFFF, v11;
	(xrf1) =	vsort.ascd.msk.f32 @p0 $0xffff, v17, v17;
	v14, _, _ =	vpop @p1 (xrf0)  }
0x9c: {  	(xrf1) =	vsort.ascd.msk.f32 @p0 $0xffff, v15, v15;
	(v2sf) =	vpush @p1 v14, $0xF  }
0x9d: {  	(xrf1) =	vsort.ascd.msk.f32 @p0 $0xffff, v19, v19  }
0x9e: {  	(xrf1) =	vsort.ascd.msk.f32 @p0 $0xffff, v16, v16  }
0x9f: {  	(xrf1) =	vsort.ascd.msk.f32 @p0 $0xffff, v20, v20  }
0xa0: {  	(xrf1) =	vsort.ascd.msk.f32 @p0 $0xffff, v22, v22  }
0xa1: {  	(xrf1) =	vsort.ascd.msk.f32 @p0 $0xffff, v18, v18;
	_ =	sdelay $0x6  }
0xa2: {  	v14, _, _ =	vpop @p0 (xrf1)  }
0xa3: {  	v11 =	vadd.s32 @p0 $0xF, v11;
	v15, _, _ =	vpop @p0 (xrf1)  }
0xa4: {  	v18 =	vperm.xlane @p0 v15, v11;
	v16, _, _ =	vpop @p0 (xrf1)  }
0xa5: {  	v19 =	vperm.xlane @p0 v16, v11;
	v17, _, _ =	vpop @p0 (xrf1);
	s23 =	spop @p1 (v2sf)  }
0xa6: {  	v17 =	vperm.xlane @p0 v17, v11;
	v14 =	vmin.f32 @p0 v14, v18;
	v15, _, _ =	vpop @p0 (xrf1);
	s19 =	smov.u32 @p1 s23  }
0xa7: {  	v15 =	vmin.f32 @p0 v15, v19;
	v16, _, _ =	vpop @p0 (xrf1);
	(xrf1) =	vsort.ascd.msk.f32 @p0 $0xffff, v14, v14  }
0xa8: {  	p1 =	slt.f32 s22, s19;
	v14 =	vmin.f32 @p0 v16, v17;
	v16, _, _ =	vpop @p0 (xrf1);
	(xrf1) =	vsort.ascd.msk.f32 @p0 $0xffff, v15, v15  }
0xa9: {  	v15 =	vperm.xlane @p0 v16, v11;
	v16, _, _ =	vpop @p0 (xrf1);
	(xrf1) =	vsort.ascd.msk.f32 @p0 $0xffff, v14, v14  }
0xaa: {  	v14 =	vlaneseq.u32 @p1;
	(xrf1) =	vsort.ascd.msk.f32 @p1 $0xffff, v13, v13  }
0xab: {  	v14 =	vmul.u32 @p1 $0xFFFFFFFF, v14;
	v13 =	vmin.f32 @p0 v16, v15;
	(xrf1) =	vsort.ascd.msk.f32 @p1 $0xffff, v12, v12  }
0xac: {  	(xrf1) =	vsort.ascd.msk.f32 @p1 $0xffff, v8, v8  }
0xad: {  	v14 =	vadd.s32 @p1 $0xF, v14;
	(xrf1) =	vsort.ascd.msk.f32 @p1 $0xffff, v9, v9  }
0xae: {  	(xrf1) =	vsort.ascd.msk.f32 @p1 $0xffff, v5, v5  }
0xaf: {  	(xrf1) =	vsort.ascd.msk.f32 @p0 $0xffff, v13, v13  }
0xb0: {  	(xrf1) =	vsort.ascd.msk.f32 @p1 $0xffff, v7, v7  }
0xb1: {  	(xrf1) =	vsort.ascd.msk.f32 @p1 $0xffff, v6, v6  }
0xb2: {  	(xrf1) =	vsort.ascd.msk.f32 @p1 $0xffff, v10, v10;
	_ =	sdelay $0x2  }
0xb3: {  	v5, _, _ =	vpop @p0 (xrf1)  }
0xb4: {  	v6, _, _ =	vpop @p0 (xrf1)  }
0xb5: {  	v9 =	vperm.xlane @p0 v6, v11;
	v7, _, _ =	vpop @p0 (xrf1)  }
0xb6: {  	v8, _, _ =	vpop @p1 (xrf1)  }
0xb7: {  	v10 =	vmin.f32 @p0 v5, v9;
	v6, _, _ =	vpop @p1 (xrf1)  }
0xb8: {  	(xrf1) =	vsort.ascd.msk.f32 @p0 $0xffff, v10, v10;
	v5, _, _ =	vpop @p1 (xrf1)  }
0xb9: {  	v5 =	vperm.xlane @p1 v5, v14;
	v9, _, _ =	vpop @p1 (xrf1)  }
0xba: {  	v15 =	vperm.xlane @p0 v7, v11;
	v9 =	vperm.xlane @p1 v9, v14;
	v10, _, _ =	vpop @p1 (xrf1)  }
0xbb: {  	v5 =	vmin.f32 @p1 v8, v5;
	v13 =	vperm.xlane @p1 v10, v14;
	v10, _, _ =	vpop @p0 (xrf1)  }
0xbc: {  	v12 =	vmin.f32 @p0 v10, v15;
	v10, _, _ =	vpop @p1 (xrf1);
	(xrf1) =	vsort.ascd.msk.f32 @p1 $0xffff, v5, v5  }
0xbd: {  	v5 =	vmin.f32 @p1 v10, v9;
	v6 =	vmin.f32 @p1 v6, v13;
	(xrf1) =	vsort.ascd.msk.f32 @p0 $0xffff, v12, v12;
	v7, _, _ =	vpop @p1 (xrf1)  }
0xbe: {  	v7 =	vperm.xlane @p1 v7, v14;
	v8, _, _ =	vpop @p1 (xrf1);
	(xrf1) =	vsort.ascd.msk.f32 @p1 $0xffff, v6, v6  }
0xbf: {  	(xrf1) =	vsort.ascd.msk.f32 @p1 $0xffff, v5, v5  }
0xc0: {  	v5 =	vmin.f32 @p1 v8, v7  }
0xc1: {  	s21 =	sshra.s32 s21, $0x2;
	(xrf1) =	vsort.ascd.msk.f32 @p1 $0xffff, v5, v5  }
0xc2: {  	v5 =	vld [tilespmem:s21+$0x5070]  }
0xc3: {  	v15 =	vld [tilespmem:s21+$0x70]  }
0xc4: {  	v17 =	vld [tilespmem:s21+$0x50]  }
0xc5: {  	v6 =	vld [tilespmem:s21+$0x5010]  }
0xc6: {  	v16 =	vld [tilespmem:s21+$0x60];
	v7, _, _ =	vpop @p0 (xrf1)  }
0xc7: {  	v8 =	vld [tilespmem:s21+$0x5050];
	v9 =	vperm.xlane @p0 v7, v11  }
0xc8: {  	v21 =	vld [tilespmem:s21+$0x40]  }
0xc9: {  	v19 =	vld [tilespmem:s21+$0x30]  }
0xca: {  	v7 =	vld [tilespmem:s21+$0x5020];
	v10, _, _ =	vpop @p1 (xrf1)  }
0xcb: {  	v18 =	vld [tilespmem:s21+$0x0];
	v12, _, _ =	vpop @p0 (xrf1)  }
0xcc: {  	v20 =	vld [tilespmem:s21+$0x20];
	v12 =	vmin.f32 @p0 v12, v9;
	v13, _, _ =	vpop @p1 (xrf1)  }
0xcd: {  	v9 =	vld [tilespmem:s21+$0x5030];
	v22 =	vperm.xlane @p1 v13, v14;
	(xrf1) =	vsort.ascd.msk.f32 @p0 $0xffff, v12, v12;
	v13, _, _ =	vpop @p1 (xrf1)  }
0xce: {  	v12 =	vld [tilespmem:s21+$0x5060];
	v23 =	vperm.xlane @p1 v13, v14  }
0xcf: {  	v13 =	vld [tilespmem:s21+$0x5040];
	v10 =	vmin.f32 @p1 v10, v22;
	v24, _, _ =	vpop @p1 (xrf1)  }
0xd0: {  	v22 =	vld [tilespmem:s21+$0x10];
	v23 =	vmin.f32 @p1 v24, v23;
	(xrf1) =	vsort.ascd.msk.f32 @p1 $0xffff, v10, v10  }
0xd1: {  	v10 =	vld [tilespmem:s21+$0x5000];
	v24 =	vmin.f32 v20, v19  }
0xd2: {  	v25 =	vmin.f32 v7, v9;
	(xrf1) =	vsort.ascd.msk.f32 @p1 $0xffff, v23, v23  }
0xd3: {  	v23 =	vmin.f32 v16, v15;
	v26 =	vmin.f32 v12, v5  }
0xd4: {  	v27 =	vmin.f32 v21, v17;
	v28 =	vmin.f32 v13, v8  }
.Ltmp0:
0xd5: {  	v23 =	vmin.f32 v27, v23;
	v29 =	vmin.f32 v18, v22;
	v26 =	vmin.f32 v28, v26;
	(pc) =	sbr.rel @p2 .LBB2_2-.Ltmp0, $4  }
0xd6: {  	v24 =	vmin.f32 v29, v24;
	v27 =	vmin.f32 v10, v6  }
0xd7: {  	v23 =	vmin.f32 v24, v23;
	v24 =	vmin.f32 v27, v25  }
0xd8: {  	v24 =	vmin.f32 v24, v26  }
0xd9: {  	(xrf0) =	vmin.scan.msk.f32 $0xffff, v24  }
0xda: {  	_ = 	snop  }
0xdb: {  	v24, _, _ =	vpop @p0 (xrf1)  }
0xdc: {  	v11 =	vperm.xlane @p0 v24, v11;
	_ =	sdelay $0x1  }
0xdd: {  	v11 =	vmin.f32 @p0 v4, v11  }
0xde: {  	v24, _, _ =	vpop @p1 (xrf1);
	(xrf1) =	vsort.ascd.msk.f32 @p0 $0xffff, v11, v11  }
0xdf: {  	v11 =	vperm.xlane @p1 v24, v14  }
0xe0: {  	v24, _, _ =	vpop @p1 (xrf1)  }
0xe1: {  	v11 =	vmin.f32 @p1 v24, v11  }
0xe2: {  	(xrf1) =	vsort.ascd.msk.f32 @p1 $0xffff, v11, v11;
	_ =	sdelay $0x9  }
0xe3: {  	vm0 =	vcmask @p0 $0x2328;
	v11, _, _ =	vpop @p0 (xrf1)  }
0xe4: {  	(xrf0) =	vmin.scan.msk.f32 $0xffff, v23;
	v23 =	vsel @p0 vm0, $0xF149F2CA, v11;
	_ =	sdelay $0x2  }
0xe5: {  	(xrf0) =	vmax.scan.msk.f32 @p0 $0xffff, v23;
	v23, _, _ =	vpop @p1 (xrf1)  }
0xe6: {  	v14 =	vperm.xlane @p1 v23, v14;
	_ =	sdelay $0x1  }
0xe7: {  	v14 =	vmin.f32 @p1 v3, v14  }
0xe8: {  	v62, _, _ =	vpop (xrf0)  }
0xe9: {  	v63, _, _ =	vpop (xrf0)  }
0xea: {  	(v2sf) =	vpush v62, $0xF;
	(xrf1) =	vsort.ascd.msk.f32 @p1 $0xffff, v14, v14;
	v14, _, _ =	vpop @p0 (xrf0)  }
0xeb: {  	(v2sf) =	vpush @p0 v14, $0xF  }
0xec: {  	(v2sf) =	vpush v63, $0xF;
	_ =	sdelay $0xc  }
0xed: {  	s20 =	spop (v2sf)  }
0xee: {  	vm0 =	vcmask @p1 $0x2328;
	v14, _, _ =	vpop @p1 (xrf1);
	s21 =	spop @p0 (v2sf)  }
0xef: {  	v23 =	vsel @p1 vm0, $0xF149F2CA, v14;
	s22 =	spop (v2sf);
	s18 =	smov.u32 @p0 s21  }
0xf0: {  	(xrf0) =	vmax.scan.msk.f32 @p1 $0xffff, v23;
	p2 =	slt.f32 s22, s18;
	_ =	sdelay $0x1  }
0xf1: {  	(xrf1) =	vsort.ascd.msk.f32 @p2 $0xffff, v21, v21  }
0xf2: {  	(xrf1) =	vsort.ascd.msk.f32 @p2 $0xffff, v17, v17  }
0xf3: {  	(xrf1) =	vsort.ascd.msk.f32 @p2 $0xffff, v15, v15;
	_ =	sdelay $0x1  }
0xf4: {  	v17, _, _ =	vpop @p1 (xrf0)  }
0xf5: {  	(v2sf) =	vpush @p1 v17, $0xF;
	(xrf1) =	vsort.ascd.msk.f32 @p2 $0xffff, v19, v19  }
0xf6: {  	(xrf1) =	vsort.ascd.msk.f32 @p2 $0xffff, v16, v16  }
0xf7: {  	(xrf1) =	vsort.ascd.msk.f32 @p2 $0xffff, v20, v20;
	_ =	sdelay $0x3  }
0xf8: {  	(xrf1) =	vsort.ascd.msk.f32 @p2 $0xffff, v22, v22  }
0xf9: {  	v15 =	vlaneseq.u32 @p2  }
0xfa: {  	v15 =	vmul.u32 @p2 $0xFFFFFFFF, v15;
	(xrf1) =	vsort.ascd.msk.f32 @p2 $0xffff, v18, v18  }
0xfb: {  	v16, _, _ =	vpop @p2 (xrf1)  }
0xfc: {  	v15 =	vadd.s32 @p2 $0xF, v15;
	v17, _, _ =	vpop @p2 (xrf1)  }
0xfd: {  	v17 =	vperm.xlane @p2 v17, v15;
	v18, _, _ =	vpop @p2 (xrf1)  }
0xfe: {  	v18 =	vperm.xlane @p2 v18, v15;
	_ =	sdelay $0x1  }
0xff: {  	v19, _, _ =	vpop @p2 (xrf1)  }
0x100: {  	s18 =	spop @p1 (v2sf);
	v19 =	vperm.xlane @p2 v19, v15;
	v16 =	vmin.f32 @p2 v16, v17;
	v17, _, _ =	vpop @p2 (xrf1)  }
0x101: {  	s19 =	smov.u32 @p1 s18;
	(xrf1) =	vsort.ascd.msk.f32 @p2 $0xffff, v16, v16;
	v17 =	vmin.f32 @p2 v17, v18;
	v18, _, _ =	vpop @p2 (xrf1)  }
0x102: {  	p3 =	slt.f32 s20, s19;
	v16 =	vmin.f32 @p2 v18, v19;
	(xrf1) =	vsort.ascd.msk.f32 @p2 $0xffff, v17, v17  }
0x103: {  	(xrf1) =	vsort.ascd.msk.f32 @p2 $0xffff, v16, v16  }
0x104: {  	(xrf1) =	vsort.ascd.msk.f32 @p3 $0xffff, v13, v13  }
0x105: {  	v13, _, _ =	vpop @p2 (xrf1);
	(xrf1) =	vsort.ascd.msk.f32 @p3 $0xffff, v12, v12  }
0x106: {  	v12 =	vperm.xlane @p2 v13, v15;
	(xrf1) =	vsort.ascd.msk.f32 @p3 $0xffff, v8, v8  }
0x107: {  	v8, _, _ =	vpop @p2 (xrf1);
	(xrf1) =	vsort.ascd.msk.f32 @p3 $0xffff, v9, v9  }
0x108: {  	v8 =	vmin.f32 @p2 v8, v12;
	(xrf1) =	vsort.ascd.msk.f32 @p3 $0xffff, v5, v5  }
0x109: {  	(xrf1) =	vsort.ascd.msk.f32 @p2 $0xffff, v8, v8;
	_ =	sdelay $0x2  }
0x10a: {  	(xrf1) =	vsort.ascd.msk.f32 @p3 $0xffff, v7, v7  }
0x10b: {  	(xrf1) =	vsort.ascd.msk.f32 @p3 $0xffff, v6, v6;
	_ =	sdelay $0x1  }
0x10c: {  	(xrf1) =	vsort.ascd.msk.f32 @p3 $0xffff, v10, v10;
	v5, _, _ =	vpop @p2 (xrf1)  }
0x10d: {  	v6, _, _ =	vpop @p2 (xrf1)  }
0x10e: {  	v7 =	vlaneseq.u32 @p3;
	v8, _, _ =	vpop @p2 (xrf1)  }
0x10f: {  	v7 =	vmul.u32 @p3 $0xFFFFFFFF, v7;
	v9, _, _ =	vpop @p3 (xrf1)  }
0x110: {  	v10, _, _ =	vpop @p3 (xrf1)  }
0x111: {  	v7 =	vadd.s32 @p3 $0xF, v7;
	v6 =	vperm.xlane @p2 v6, v15;
	v12, _, _ =	vpop @p3 (xrf1)  }
0x112: {  	v12 =	vperm.xlane @p3 v12, v7;
	v13, _, _ =	vpop @p3 (xrf1)  }
0x113: {  	v5 =	vmin.f32 @p2 v5, v6;
	v6 =	vperm.xlane @p2 v8, v15;
	v8, _, _ =	vpop @p3 (xrf1)  }
0x114: {  	(xrf1) =	vsort.ascd.msk.f32 @p2 $0xffff, v5, v5;
	v5 =	vmin.f32 @p3 v9, v12;
	v9, _, _ =	vpop @p2 (xrf1)  }
0x115: {  	v8 =	vperm.xlane @p3 v8, v7;
	v6 =	vmin.f32 @p2 v9, v6  }
0x116: {  	(xrf1) =	vsort.ascd.msk.f32 @p3 $0xffff, v5, v5  }
0x117: {  	v5 =	vperm.xlane @p3 v13, v7;
	v9, _, _ =	vpop @p3 (xrf1);
	v8 =	vmin.f32 @p3 v10, v8;
	(xrf1) =	vsort.ascd.msk.f32 @p2 $0xffff, v6, v6  }
0x118: {  	(xrf1) =	vsort.ascd.msk.f32 @p3 $0xffff, v8, v8;
	v6, _, _ =	vpop @p3 (xrf1)  }
0x119: {  	v5 =	vmin.f32 @p3 v9, v5;
	v6 =	vperm.xlane @p3 v6, v7  }
0x11a: {  	(xrf1) =	vsort.ascd.msk.f32 @p3 $0xffff, v5, v5;
	v8, _, _ =	vpop @p3 (xrf1)  }
0x11b: {  	v5 =	vmin.f32 @p3 v8, v6  }
0x11c: {  	(xrf1) =	vsort.ascd.msk.f32 @p3 $0xffff, v5, v5;
	_ =	sdelay $0x6  }
0x11d: {  	v5, _, _ =	vpop @p2 (xrf1)  }
0x11e: {  	v6, _, _ =	vpop @p3 (xrf1)  }
0x11f: {  	v8, _, _ =	vpop @p2 (xrf1)  }
0x120: {  	v5 =	vperm.xlane @p2 v5, v15;
	v9, _, _ =	vpop @p3 (xrf1)  }
0x121: {  	v9 =	vperm.xlane @p3 v9, v7  }
0x122: {  	v5 =	vmin.f32 @p2 v8, v5;
	v8, _, _ =	vpop @p3 (xrf1)  }
0x123: {  	(xrf1) =	vsort.ascd.msk.f32 @p2 $0xffff, v5, v5;
	v5 =	vperm.xlane @p3 v8, v7;
	v6 =	vmin.f32 @p3 v6, v9  }
0x124: {  	(xrf1) =	vsort.ascd.msk.f32 @p3 $0xffff, v6, v6;
	v8, _, _ =	vpop @p3 (xrf1)  }
0x125: {  	v5 =	vmin.f32 @p3 v8, v5  }
0x126: {  	(xrf1) =	vsort.ascd.msk.f32 @p3 $0xffff, v5, v5;
	_ =	sdelay $0xa  }
0x127: {  	v5, _, _ =	vpop @p2 (xrf1)  }
0x128: {  	v5 =	vperm.xlane @p2 v5, v15;
	v6, _, _ =	vpop @p3 (xrf1)  }
0x129: {  	v4 =	vpsel p0, v11, v4;
	v6 =	vperm.xlane @p3 v6, v7  }
0x12a: {  	v5 =	vmin.f32 @p2 v4, v5;
	v8, _, _ =	vpop @p3 (xrf1)  }
0x12b: {  	(xrf1) =	vsort.ascd.msk.f32 @p2 $0xffff, v5, v5;
	v5 =	vmin.f32 @p3 v8, v6  }
0x12c: {  	(xrf1) =	vsort.ascd.msk.f32 @p3 $0xffff, v5, v5;
	_ =	sdelay $0xc  }
0x12d: {  	v5, _, _ =	vpop @p2 (xrf1)  }
0x12e: {  	v6, _, _ =	vpop @p3 (xrf1)  }
0x12f: {  	v6 =	vperm.xlane @p3 v6, v7  }
0x130: {  	v3 =	vpsel p1, v14, v3  }
0x131: {  	v6 =	vmin.f32 @p3 v3, v6  }
0x132: {  	(xrf1) =	vsort.ascd.msk.f32 @p3 $0xffff, v6, v6;
	_ =	sdelay $0xc  }
0x133: {  	vm0 =	vcmask @p2 $0x2328  }
0x134: {  	v6 =	vsel @p2 vm0, $0xF149F2CA, v5;
	vm0 =	vcmask @p3 $0x2328;
	v7, _, _ =	vpop @p3 (xrf1)  }
0x135: {  	(xrf0) =	vmax.scan.msk.f32 @p2 $0xffff, v6;
	v6 =	vsel @p3 vm0, $0xF149F2CA, v7  }
0x136: {  	(xrf0) =	vmax.scan.msk.f32 @p3 $0xffff, v6  }
0x137: {  	(xrf0) =	vmax.scan.msk.f32 $0xffff, v2;
	_ =	sdelay $0x3  }
0x138: {  	v2, _, _ =	vpop @p2 (xrf0);
	(xrf0) =	vmax.scan.msk.f32 $0xffff, v1  }
0x139: {  	(v2sf) =	vpush @p2 v2, $0xF;
	v1, _, _ =	vpop @p3 (xrf0)  }
0x13a: {  	(v2sf) =	vpush @p3 v1, $0xF;
	v1, _, _ =	vpop (xrf0)  }
0x13b: {  	(v2sf) =	vpush v1, $0xF;
	_ =	sdelay $0x2  }
0x13c: {  	v1, _, _ =	vpop (xrf0)  }
0x13d: {  	(v2sf) =	vpush v1, $0xF;
	_ =	sdelay $0x8  }
0x13e: {  	s18 =	spop @p2 (v2sf)  }
0x13f: {  	s18 =	spop @p3 (v2sf)  }
0x140: {  	s18 =	spop (v2sf)  }
0x141: {  	s18 =	scvt.f32.s32 s18;
	_ =	sdelay $0x1  }
0x142: {  	s18 =	sadd.s32 $0xFFFFFFFF, s18  }
0x143: {  	s30 =	spop (v2sf);
	v1 =	vmov s18  }
0x144: {  	v2 =	vpsel p2, v5, v4;
	s31 =	scvt.f32.s32 s30;
	vm14 =	veq.s32 v1, v0  }
0x145: {  	v1 =	vnsel vm14, $0xF149F2CA, v2  }
0x146: {  	s18 =	sadd.s32 $0xFFFFFFFF, s31;
	(xrf0) =	vmax.scan.msk.f32 $0xffff, v1  }
0x147: {  	v1 =	vmov s18  }
0x148: {  	v2 =	vpsel p3, v7, v3;
	vm15 =	veq.s32 v1, v0  }
0x149: {  	v1 =	vnsel vm15, $0xF149F2CA, v2;
	_ =	sdelay $0x1  }
0x14a: {  	(xrf0) =	vmax.scan.msk.f32 $0xffff, v1  }
0x14b: {  	v1, _, _ =	vpop (xrf0)  }
0x14c: {  	v1 =	vbroadcast v1, $0xF;
	_ =	sdelay $0x2  }
0x14d: {  	[tilespmem:$0xA000] =	vst v1  }
0x14e: {  	[hbm4b:s7+s2] =	stream.linear.scatter [tilespmem:s16], [sflag:$0x3], $0x80, $0x38;
	v1, _, _ =	vpop (xrf0);
	[tilespmem:$0xA180] =	vst v63  }
0x14f: {  	_ =	swait.ge [sflag:s12], $0x80  }
0x150: {  	s17 =	sadd.s32 $0x1, s17;
	v1 =	vbroadcast v1, $0xF;
	[sflag:s12] =	ssyncset.done $0x0  }
0x151: {  	p0 =	sne.s32 s17, s9;
	[sflag:s12] =	ssyncadd.s32 $0xFFFFFF80  }
.Ltmp1:
0x152: {  	[tilespmem:$0xA000] =	vst v1;
	(pc) =	sbr.rel @p0 .LBB2_1-.Ltmp1, $4  }
0x153: {  	[hbm4b:s8+s2] =	stream.linear.scatter [tilespmem:s16], [sflag:$0x3], $0x80, $0x38;
	[tilespmem:$0xA180] =	vst v63  }
0x154: {  	_ =	swait.ge [sflag:s12], $0x80  }
0x155: {  	[sflag:s12] =	ssyncset.done $0x0  }
0x156: {  	[sflag:s12] =	ssyncadd.s32 $0xFFFFFF80  }
0x157: {  	_ =	sfence.sel $0x180000  }
0x158: {  	[bflag:$0x0] =	sbarrier.arrive $0xFFFF  }
0x159: {  	p0 =	sne.s32 s1, $0x0;
	_ =	strace $0x9000004A  }
0x15a: {  	s0 =	sadd.s32 @!p0 $0x100000, s0;
	[bflag:$0x2] =	sbarrier.arrive $0xFFFF  }
0x15b: {  	[sflag:s0] =	ssyncadd.tile.s32 @!p0 $0x1;
	_ =	shalt  }
.Lfunc_end2:
_tile_overlayer_lowered:
.L_overlay_start_2:
0x15c: {  	(tag) =	ssettag $0x2  }
0x15d: {  	s0 =	rddreg [dreg:$0x0];
	s2 =	stileid.u32  }
0x15e: {  	s1 =	rddreg [dreg:$0x1];
	p0 =	sne.s32 s2, $0x0  }
0x15f: {  	s3 =	rddreg [dreg:$0x2];
	[bflag:$0x3] =	sbarrier.arrive $0xFFFF;
	s2 =	simm.s32 @!p0 $0x1C03  }
0x160: {  	[timem:s3], [sflag:s2] =	dma.local @!p0 [hbm:s0], s1  }
0x161: {  	s0 =	simm.s32 @!p0 $0x3  }
0x162: {  	_ =	swait.ge @!p0 [sflag:s0], s1  }
0x163: {  	s1 =	ssub.s32 @!p0 $0x0, s1;
	[sflag:s0] =	ssyncset.done @!p0 $0x0  }
0x164: {  	[sflag:s0] =	ssyncadd.s32 @!p0 s1  }
0x165: {  	[bflag:$0x3] =	sbarrier.arrive $0xFFFF  }
0x166: {  	_ =	shalt  }

// kernel: kernel.7.cloned.1.call-start
scs
__scs_entry_jumppad:
0x0: {  	(pc) =	sbr.rel $0x88, $3  }
0x1: {  	(tag) =	ssettag $0x0;
	lr =	simm.s32 $0x1  }
0x2: {  	[smem:$0x3F9C] =	sst lr;
	_ =	strace $0xD0000000  }
0x3: {  	_ = 	snop  }
0x4: {  	_ = 	snop  }
0x5: {  	_ = 	snop  }
0x6: {  	_ = 	snop  }
0x7: {  	_ = 	snop  }
__scs_overlays_trampoline_lowered:
0x8: {  	[smem:$0x3FAB] =	sst s0  }
0x9: {  	[smem:$0x3FAC] =	sst s1  }
0xa: {  	[smem:$0x3FAD] =	sst s2  }
0xb: {  	[smem:$0x3FAE] =	sst s3  }
0xc: {  	[smem:$0x3FAF] =	sst s4  }
0xd: {  	[smem:$0x3FB0] =	sst s5  }
0xe: {  	[smem:$0x3FB1] =	sst s6  }
0xf: {  	[smem:$0x3FB2] =	sst s7  }
0x10: {  	[smem:$0x3FB3] =	sst s8  }
0x11: {  	[smem:$0x3FB4] =	sst s9;
	s0 =	simm.s32 @!p0 $0x0  }
0x12: {  	s1 =	sld [smem:$0x3F9A];
	s0 =	simm.s32 @p0 $0x1  }
0x13: {  	[smem:$0x3FB5] =	sst s0;
	s0 =	simm.s32 @!p1 $0x0  }
0x14: {  	s2 =	sld [smem:$0x3F99];
	s0 =	simm.s32 @p1 $0x1  }
0x15: {  	[smem:$0x3FB6] =	sst s0;
	s0 =	simm.s32 @!p2 $0x0  }
0x16: {  	s3 =	sld [smem:$0x3FDB];
	s0 =	simm.s32 @p2 $0x1  }
0x17: {  	s4 =	simm.s32 $0x1BF5;
	[smem:$0x3FB8] =	sst s0  }
0x18: {  	s0 =	sld [smem:$0x3F9B];
	_ =	swait.ge [sflag:s4], $0x0  }
0x19: {  	s7 =	sld [smem:$0x3F9C]  }
0x1a: {  	s8 =	sadd.s32 $0xFFFFE003, lr  }
0x1b: {  	s9 =	sadd.s32 $0xFFFFFEF7, lr;
	s5 =	simm.s32 $0xFFFFFFFF;
	p2 =	slt.u32 s8, $0xFFFFF086  }
0x1c: {  	p1 =	slt.u32 s9, $0xF7A;
	s5 =	simm.s32 @!p2 $0x0  }
0x1d: {  	s5 =	simm.s32 @p1 $0x1;
	p0 =	seq.s32 s7, s2  }
0x1e: {  	s7 =	smul.u32 @!p0 $0xF7A, s2;
	p2 =	seq.s32 @!p0 s5, $0x0  }
0x1f: {  	s9 =	smul.u32 $0xF7A, s1;
	s8 =	simm.s32 @!p0 $0x1BF5;
	p2 =	por !p2, p0  }
0x20: {  	[sflag:s8] =	ssyncset.s32 @!p0 $0xFFFFF086;
	s6 =	sadd.s32 @!p0 s3, s7;
	s7 =	simm.s32 @!p0 $0x108  }
0x21: {  	s3 =	sadd.s32 s3, s9;
	s6 =	sadd.s32 @!p0 $0x88, s6;
	s7 =	simm.s32 @p2 $0x1082  }
0x22: {  	[simem:s7], [sflag:s8] =	dma.local @!p0 [hbm:s6], $0xF7A  }
0x23: {  	s9 =	sor.u32 $0xD0000000, s2;
	s6 =	simm.s32 $0x108;
	_ =	swait.ge @!p0 [sflag:s8], $0x0  }
0x24: {  	s3 =	sadd.s32 $0x88, s3;
	s6 =	simm.s32 @!p1 $0x1082;
	[sflag:s4] =	ssyncset.s32 $0xFFFFF086  }
0x25: {  	[simem:s6], [sflag:s4] =	dma.local [hbm:s3], $0xF7A  }
0x26: {  	[smem:$0x3F9C] =	sst s1;
	(tag) =	ssettag s2;
	_ =	strace s9  }
0x27: {  	s1 =	sld [smem:$0x3FAC]  }
0x28: {  	s2 =	sld [smem:$0x3FAD]  }
0x29: {  	s4 =	sld [smem:$0x3FAF]  }
0x2a: {  	p0 =	seq.s32 s5, $0x0;
	s5 =	sld [smem:$0x3FB0]  }
0x2b: {  	s6 =	sld [smem:$0x3FB1]  }
0x2c: {  	s7 =	sld [smem:$0x3FB2]  }
0x2d: {  	s3 =	simm.s32 $0x108;
	s8 =	sld [smem:$0x3FB3]  }
0x2e: {  	s3 =	simm.s32 @!p0 $0x1082;
	s9 =	sld [smem:$0x3FB4]  }
0x2f: {  	lr =	sadd.s32 s0, s3;
	s0 =	sld [smem:$0x3FAB]  }
0x30: {  	s3 =	sld [smem:$0x3FAE]  }
0x31: {  	[smem:$0x3FB7] =	sst s10  }
0x32: {  	s10 =	sld [smem:$0x3FB5];
	_ =	sdelay $0x3  }
0x33: {  	p0 =	seq.s32 s10, $0x1;
	s10 =	sld [smem:$0x3FB7];
	_ =	sdelay $0x3  }
0x34: {  	[smem:$0x3FB7] =	sst s10  }
0x35: {  	s10 =	sld [smem:$0x3FB6];
	_ =	sdelay $0x3  }
0x36: {  	p1 =	seq.s32 s10, $0x1;
	s10 =	sld [smem:$0x3FB7];
	_ =	sdelay $0x3  }
0x37: {  	[smem:$0x3FB7] =	sst s10  }
0x38: {  	s10 =	sld [smem:$0x3FB8]  }
0x39: {  	_ = 	snop;
	(pc) =	sbr.ind lr, $3  }
0x3a: {  	_ = 	snop  }
0x3b: {  	_ = 	snop  }
0x3c: {  	p2 =	seq.s32 s10, $0x1;
	s10 =	sld [smem:$0x3FB7]  }
0x3d: {  	_ =	shalt  }
0x3e: {  	_ =	shalt  }
0x3f: {  	_ =	shalt  }
0x40: {  	_ =	shalt  }
0x41: {  	_ =	shalt  }
0x42: {  	_ =	shalt  }
0x43: {  	_ =	shalt  }
0x44: {  	_ =	shalt  }
0x45: {  	_ =	shalt  }
0x46: {  	_ =	shalt  }
0x47: {  	_ =	shalt  }
0x48: {  	_ =	shalt  }
0x49: {  	_ =	shalt  }
0x4a: {  	_ =	shalt  }
0x4b: {  	_ =	shalt  }
0x4c: {  	_ =	shalt  }
0x4d: {  	_ =	shalt  }
0x4e: {  	_ =	shalt  }
0x4f: {  	_ =	shalt  }
0x50: {  	_ =	shalt  }
0x51: {  	_ =	shalt  }
0x52: {  	_ =	shalt  }
0x53: {  	_ =	shalt  }
0x54: {  	_ =	shalt  }
0x55: {  	_ =	shalt  }
0x56: {  	_ =	shalt  }
0x57: {  	_ =	shalt  }
0x58: {  	_ =	shalt  }
0x59: {  	_ =	shalt  }
0x5a: {  	_ =	shalt  }
0x5b: {  	_ =	shalt  }
0x5c: {  	_ =	shalt  }
0x5d: {  	_ =	shalt  }
0x5e: {  	_ =	shalt  }
0x5f: {  	_ =	shalt  }
0x60: {  	_ =	shalt  }
0x61: {  	_ =	shalt  }
0x62: {  	_ =	shalt  }
0x63: {  	_ =	shalt  }
0x64: {  	_ =	shalt  }
0x65: {  	_ =	shalt  }
0x66: {  	_ =	shalt  }
0x67: {  	_ =	shalt  }
0x68: {  	_ =	shalt  }
0x69: {  	_ =	shalt  }
0x6a: {  	_ =	shalt  }
0x6b: {  	_ =	shalt  }
0x6c: {  	_ =	shalt  }
0x6d: {  	_ =	shalt  }
0x6e: {  	_ =	shalt  }
0x6f: {  	_ =	shalt  }
0x70: {  	_ =	shalt  }
0x71: {  	_ =	shalt  }
0x72: {  	_ =	shalt  }
0x73: {  	_ =	shalt  }
0x74: {  	_ =	shalt  }
0x75: {  	_ =	shalt  }
0x76: {  	_ =	shalt  }
0x77: {  	_ =	shalt  }
0x78: {  	_ =	shalt  }
0x79: {  	_ =	shalt  }
0x7a: {  	_ =	shalt  }
0x7b: {  	_ =	shalt  }
0x7c: {  	_ =	shalt  }
0x7d: {  	_ =	shalt  }
0x7e: {  	_ =	shalt  }
0x7f: {  	_ =	shalt  }
0x80: {  	_ =	shalt  }
0x81: {  	_ =	shalt  }
0x82: {  	_ =	shalt  }
0x83: {  	_ =	shalt  }
0x84: {  	_ =	shalt  }
0x85: {  	_ =	shalt  }
0x86: {  	_ =	shalt  }
0x87: {  	_ =	shalt  }
.Lfunc_end0:
.L_simem_size_0:
called_computation_lowered:
.L_overlay_start_0:
0x88: {  	s2 =	sld [smem:$0x3FD9]  }
0x89: {  	s3 =	sld [smem:$0x3FFE];
	_ =	sdelay $0x1  }
0x8a: {  	s1 =	srdreg.scid  }
0x8b: {  	s0 =	sand.u32 $0x1, s1  }
0x8c: {  	s14 =	sshll.u32 s0, $0xA;
	s2 =	sadd.s32 s3, s2  }
0x8d: {  	s2 =	sadd.s32 s2, s14  }
0x8e: {  	[smem:$0x3FC3] =	sst s2  }
0x8f: {  	_ = 	snop  }
0x90: {  	s2 =	sld [smem:$0x3FD0];
	_ =	sdelay $0x2  }
0x91: {  	s15 =	simm.s32 $0xA;
	s4 =	simm.s32 $0x10  }
0x92: {  	[smem:s4], [sflag:s15] =	dma.local [hbm:s2], $0x1  }
0x93: {  	_ =	swait.eq [sflag:s15], $0x1  }
0x94: {  	[sflag:s15] =	ssyncset.done $0x0  }
0x95: {  	[sflag:s15] =	ssyncadd.s32 $0xFFFFFFFF  }
0x96: {  	s16 =	sld [smem:$0x11];
	(tm) =	ssettm $0x1  }
0x97: {  	s17 =	sld [smem:$0x3FFB];
	_ =	sdelay $0x3  }
0x98: {  	_ =	strace s17  }
0x99: {  	s3 =	sld [smem:$0x3FFC];
	_ =	sdelay $0x3  }
0x9a: {  	_ =	strace s3  }
0x9b: {  	s3 =	sld [smem:$0x3FFD];
	_ =	sdelay $0x3  }
0x9c: {  	_ =	strace s3  }
0x9d: {  	_ =	strace $0x8FFFFFFF  }
0x9e: {  	s18 =	sld [smem:$0x3FDB];
	_ =	sdelay $0x1  }
0x9f: {  	s19 =	simm.s32 $_scs_section_size  }
0xa0: {  	s5 =	simm.s32 $_size__tile_overlayer_lowered;
	s6 =	simm.s32 $_tile_overlayer_lowered  }
0xa1: {  	s22 =	simm.s32 $0x1BFF;
	s21 =	sshll.u32 s6, $0x1;
	s3 =	sadd.s32 s19, s18  }
0xa2: {  	s7 =	simm.s32 $0x0;
	s20 =	sshll.u32 s5, $0x1;
	s5 =	sadd.s32 s21, s3  }
0xa3: {  	[timem:s7], [sflag:s22] =	dma.local [hbm:s5], s20  }
0xa4: {  	_ =	swait.ge [sflag:s22], s20  }
0xa5: {  	s4 =	ssub.s32 $0x0, s20;
	[sflag:s22] =	ssyncset.done $0x0  }
0xa6: {  	[sflag:s22] =	ssyncadd.s32 s4;
	_ =	sdelay $0x1  }
0xa7: {  	s23 =	simm.s32 $0x1B8B  }
0xa8: {  	_ =	swait.ge [sflag:s23], $0x1  }
0xa9: {  	[sflag:s23] =	ssyncset.done $0x0  }
0xaa: {  	s25 =	simm.s32 $0x1B8E;
	s24 =	sld [smem:$0x3FFE];
	[sflag:s23] =	ssyncadd.s32 $0xFFFFFFFF  }
0xab: {  	s26 =	simm.s32 $execute0_lowered;
	[smem:$0x3FD2] =	sst s25  }
0xac: {  	s5 =	sshll.u32 s26, $0x1;
	_ =	strace $0x80000046;
	[dreg:$0x1] =	wrdreg $0xFFFFFFFF  }
0xad: {  	s28 =	simm.s32 $_size_execute0_lowered;
	s3 =	sadd.s32 s3, s5;
	[dreg:$0x0] =	wrdreg $0x0  }
0xae: {  	s5 =	sshll.u32 s28, $0x1;
	[dreg:$0x2] =	wrdreg s3  }
0xaf: {  	[dreg:$0x3] =	wrdreg s5  }
0xb0: {  	[dreg:$0x4] =	wrdreg $0xC0  }
0xb1: {  	_ =	task [dreg:s7], $0x5FFFF  }
0xb2: {  	[dreg:$0x1] =	wrdreg $0xFFFFFFFF  }
0xb3: {  	[dreg:$0x0] =	wrdreg $0x60  }
0xb4: {  	[dreg:$0x2] =	wrdreg s24  }
0xb5: {  	[dreg:$0x3] =	wrdreg s16  }
0xb6: {  	[dreg:$0x4] =	wrdreg $0x9  }
0xb7: {  	_ =	task.clear_ibuf [dreg:s7], $0x5FFFF;
	_ =	strace $0x90000046  }
0xb8: {  	s29 =	simm.s32 $0x9;
	_ =	strace $0x80000048  }
0xb9: {  	_ =	swait.ge [sflag:s29], $0x1  }
0xba: {  	[sflag:s29] =	ssyncadd.s32 $0xFFFFFFFF  }
0xbb: {  	_ =	strace $0x90000048  }
0xbc: {  	_ =	sfence  }
0xbd: {  	s30 =	sld [smem:$0x0];
	_ =	sdelay $0x2  }
0xbe: {  	s31 =	sshll.u32 s1, $0xD;
	s1 =	sshrl.u32 s1, $0x2  }
0xbf: {  	s3 =	sand.u32 $0x4000, s31;
	s1 =	sadd.s32 s1, s30  }
0xc0: {  	s0 =	sor.u32 s3, s0;
	s1 =	sshll.u32 s1, $0x11  }
0xc1: {  	s0 =	sor.u32 s1, s0  }
0xc2: {  	s0 =	sadd.s32 $0x8F2B, s0  }
0xc3: {  	[sflag:s0] =	ssyncadd.remote.s32 $0x1  }
0xc4: {  	_ =	sfence.sel $0xFFFF  }
0xc5: {  	[dreg:$0x0] =	wrdreg $0xFFFFFFFF;
	(pc) =	sbr.abs _section_cstart, $3  }
0xc6: {  	[dreg:$0x1] =	wrdreg $0xFFFFFFFF  }
0xc7: {  	_ =	task.clear_ibuf [dreg:s7], $0x2FFFF;
	_ =	strace $0x9FFFFFFF  }
0xc8: {  	(tm) =	ssettm $0x7FFFFFFF  }
0xc9: {  	_ =	shalt  }
tec
execute0_lowered:
.L_overlay_start_1:
0x0: {  	(tag) =	ssettag $0x1  }
0x1: {  	s3 =	rddreg [dreg:$0x0]  }
0x2: {  	s5 =	rddreg [dreg:$0x1]  }
0x3: {  	s0 =	rddreg [dreg:$0x2];
	s2 =	simm.s32 $0x0  }
0x4: {  	s4 =	srdreg.scid;
	s1 =	stileid.u32;
	s12 =	simm.s32 $0x3  }
0x5: {  	s13 =	simm.s32 $0x0;
	[smem:$0x7FF] =	sst s2;
	s4 =	sand.u32 $0x1, s4  }
0x6: {  	s6 =	sshll.u32 s1, $0x1;
	s7 =	sadd.s32 $0x2600, s3;
	s25 =	ssub.s32 $0x2, s4  }
0x7: {  	_ =	strace $0x80000047;
	s4 =	sor.u32 s4, s6;
	s26 =	sshrl.u32 s25, $0x1  }
0x8: {  	s8 =	sor.u32 $0x20, s4;
	s9 =	smul.u32 $0xA00, s4;
	s11 =	sshll.u32 s4, $0x4  }
0x9: {  	s10 =	ssub.s32 s25, s26;
	s28 =	smul.u32 $0xA00, s8;
	s8 =	sshll.u32 s8, $0x4  }
0xa: {  	s29 =	sand.u32 $0x70, s11;
	s3 =	sadd.s32 s7, s9;
	s30 =	sand.u32 $0x380, s8  }
0xb: {  	s31 =	sadd.s32 s5, s29;
	s5 =	sadd.s32 s5, s11;
	s8 =	simm.s32 $0x5000  }
0xc: {  	s9 =	simm.s32 $0x1;
	s11 =	simm.s32 $0xA000;
	s4 =	sadd.s32 s7, s28  }
0xd: {  	s6 =	sadd.s32 s30, s31;
	s7 =	smax.u32 s10, $0x1;
	s10 =	simm.s32 $0x2  }
.LBB2_1:
0xe: {  	[tilespmem:s2], [sflag:$0x1] =	stream.linear.gather [hbm4b:s3+s2], $0x5000, $0x38;
	[tilespmem:$0xA080] =	vst v63  }
0xf: {  	_ = 	snop  }
0x10: {  	[tilespmem:s8], [sflag:$0x2] =	stream.linear.gather [hbm4b:s4+s2], $0x5000, $0x38;
	[tilespmem:$0xA080] =	vst v63  }
0x11: {  	_ =	swait.ge [sflag:s9], $0x5000  }
0x12: {  	[sflag:s9] =	ssyncset.done $0x0  }
0x13: {  	[sflag:s9] =	ssyncadd.s32 $0xFFFFB000  }
0x14: {  	_ =	swait.ge [sflag:s10], $0x5000  }
0x15: {  	[sflag:s10] =	ssyncset.done $0x0  }
0x16: {  	s14 =	simm.s32 $0x0;
	[sflag:s10] =	ssyncadd.s32 $0xFFFFB000  }
0x17: {  	v0 =	vld [tilespmem:s14+$0x5070]  }
0x18: {  	v1 =	vld [tilespmem:s14+$0x70]  }
0x19: {  	v2 =	vld [tilespmem:s14+$0x50]  }
0x1a: {  	v3 =	vld [tilespmem:s14+$0x5010]  }
0x1b: {  	v4 =	vld [tilespmem:s14+$0x60]  }
0x1c: {  	v5 =	vld [tilespmem:s14+$0x5050]  }
0x1d: {  	v6 =	vld [tilespmem:s14+$0x40]  }
0x1e: {  	v7 =	vld [tilespmem:s14+$0x30]  }
0x1f: {  	v9 =	vld [tilespmem:s14+$0x5020]  }
0x20: {  	v8 =	vld [tilespmem:s14+$0x0]  }
0x21: {  	v10 =	vld [tilespmem:s14+$0x20]  }
0x22: {  	v11 =	vld [tilespmem:s14+$0x5030]  }
0x23: {  	v12 =	vld [tilespmem:s14+$0x5060]  }
0x24: {  	v13 =	vld [tilespmem:s14+$0x5040]  }
0x25: {  	v14 =	vld [tilespmem:s14+$0x5000]  }
0x26: {  	v15 =	vld [tilespmem:s14+$0x10];
	_ =	sdelay $0x1  }
0x27: {  	v16 =	vmax.f32 v10, v7  }
0x28: {  	v17 =	vmax.f32 v9, v11;
	v18 =	vmax.f32 v4, v1;
	v19 =	vmax.f32 v12, v0  }
0x29: {  	v20 =	vmax.f32 v6, v2;
	v21 =	vmax.f32 v13, v5;
	v22 =	vmax.f32 v14, v3  }
0x2a: {  	v23 =	vmax.f32 v8, v15;
	v19 =	vmax.f32 v21, v19;
	v17 =	vmax.f32 v22, v17  }
0x2b: {  	v18 =	vmax.f32 v20, v18;
	v16 =	vmax.f32 v23, v16;
	v17 =	vmax.f32 v17, v19  }
0x2c: {  	v16 =	vmax.f32 v16, v18;
	(xrf0) =	vmax.scan.msk.f32 $0xffff, v17  }
0x2d: {  	(xrf0) =	vmax.scan.msk.f32 $0xffff, v16;
	_ =	sdelay $0x4  }
0x2e: {  	v16, _, _ =	vpop (xrf0)  }
0x2f: {  	v17, _, _ =	vpop (xrf0);
	(v2sf) =	vpush v16, $0xF  }
0x30: {  	(v2sf) =	vpush v17, $0xF;
	_ =	sdelay $0xd  }
0x31: {  	s15 =	spop (v2sf)  }
0x32: {  	s14 =	simm.f32 $-1.000000020e+30;
	s16 =	spop (v2sf)  }
0x33: {  	p0 =	sgt.f32 s16, s14;
	_ =	sdelay $0x1  }
0x34: {  	(xrf1) =	vsort.ascd.msk.f32 @p0 $0xffff, v6, v6  }
0x35: {  	(xrf1) =	vsort.ascd.msk.f32 @p0 $0xffff, v2, v2  }
0x36: {  	(xrf1) =	vsort.ascd.msk.f32 @p0 $0xffff, v1, v1;
	_ =	sdelay $0x2  }
0x37: {  	(xrf1) =	vsort.ascd.msk.f32 @p0 $0xffff, v7, v7  }
0x38: {  	(xrf1) =	vsort.ascd.msk.f32 @p0 $0xffff, v4, v4  }
0x39: {  	(xrf1) =	vsort.ascd.msk.f32 @p0 $0xffff, v10, v10;
	_ =	sdelay $0x2  }
0x3a: {  	v1 =	vlaneseq.u32 @p0  }
0x3b: {  	v1 =	vmul.u32 @p0 $0xFFFFFFFF, v1;
	(xrf1) =	vsort.ascd.msk.f32 @p0 $0xffff, v15, v15;
	_ =	sdelay $0x1  }
0x3c: {  	(xrf1) =	vsort.ascd.msk.f32 @p0 $0xffff, v8, v8  }
0x3d: {  	v2, _, _ =	vpop @p0 (xrf1)  }
0x3e: {  	v8 =	vadd.s32 @p0 $0xF, v1;
	v1, _, _ =	vpop @p0 (xrf1)  }
0x3f: {  	v4, _, _ =	vpop @p0 (xrf1)  }
0x40: {  	v4 =	vperm.xlane @p0 v4, v8  }
0x41: {  	v1 =	vperm.xlane @p0 v1, v8  }
0x42: {  	v6, _, _ =	vpop @p0 (xrf1)  }
0x43: {  	v6 =	vperm.xlane @p0 v6, v8;
	v1 =	vmax.f32 @p0 v2, v1;
	v2, _, _ =	vpop @p0 (xrf1)  }
0x44: {  	v2 =	vmax.f32 @p0 v2, v4;
	(xrf1) =	vsort.ascd.msk.f32 @p0 $0xffff, v1, v1;
	v4, _, _ =	vpop @p0 (xrf1)  }
0x45: {  	p1 =	sgt.f32 s15, s14;
	(xrf1) =	vsort.ascd.msk.f32 @p0 $0xffff, v2, v2;
	v1 =	vmax.f32 @p0 v4, v6  }
0x46: {  	(xrf1) =	vsort.ascd.msk.f32 @p0 $0xffff, v1, v1  }
0x47: {  	(xrf1) =	vsort.ascd.msk.f32 @p1 $0xffff, v13, v13  }
0x48: {  	v1, _, _ =	vpop @p0 (xrf1);
	(xrf1) =	vsort.ascd.msk.f32 @p1 $0xffff, v12, v12  }
0x49: {  	v1 =	vperm.xlane @p0 v1, v8;
	(xrf1) =	vsort.ascd.msk.f32 @p1 $0xffff, v5, v5  }
0x4a: {  	v2, _, _ =	vpop @p0 (xrf1);
	(xrf1) =	vsort.ascd.msk.f32 @p1 $0xffff, v11, v11  }
0x4b: {  	v1 =	vmax.f32 @p0 v2, v1;
	(xrf1) =	vsort.ascd.msk.f32 @p1 $0xffff, v0, v0  }
0x4c: {  	(xrf1) =	vsort.ascd.msk.f32 @p0 $0xffff, v1, v1;
	_ =	sdelay $0x2  }
0x4d: {  	(xrf1) =	vsort.ascd.msk.f32 @p1 $0xffff, v9, v9  }
0x4e: {  	(xrf1) =	vsort.ascd.msk.f32 @p1 $0xffff, v3, v3;
	_ =	sdelay $0x1  }
0x4f: {  	v2 =	vlaneseq.u32 @p1;
	(xrf1) =	vsort.ascd.msk.f32 @p1 $0xffff, v14, v14;
	v0, _, _ =	vpop @p0 (xrf1)  }
0x50: {  	v2 =	vmul.u32 @p1 $0xFFFFFFFF, v2;
	v1, _, _ =	vpop @p0 (xrf1)  }
0x51: {  	v3, _, _ =	vpop @p0 (xrf1)  }
0x52: {  	v4, _, _ =	vpop @p1 (xrf1)  }
0x53: {  	v5, _, _ =	vpop @p1 (xrf1)  }
0x54: {  	v11 =	vadd.s32 @p1 $0xF, v2;
	v1 =	vperm.xlane @p0 v1, v8;
	v2, _, _ =	vpop @p1 (xrf1)  }
0x55: {  	v2 =	vperm.xlane @p1 v2, v11;
	v6, _, _ =	vpop @p1 (xrf1)  }
0x56: {  	v0 =	vmax.f32 @p0 v0, v1;
	v1 =	vperm.xlane @p0 v3, v8;
	v3, _, _ =	vpop @p1 (xrf1)  }
0x57: {  	(xrf1) =	vsort.ascd.msk.f32 @p0 $0xffff, v0, v0;
	v0 =	vmax.f32 @p1 v4, v2;
	v2 =	vperm.xlane @p1 v3, v11;
	v3, _, _ =	vpop @p0 (xrf1)  }
0x58: {  	v1 =	vmax.f32 @p0 v3, v1  }
0x59: {  	(xrf1) =	vsort.ascd.msk.f32 @p1 $0xffff, v0, v0  }
0x5a: {  	v4 =	vperm.xlane @p1 v6, v11;
	v3, _, _ =	vpop @p1 (xrf1);
	v0 =	vmax.f32 @p1 v5, v2;
	(xrf1) =	vsort.ascd.msk.f32 @p0 $0xffff, v1, v1  }
0x5b: {  	(xrf1) =	vsort.ascd.msk.f32 @p1 $0xffff, v0, v0;
	v1, _, _ =	vpop @p1 (xrf1)  }
0x5c: {  	v2 =	vmax.f32 @p1 v3, v4;
	v1 =	vperm.xlane @p1 v1, v11  }
0x5d: {  	(xrf1) =	vsort.ascd.msk.f32 @p1 $0xffff, v2, v2;
	v0, _, _ =	vpop @p1 (xrf1)  }
0x5e: {  	v0 =	vmax.f32 @p1 v0, v1  }
0x5f: {  	s31 =	simm.s32 $0x80;
	(xrf1) =	vsort.ascd.msk.f32 @p1 $0xffff, v0, v0  }
0x60: {  	v18 =	vld [tilespmem:s31+$0x40]  }
0x61: {  	v16 =	vld [tilespmem:s31+$0x30]  }
0x62: {  	v17 =	vld [tilespmem:s31+$0x20]  }
0x63: {  	v10 =	vld [tilespmem:s31+$0x5040]  }
0x64: {  	v15 =	vld [tilespmem:s31+$0x0]  }
0x65: {  	v13 =	vld [tilespmem:s31+$0x60]  }
0x66: {  	v12 =	vld [tilespmem:s31+$0x70];
	v0, _, _ =	vpop @p0 (xrf1)  }
0x67: {  	v9 =	vld [tilespmem:s31+$0x5060];
	v0 =	vperm.xlane @p0 v0, v8;
	v1, _, _ =	vpop @p1 (xrf1)  }
0x68: {  	v6 =	vld [tilespmem:s31+$0x5030];
	v19, _, _ =	vpop @p0 (xrf1)  }
0x69: {  	v3 =	vld [tilespmem:s31+$0x5010];
	v7, _, _ =	vpop @p1 (xrf1);
	v0 =	vmax.f32 @p0 v19, v0  }
0x6a: {  	v5 =	vld [tilespmem:s31+$0x5050];
	v21 =	vperm.xlane @p1 v7, v11;
	(xrf1) =	vsort.ascd.msk.f32 @p0 $0xffff, v0, v0  }
0x6b: {  	v4 =	vld [tilespmem:s31+$0x5020];
	v20, _, _ =	vpop @p1 (xrf1)  }
0x6c: {  	v2 =	vld [tilespmem:s31+$0x5070];
	v20 =	vperm.xlane @p1 v20, v11;
	v0 =	vmax.f32 @p1 v1, v21  }
0x6d: {  	v19 =	vld [tilespmem:s31+$0x10];
	(xrf1) =	vsort.ascd.msk.f32 @p1 $0xffff, v0, v0;
	v22, _, _ =	vpop @p1 (xrf1)  }
0x6e: {  	v7 =	vld [tilespmem:s31+$0x5000];
	v1 =	vmax.f32 @p1 v22, v20  }
0x6f: {  	v14 =	vld [tilespmem:s31+$0x50];
	(xrf1) =	vsort.ascd.msk.f32 @p1 $0xffff, v1, v1;
	_ =	sdelay $0x1  }
0x70: {  	v23 =	vmax.f32 v10, v5;
	v21 =	vmax.f32 v9, v2  }
0x71: {  	v0 =	vmax.f32 v17, v16;
	v21 =	vmax.f32 v23, v21  }
0x72: {  	v25 =	vmax.f32 v15, v19;
	v20 =	vmax.f32 v4, v6;
	v24 =	vmax.f32 v7, v3  }
0x73: {  	v22 =	vmax.f32 v18, v14;
	v1 =	vmax.f32 v13, v12;
	v20 =	vmax.f32 v24, v20  }
0x74: {  	v0 =	vmax.f32 v25, v0;
	v22 =	vmax.f32 v22, v1;
	v21 =	vmax.f32 v20, v21  }
0x75: {  	s15 =	simm.f32 $-1.000000020e+30;
	s16 =	simm.s32 $0x400;
	v1 =	vimm.f32 $-1.000000020e+30;
	v20 =	vmax.f32 v0, v22;
	(xrf0) =	vmax.scan.msk.f32 $0xffff, v21;
	v0 =	vimm.f32 $-1.000000020e+30  }
.LBB2_2:
0x76: {  	_ = 	snop  }
0x77: {  	(xrf0) =	vmax.scan.msk.f32 $0xffff, v20;
	s17 =	smov.u32 s16;
	s16 =	sadd.s32 $0x200, s16;
	v20, _, _ =	vpop @p0 (xrf1)  }
0x78: {  	p2 =	sne.s32 s16, $0x14000;
	v8 =	vperm.xlane @p0 v20, v8;
	_ =	sdelay $0x1  }
0x79: {  	v22 =	vmax.f32 @p0 v1, v8;
	v20, _, _ =	vpop @p1 (xrf1)  }
0x7a: {  	v21, _, _ =	vpop (xrf0);
	v20 =	vperm.xlane @p1 v20, v11;
	(xrf1) =	vsort.ascd.msk.f32 @p0 $0xffff, v22, v22  }
0x7b: {  	v8, _, _ =	vpop @p1 (xrf1)  }
0x7c: {  	v22, _, _ =	vpop (xrf0);
	v8 =	vmax.f32 @p1 v8, v20  }
0x7d: {  	(v2sf) =	vpush v21, $0xF;
	(xrf1) =	vsort.ascd.msk.f32 @p1 $0xffff, v8, v8;
	_ =	sdelay $0xa  }
0x7e: {  	vm0 =	vcmask @p0 $0x171C;
	v8, _, _ =	vpop @p0 (xrf1)  }
0x7f: {  	v20 =	vsel @p0 vm0, $0xF149F2CA, v8;
	v1 =	vpsel p0, v8, v1  }
0x80: {  	(xrf0) =	vmax.scan.msk.f32 @p0 $0xffff, v20  }
0x81: {  	v8, _, _ =	vpop @p1 (xrf1)  }
0x82: {  	s18 =	spop (v2sf);
	v8 =	vperm.xlane @p1 v8, v11;
	_ =	sdelay $0x1  }
0x83: {  	v11 =	vmax.f32 @p1 v0, v8  }
0x84: {  	(xrf1) =	vsort.ascd.msk.f32 @p1 $0xffff, v11, v11  }
0x85: {  	v8, _, _ =	vpop @p0 (xrf0)  }
0x86: {  	(v2sf) =	vpush @p0 v8, $0xF  }
0x87: {  	(v2sf) =	vpush v22, $0xF;
	_ =	sdelay $0xa  }
0x88: {  	vm0 =	vcmask @p1 $0x171C;
	v8, _, _ =	vpop @p1 (xrf1)  }
0x89: {  	v11 =	vsel @p1 vm0, $0xF149F2CA, v8;
	v0 =	vpsel p1, v8, v0  }
0x8a: {  	(xrf0) =	vmax.scan.msk.f32 @p1 $0xffff, v11  }
0x8b: {  	s19 =	spop @p0 (v2sf)  }
0x8c: {  	s20 =	spop (v2sf);
	s14 =	smov.u32 @p0 s19  }
0x8d: {  	p0 =	sgt.f32 s20, s14;
	_ =	sdelay $0x1  }
0x8e: {  	v8 =	vlaneseq.u32 @p0;
	(xrf1) =	vsort.ascd.msk.f32 @p0 $0xffff, v18, v18  }
0x8f: {  	v8 =	vmul.u32 @p0 $0xFFFFFFFF, v8;
	(xrf1) =	vsort.ascd.msk.f32 @p0 $0xffff, v14, v14;
	v11, _, _ =	vpop @p1 (xrf0)  }
0x90: {  	(xrf1) =	vsort.ascd.msk.f32 @p0 $0xffff, v12, v12;
	(v2sf) =	vpush @p1 v11, $0xF  }
0x91: {  	(xrf1) =	vsort.ascd.msk.f32 @p0 $0xffff, v16, v16  }
0x92: {  	(xrf1) =	vsort.ascd.msk.f32 @p0 $0xffff, v13, v13  }
0x93: {  	(xrf1) =	vsort.ascd.msk.f32 @p0 $0xffff, v17, v17  }
0x94: {  	(xrf1) =	vsort.ascd.msk.f32 @p0 $0xffff, v19, v19  }
0x95: {  	(xrf1) =	vsort.ascd.msk.f32 @p0 $0xffff, v15, v15;
	_ =	sdelay $0x6  }
0x96: {  	v11, _, _ =	vpop @p0 (xrf1)  }
0x97: {  	v8 =	vadd.s32 @p0 $0xF, v8;
	v12, _, _ =	vpop @p0 (xrf1)  }
0x98: {  	v15 =	vperm.xlane @p0 v12, v8;
	v13, _, _ =	vpop @p0 (xrf1)  }
0x99: {  	v16 =	vperm.xlane @p0 v13, v8;
	v14, _, _ =	vpop @p0 (xrf1);
	s19 =	spop @p1 (v2sf)  }
0x9a: {  	v14 =	vperm.xlane @p0 v14, v8;
	v11 =	vmax.f32 @p0 v11, v15;
	v12, _, _ =	vpop @p0 (xrf1);
	s15 =	smov.u32 @p1 s19  }
0x9b: {  	v12 =	vmax.f32 @p0 v12, v16;
	v13, _, _ =	vpop @p0 (xrf1);
	(xrf1) =	vsort.ascd.msk.f32 @p0 $0xffff, v11, v11  }
0x9c: {  	p1 =	sgt.f32 s18, s15;
	v11 =	vmax.f32 @p0 v13, v14;
	v13, _, _ =	vpop @p0 (xrf1);
	(xrf1) =	vsort.ascd.msk.f32 @p0 $0xffff, v12, v12  }
0x9d: {  	v12 =	vperm.xlane @p0 v13, v8;
	v13, _, _ =	vpop @p0 (xrf1);
	(xrf1) =	vsort.ascd.msk.f32 @p0 $0xffff, v11, v11  }
0x9e: {  	v11 =	vlaneseq.u32 @p1;
	(xrf1) =	vsort.ascd.msk.f32 @p1 $0xffff, v10, v10  }
0x9f: {  	v11 =	vmul.u32 @p1 $0xFFFFFFFF, v11;
	v10 =	vmax.f32 @p0 v13, v12;
	(xrf1) =	vsort.ascd.msk.f32 @p1 $0xffff, v9, v9  }
0xa0: {  	(xrf1) =	vsort.ascd.msk.f32 @p1 $0xffff, v5, v5  }
0xa1: {  	v11 =	vadd.s32 @p1 $0xF, v11;
	(xrf1) =	vsort.ascd.msk.f32 @p1 $0xffff, v6, v6  }
0xa2: {  	(xrf1) =	vsort.ascd.msk.f32 @p1 $0xffff, v2, v2  }
0xa3: {  	(xrf1) =	vsort.ascd.msk.f32 @p0 $0xffff, v10, v10  }
0xa4: {  	(xrf1) =	vsort.ascd.msk.f32 @p1 $0xffff, v4, v4  }
0xa5: {  	(xrf1) =	vsort.ascd.msk.f32 @p1 $0xffff, v3, v3  }
0xa6: {  	(xrf1) =	vsort.ascd.msk.f32 @p1 $0xffff, v7, v7;
	_ =	sdelay $0x2  }
0xa7: {  	v2, _, _ =	vpop @p0 (xrf1)  }
0xa8: {  	v3, _, _ =	vpop @p0 (xrf1)  }
0xa9: {  	v6 =	vperm.xlane @p0 v3, v8;
	v4, _, _ =	vpop @p0 (xrf1)  }
0xaa: {  	v5, _, _ =	vpop @p1 (xrf1)  }
0xab: {  	v7 =	vmax.f32 @p0 v2, v6;
	v3, _, _ =	vpop @p1 (xrf1)  }
0xac: {  	(xrf1) =	vsort.ascd.msk.f32 @p0 $0xffff, v7, v7;
	v2, _, _ =	vpop @p1 (xrf1)  }
0xad: {  	v2 =	vperm.xlane @p1 v2, v11;
	v6, _, _ =	vpop @p1 (xrf1)  }
0xae: {  	v12 =	vperm.xlane @p0 v4, v8;
	v6 =	vperm.xlane @p1 v6, v11;
	v7, _, _ =	vpop @p1 (xrf1)  }
0xaf: {  	v2 =	vmax.f32 @p1 v5, v2;
	v10 =	vperm.xlane @p1 v7, v11;
	v7, _, _ =	vpop @p0 (xrf1)  }
0xb0: {  	v9 =	vmax.f32 @p0 v7, v12;
	v7, _, _ =	vpop @p1 (xrf1);
	(xrf1) =	vsort.ascd.msk.f32 @p1 $0xffff, v2, v2  }
0xb1: {  	v2 =	vmax.f32 @p1 v7, v6;
	v3 =	vmax.f32 @p1 v3, v10;
	(xrf1) =	vsort.ascd.msk.f32 @p0 $0xffff, v9, v9;
	v4, _, _ =	vpop @p1 (xrf1)  }
0xb2: {  	v4 =	vperm.xlane @p1 v4, v11;
	v5, _, _ =	vpop @p1 (xrf1);
	(xrf1) =	vsort.ascd.msk.f32 @p1 $0xffff, v3, v3  }
0xb3: {  	(xrf1) =	vsort.ascd.msk.f32 @p1 $0xffff, v2, v2  }
0xb4: {  	v2 =	vmax.f32 @p1 v5, v4  }
0xb5: {  	s17 =	sshra.s32 s17, $0x2;
	(xrf1) =	vsort.ascd.msk.f32 @p1 $0xffff, v2, v2  }
0xb6: {  	v2 =	vld [tilespmem:s17+$0x5070]  }
0xb7: {  	v12 =	vld [tilespmem:s17+$0x70]  }
0xb8: {  	v14 =	vld [tilespmem:s17+$0x50]  }
0xb9: {  	v3 =	vld [tilespmem:s17+$0x5010]  }
0xba: {  	v13 =	vld [tilespmem:s17+$0x60];
	v4, _, _ =	vpop @p0 (xrf1)  }
0xbb: {  	v5 =	vld [tilespmem:s17+$0x5050];
	v6 =	vperm.xlane @p0 v4, v8  }
0xbc: {  	v18 =	vld [tilespmem:s17+$0x40]  }
0xbd: {  	v16 =	vld [tilespmem:s17+$0x30]  }
0xbe: {  	v4 =	vld [tilespmem:s17+$0x5020];
	v7, _, _ =	vpop @p1 (xrf1)  }
0xbf: {  	v15 =	vld [tilespmem:s17+$0x0];
	v9, _, _ =	vpop @p0 (xrf1)  }
0xc0: {  	v17 =	vld [tilespmem:s17+$0x20];
	v9 =	vmax.f32 @p0 v9, v6;
	v10, _, _ =	vpop @p1 (xrf1)  }
0xc1: {  	v6 =	vld [tilespmem:s17+$0x5030];
	v19 =	vperm.xlane @p1 v10, v11;
	(xrf1) =	vsort.ascd.msk.f32 @p0 $0xffff, v9, v9;
	v10, _, _ =	vpop @p1 (xrf1)  }
0xc2: {  	v9 =	vld [tilespmem:s17+$0x5060];
	v20 =	vperm.xlane @p1 v10, v11  }
0xc3: {  	v10 =	vld [tilespmem:s17+$0x5040];
	v7 =	vmax.f32 @p1 v7, v19;
	v21, _, _ =	vpop @p1 (xrf1)  }
0xc4: {  	v19 =	vld [tilespmem:s17+$0x10];
	v20 =	vmax.f32 @p1 v21, v20;
	(xrf1) =	vsort.ascd.msk.f32 @p1 $0xffff, v7, v7  }
0xc5: {  	v7 =	vld [tilespmem:s17+$0x5000];
	v21 =	vmax.f32 v17, v16  }
0xc6: {  	v22 =	vmax.f32 v4, v6;
	(xrf1) =	vsort.ascd.msk.f32 @p1 $0xffff, v20, v20  }
0xc7: {  	v20 =	vmax.f32 v13, v12;
	v23 =	vmax.f32 v9, v2  }
0xc8: {  	v24 =	vmax.f32 v18, v14;
	v25 =	vmax.f32 v10, v5  }
.Ltmp0:
0xc9: {  	v20 =	vmax.f32 v24, v20;
	v26 =	vmax.f32 v15, v19;
	v23 =	vmax.f32 v25, v23;
	(pc) =	sbr.rel @p2 .LBB2_2-.Ltmp0, $4  }
0xca: {  	v21 =	vmax.f32 v26, v21;
	v24 =	vmax.f32 v7, v3  }
0xcb: {  	v20 =	vmax.f32 v21, v20;
	v21 =	vmax.f32 v24, v22  }
0xcc: {  	v21 =	vmax.f32 v21, v23  }
0xcd: {  	(xrf0) =	vmax.scan.msk.f32 $0xffff, v21  }
0xce: {  	_ = 	snop  }
0xcf: {  	v21, _, _ =	vpop @p0 (xrf1)  }
0xd0: {  	v8 =	vperm.xlane @p0 v21, v8;
	_ =	sdelay $0x1  }
0xd1: {  	v8 =	vmax.f32 @p0 v1, v8  }
0xd2: {  	v21, _, _ =	vpop @p1 (xrf1);
	(xrf1) =	vsort.ascd.msk.f32 @p0 $0xffff, v8, v8  }
0xd3: {  	v8 =	vperm.xlane @p1 v21, v11  }
0xd4: {  	v21, _, _ =	vpop @p1 (xrf1)  }
0xd5: {  	v8 =	vmax.f32 @p1 v21, v8  }
0xd6: {  	(xrf1) =	vsort.ascd.msk.f32 @p1 $0xffff, v8, v8;
	_ =	sdelay $0x9  }
0xd7: {  	vm0 =	vcmask @p0 $0x171C;
	v8, _, _ =	vpop @p0 (xrf1)  }
0xd8: {  	(xrf0) =	vmax.scan.msk.f32 $0xffff, v20;
	v20 =	vsel @p0 vm0, $0xF149F2CA, v8;
	_ =	sdelay $0x2  }
0xd9: {  	(xrf0) =	vmax.scan.msk.f32 @p0 $0xffff, v20;
	v20, _, _ =	vpop @p1 (xrf1)  }
0xda: {  	v11 =	vperm.xlane @p1 v20, v11;
	_ =	sdelay $0x1  }
0xdb: {  	v11 =	vmax.f32 @p1 v0, v11  }
0xdc: {  	v58, _, _ =	vpop (xrf0)  }
0xdd: {  	v59, _, _ =	vpop (xrf0)  }
0xde: {  	(v2sf) =	vpush v58, $0xF;
	(xrf1) =	vsort.ascd.msk.f32 @p1 $0xffff, v11, v11;
	v11, _, _ =	vpop @p0 (xrf0)  }
0xdf: {  	(v2sf) =	vpush @p0 v11, $0xF  }
0xe0: {  	(v2sf) =	vpush v59, $0xF;
	_ =	sdelay $0xc  }
0xe1: {  	s16 =	spop (v2sf)  }
0xe2: {  	vm0 =	vcmask @p1 $0x171C;
	v11, _, _ =	vpop @p1 (xrf1);
	s17 =	spop @p0 (v2sf)  }
0xe3: {  	v20 =	vsel @p1 vm0, $0xF149F2CA, v11;
	s18 =	spop (v2sf);
	s14 =	smov.u32 @p0 s17  }
0xe4: {  	(xrf0) =	vmax.scan.msk.f32 @p1 $0xffff, v20;
	p2 =	sgt.f32 s18, s14;
	_ =	sdelay $0x1  }
0xe5: {  	(xrf1) =	vsort.ascd.msk.f32 @p2 $0xffff, v18, v18  }
0xe6: {  	(xrf1) =	vsort.ascd.msk.f32 @p2 $0xffff, v14, v14  }
0xe7: {  	(xrf1) =	vsort.ascd.msk.f32 @p2 $0xffff, v12, v12;
	_ =	sdelay $0x1  }
0xe8: {  	v14, _, _ =	vpop @p1 (xrf0)  }
0xe9: {  	(v2sf) =	vpush @p1 v14, $0xF;
	(xrf1) =	vsort.ascd.msk.f32 @p2 $0xffff, v16, v16  }
0xea: {  	(xrf1) =	vsort.ascd.msk.f32 @p2 $0xffff, v13, v13  }
0xeb: {  	(xrf1) =	vsort.ascd.msk.f32 @p2 $0xffff, v17, v17;
	_ =	sdelay $0x3  }
0xec: {  	(xrf1) =	vsort.ascd.msk.f32 @p2 $0xffff, v19, v19  }
0xed: {  	v12 =	vlaneseq.u32 @p2  }
0xee: {  	v12 =	vmul.u32 @p2 $0xFFFFFFFF, v12;
	(xrf1) =	vsort.ascd.msk.f32 @p2 $0xffff, v15, v15  }
0xef: {  	v13, _, _ =	vpop @p2 (xrf1)  }
0xf0: {  	v12 =	vadd.s32 @p2 $0xF, v12;
	v14, _, _ =	vpop @p2 (xrf1)  }
0xf1: {  	v14 =	vperm.xlane @p2 v14, v12;
	v15, _, _ =	vpop @p2 (xrf1)  }
0xf2: {  	v15 =	vperm.xlane @p2 v15, v12;
	_ =	sdelay $0x1  }
0xf3: {  	v16, _, _ =	vpop @p2 (xrf1)  }
0xf4: {  	s14 =	spop @p1 (v2sf);
	v16 =	vperm.xlane @p2 v16, v12;
	v13 =	vmax.f32 @p2 v13, v14;
	v14, _, _ =	vpop @p2 (xrf1)  }
0xf5: {  	s15 =	smov.u32 @p1 s14;
	(xrf1) =	vsort.ascd.msk.f32 @p2 $0xffff, v13, v13;
	v14 =	vmax.f32 @p2 v14, v15;
	v15, _, _ =	vpop @p2 (xrf1)  }
0xf6: {  	p3 =	sgt.f32 s16, s15;
	v13 =	vmax.f32 @p2 v15, v16;
	(xrf1) =	vsort.ascd.msk.f32 @p2 $0xffff, v14, v14  }
0xf7: {  	(xrf1) =	vsort.ascd.msk.f32 @p2 $0xffff, v13, v13  }
0xf8: {  	(xrf1) =	vsort.ascd.msk.f32 @p3 $0xffff, v10, v10  }
0xf9: {  	v10, _, _ =	vpop @p2 (xrf1);
	(xrf1) =	vsort.ascd.msk.f32 @p3 $0xffff, v9, v9  }
0xfa: {  	v9 =	vperm.xlane @p2 v10, v12;
	(xrf1) =	vsort.ascd.msk.f32 @p3 $0xffff, v5, v5  }
0xfb: {  	v5, _, _ =	vpop @p2 (xrf1);
	(xrf1) =	vsort.ascd.msk.f32 @p3 $0xffff, v6, v6  }
0xfc: {  	v5 =	vmax.f32 @p2 v5, v9;
	(xrf1) =	vsort.ascd.msk.f32 @p3 $0xffff, v2, v2  }
0xfd: {  	(xrf1) =	vsort.ascd.msk.f32 @p2 $0xffff, v5, v5;
	_ =	sdelay $0x2  }
0xfe: {  	(xrf1) =	vsort.ascd.msk.f32 @p3 $0xffff, v4, v4  }
0xff: {  	(xrf1) =	vsort.ascd.msk.f32 @p3 $0xffff, v3, v3;
	_ =	sdelay $0x1  }
0x100: {  	(xrf1) =	vsort.ascd.msk.f32 @p3 $0xffff, v7, v7;
	v2, _, _ =	vpop @p2 (xrf1)  }
0x101: {  	v3, _, _ =	vpop @p2 (xrf1)  }
0x102: {  	v4 =	vlaneseq.u32 @p3;
	v5, _, _ =	vpop @p2 (xrf1)  }
0x103: {  	v4 =	vmul.u32 @p3 $0xFFFFFFFF, v4;
	v6, _, _ =	vpop @p3 (xrf1)  }
0x104: {  	v7, _, _ =	vpop @p3 (xrf1)  }
0x105: {  	v4 =	vadd.s32 @p3 $0xF, v4;
	v3 =	vperm.xlane @p2 v3, v12;
	v9, _, _ =	vpop @p3 (xrf1)  }
0x106: {  	v9 =	vperm.xlane @p3 v9, v4;
	v10, _, _ =	vpop @p3 (xrf1)  }
0x107: {  	v2 =	vmax.f32 @p2 v2, v3;
	v3 =	vperm.xlane @p2 v5, v12;
	v5, _, _ =	vpop @p3 (xrf1)  }
0x108: {  	(xrf1) =	vsort.ascd.msk.f32 @p2 $0xffff, v2, v2;
	v2 =	vmax.f32 @p3 v6, v9;
	v6, _, _ =	vpop @p2 (xrf1)  }
0x109: {  	v5 =	vperm.xlane @p3 v5, v4;
	v3 =	vmax.f32 @p2 v6, v3  }
0x10a: {  	(xrf1) =	vsort.ascd.msk.f32 @p3 $0xffff, v2, v2  }
0x10b: {  	v2 =	vperm.xlane @p3 v10, v4;
	v6, _, _ =	vpop @p3 (xrf1);
	v5 =	vmax.f32 @p3 v7, v5;
	(xrf1) =	vsort.ascd.msk.f32 @p2 $0xffff, v3, v3  }
0x10c: {  	(xrf1) =	vsort.ascd.msk.f32 @p3 $0xffff, v5, v5;
	v3, _, _ =	vpop @p3 (xrf1)  }
0x10d: {  	v2 =	vmax.f32 @p3 v6, v2;
	v3 =	vperm.xlane @p3 v3, v4  }
0x10e: {  	(xrf1) =	vsort.ascd.msk.f32 @p3 $0xffff, v2, v2;
	v5, _, _ =	vpop @p3 (xrf1)  }
0x10f: {  	v2 =	vmax.f32 @p3 v5, v3  }
0x110: {  	(xrf1) =	vsort.ascd.msk.f32 @p3 $0xffff, v2, v2;
	_ =	sdelay $0x6  }
0x111: {  	v2, _, _ =	vpop @p2 (xrf1)  }
0x112: {  	v3, _, _ =	vpop @p3 (xrf1)  }
0x113: {  	v5, _, _ =	vpop @p2 (xrf1)  }
0x114: {  	v2 =	vperm.xlane @p2 v2, v12;
	v6, _, _ =	vpop @p3 (xrf1)  }
0x115: {  	v6 =	vperm.xlane @p3 v6, v4  }
0x116: {  	v2 =	vmax.f32 @p2 v5, v2;
	v5, _, _ =	vpop @p3 (xrf1)  }
0x117: {  	(xrf1) =	vsort.ascd.msk.f32 @p2 $0xffff, v2, v2;
	v2 =	vperm.xlane @p3 v5, v4;
	v3 =	vmax.f32 @p3 v3, v6  }
0x118: {  	(xrf1) =	vsort.ascd.msk.f32 @p3 $0xffff, v3, v3;
	v5, _, _ =	vpop @p3 (xrf1)  }
0x119: {  	v2 =	vmax.f32 @p3 v5, v2  }
0x11a: {  	(xrf1) =	vsort.ascd.msk.f32 @p3 $0xffff, v2, v2;
	_ =	sdelay $0xa  }
0x11b: {  	v2, _, _ =	vpop @p2 (xrf1)  }
0x11c: {  	v2 =	vperm.xlane @p2 v2, v12;
	v3, _, _ =	vpop @p3 (xrf1)  }
0x11d: {  	v1 =	vpsel p0, v8, v1;
	v3 =	vperm.xlane @p3 v3, v4  }
0x11e: {  	v2 =	vmax.f32 @p2 v1, v2;
	v5, _, _ =	vpop @p3 (xrf1)  }
0x11f: {  	(xrf1) =	vsort.ascd.msk.f32 @p2 $0xffff, v2, v2;
	v2 =	vmax.f32 @p3 v5, v3  }
0x120: {  	(xrf1) =	vsort.ascd.msk.f32 @p3 $0xffff, v2, v2;
	_ =	sdelay $0xc  }
0x121: {  	v2, _, _ =	vpop @p2 (xrf1)  }
0x122: {  	v3, _, _ =	vpop @p3 (xrf1)  }
0x123: {  	v3 =	vperm.xlane @p3 v3, v4  }
0x124: {  	v0 =	vpsel p1, v11, v0  }
0x125: {  	v3 =	vmax.f32 @p3 v0, v3  }
0x126: {  	(xrf1) =	vsort.ascd.msk.f32 @p3 $0xffff, v3, v3;
	_ =	sdelay $0xa  }
0x127: {  	vm15 =	vmmov $0x3f;
	v1 =	vpsel p2, v2, v1  }
0x128: {  	v1 =	vsel vm15, $0x0, v1  }
0x129: {  	vm1 =	vcmask @p2 $0x171C;
	(xrf2) =	vadd.scan.msk.f32 $0xffff, v1  }
0x12a: {  	v1 =	vsel @p2 vm1, $0xF149F2CA, v2;
	vm1 =	vcmask @p3 $0x171C;
	v2, _, _ =	vpop @p3 (xrf1)  }
0x12b: {  	(xrf0) =	vmax.scan.msk.f32 @p2 $0xffff, v1;
	v3 =	vsel @p3 vm1, $0xF149F2CA, v2;
	v0 =	vpsel p3, v2, v0  }
0x12c: {  	(xrf0) =	vmax.scan.msk.f32 @p3 $0xffff, v3;
	v0 =	vsel vm15, $0x0, v0  }
0x12d: {  	(xrf2) =	vadd.scan.msk.f32 $0xffff, v0;
	_ =	sdelay $0x3  }
0x12e: {  	v0, _, _ =	vpop @p2 (xrf0)  }
0x12f: {  	(v2sf) =	vpush @p2 v0, $0xF;
	v0, _, _ =	vpop @p3 (xrf0)  }
0x130: {  	v60, _, _ =	vpop (xrf2);
	(v2sf) =	vpush @p3 v0, $0xF  }
0x131: {  	(v2sf) =	vpush v60, $0xF;
	_ =	sdelay $0x2  }
0x132: {  	v61, _, _ =	vpop (xrf2)  }
0x133: {  	(v2sf) =	vpush v61, $0xF;
	_ =	sdelay $0x8  }
0x134: {  	s14 =	spop @p2 (v2sf)  }
0x135: {  	s14 =	spop @p3 (v2sf)  }
0x136: {  	s14 =	spop (v2sf)  }
0x137: {  	s26 =	scvt.f32.s32 s14;
	_ =	sdelay $0x1  }
0x138: {  	s28 =	scvt.s32.f32 s26  }
0x139: {  	s29 =	spop (v2sf)  }
0x13a: {  	p0 =	slt.f32 s14, s28;
	s30 =	scvt.f32.s32 s29  }
0x13b: {  	s16 =	simm.s32 $0x1  }
0x13c: {  	s16 =	simm.s32 @!p0 $0x0;
	s31 =	scvt.s32.f32 s30  }
0x13d: {  	s15 =	ssub.s32 s26, s16  }
0x13e: {  	p0 =	sgt.s32 s15, $0x1;
	p1 =	slt.f32 s29, s31  }
0x13f: {  	s16 =	simm.s32 $0x1;
	s15 =	simm.s32 @!p0 $0x1  }
0x140: {  	s15 =	scvt.s32.f32 s15;
	s16 =	simm.s32 @!p1 $0x0  }
0x141: {  	s14 =	ssub.s32 s30, s16  }
0x142: {  	v62 =	vmov s15;
	p0 =	sgt.s32 s14, $0x1  }
0x143: {  	[tilespmem:$0xA000] =	vst v62;
	s14 =	simm.s32 @!p0 $0x1  }
0x144: {  	[hbm4b:s5+s2] =	stream.linear.scatter [tilespmem:s11], [sflag:$0x3], $0x80, $0x38;
	[tilespmem:$0xA080] =	vst v63  }
0x145: {  	s14 =	scvt.s32.f32 s14;
	_ =	swait.ge [sflag:s12], $0x80  }
0x146: {  	s13 =	sadd.s32 $0x1, s13;
	[sflag:s12] =	ssyncset.done $0x0  }
0x147: {  	p0 =	sne.s32 s13, s7;
	v63 =	vmov s14;
	[sflag:s12] =	ssyncadd.s32 $0xFFFFFF80  }
.Ltmp1:
0x148: {  	[tilespmem:$0xA000] =	vst v63;
	(pc) =	sbr.rel @p0 .LBB2_1-.Ltmp1, $4  }
0x149: {  	[hbm4b:s6+s2] =	stream.linear.scatter [tilespmem:s11], [sflag:$0x3], $0x80, $0x38;
	[tilespmem:$0xA080] =	vst v63  }
0x14a: {  	_ =	swait.ge [sflag:s12], $0x80  }
0x14b: {  	[sflag:s12] =	ssyncset.done $0x0  }
0x14c: {  	[sflag:s12] =	ssyncadd.s32 $0xFFFFFF80  }
0x14d: {  	_ =	sfence.sel $0x180000  }
0x14e: {  	[bflag:$0x0] =	sbarrier.arrive $0xFFFF  }
0x14f: {  	p0 =	sne.s32 s1, $0x0;
	_ =	strace $0x90000047  }
0x150: {  	s0 =	sadd.s32 @!p0 $0x100000, s0;
	[bflag:$0x2] =	sbarrier.arrive $0xFFFF  }
0x151: {  	[sflag:s0] =	ssyncadd.tile.s32 @!p0 $0x1;
	_ =	shalt  }
.Lfunc_end2:
_tile_overlayer_lowered:
.L_overlay_start_2:
0x152: {  	(tag) =	ssettag $0x2  }
0x153: {  	s0 =	rddreg [dreg:$0x0];
	s2 =	stileid.u32  }
0x154: {  	s1 =	rddreg [dreg:$0x1];
	p0 =	sne.s32 s2, $0x0  }
0x155: {  	s3 =	rddreg [dreg:$0x2];
	[bflag:$0x3] =	sbarrier.arrive $0xFFFF;
	s2 =	simm.s32 @!p0 $0x1C03  }
0x156: {  	[timem:s3], [sflag:s2] =	dma.local @!p0 [hbm:s0], s1  }
0x157: {  	s0 =	simm.s32 @!p0 $0x3  }
0x158: {  	_ =	swait.ge @!p0 [sflag:s0], s1  }
0x159: {  	s1 =	ssub.s32 @!p0 $0x0, s1;
	[sflag:s0] =	ssyncset.done @!p0 $0x0  }
0x15a: {  	[sflag:s0] =	ssyncadd.s32 @!p0 s1  }
0x15b: {  	[bflag:$0x3] =	sbarrier.arrive $0xFFFF  }
0x15c: {  	_ =	shalt  }

</sc_bundles>
